<compile_context>
chip_gen: v7x
topology: tpu7x:2x2x1
jax: 0.10.2.dev20260603
libtpu: 0.0.44.dev20260713+nightly
codegen_flags: <defaults>
</compile_context>

<pallas_src>
import functools

import jax
import jax.numpy as jnp
from jax import lax
from jax.experimental import pallas as pl
from jax.experimental.pallas import tpu as pltpu
from jax.experimental.pallas import tpu_sc as plsc

N = 10000
E = 320000
D = 128
R = 32
B = 4
BS = D // B

HD = D // 2
NS = 16
CH = 250
K = 80
RP = R + 1
NT = 2000
NPAD = 10240

_SC_PARAMS = pltpu.CompilerParams(use_tc_tiling_on_sc=False)


RB = 8


def _h_body(x_ref, w_ref, h_ref):
    z = jnp.zeros((BS, BS), jnp.float32)
    for k in range(RB):
        rows = [
            jnp.concatenate(
                [w_ref[k, bb] if cc == bb else z for cc in range(B)], axis=1)
            for bb in range(B)
        ]
        bd = jnp.concatenate(rows, axis=0)
        h_ref[k] = jnp.dot(x_ref[...], bd, preferred_element_type=jnp.float32)


def _transform(x, W):
    return pl.pallas_call(
        _h_body,
        grid=(N // NT, R // RB),
        in_specs=[
            pl.BlockSpec((NT, D), lambda n, r: (n, 0)),
            pl.BlockSpec((RB, B, BS, BS), lambda n, r: (r, 0, 0, 0)),
        ],
        out_specs=pl.BlockSpec((RB, NT, D), lambda n, r: (r, n, 0)),
        out_shape=jax.ShapeDtypeStruct((R, N, D), jnp.float32),
    )(x, W)


def _deg_body(dsts, zdeg, deg_out, dst_v, ones_v, deg_sh):
    c = lax.axis_index("c")
    s = lax.axis_index("s")

    rows_per = NPAD // NS
    zsl = pl.ds(s * rows_per, rows_per)
    pltpu.sync_copy(zdeg.at[zsl], deg_sh.at[zsl])

    pltpu.sync_copy(dsts.at[s], dst_v)

    def ones_body(i, _):
        ones_v[i] = jnp.full((16,), 1.0, jnp.float32)
        return 0
    lax.fori_loop(0, K, ones_body, 0)

    plsc.subcore_barrier()

    half = CH // 2

    def chunk_body(j, _):
        pltpu.sync_copy(ones_v, deg_sh.at[dst_v.at[c * half + j]], add=True)
        return 0
    lax.fori_loop(0, half, chunk_body, 0)

    plsc.subcore_barrier()
    pltpu.sync_copy(deg_sh.at[zsl], deg_out.at[c, zsl])


def _sc_degrees(dsts):
    mesh = plsc.VectorSubcoreMesh(core_axis_name="c", subcore_axis_name="s")
    k = pl.kernel(
        _deg_body,
        out_type=jax.ShapeDtypeStruct((2, NPAD, 16), jnp.float32),
        mesh=mesh,
        scratch_types=[
            pltpu.VMEM((CH, K), jnp.int32),
            pltpu.VMEM((K, 16), jnp.float32),
            pltpu.VMEM_SHARED((NPAD, 16), jnp.float32),
        ],
        compiler_params=_SC_PARAMS,
    )
    return k(dsts, jnp.zeros((NPAD, 16), jnp.float32))


def _sc_body(table, srcs, rts, dsts, zrow, dep, agg_out,
             src_v, idx_v, dst_v, rows0, rows1, rows2, rows3, agg_sh, sem):
    del dep
    c = lax.axis_index("c")
    s = lax.axis_index("s")

    rows_per = NPAD // NS
    zsl = pl.ds(s * rows_per, rows_per)
    pltpu.sync_copy(zrow.at[zsl], agg_sh.at[zsl])
    pltpu.sync_copy(srcs.at[s], src_v)
    pltpu.sync_copy(rts.at[s], idx_v)
    pltpu.sync_copy(dsts.at[s], dst_v)

    def idx_body(j, _):
        for i in range(K // 16):
            sl = pl.ds(i * 16, 16)
            idx_v[j, sl] = (idx_v[j, sl] * N + src_v[j, sl]) * 2 + c
        return 0
    lax.fori_loop(0, CH, idx_body, 0)

    plsc.subcore_barrier()

    bufs = (rows0, rows1, rows2, rows3)
    pltpu.async_copy(table.at[idx_v.at[0]], rows0, sem)
    pltpu.async_copy(table.at[idx_v.at[1]], rows1, sem)
    pltpu.async_copy(table.at[idx_v.at[2]], rows2, sem)

    def quad_body(t, _):
        j = 4 * t
        for q in range(4):
            jj = j + q
            buf = bufs[q]
            nbuf = bufs[(q + 3) % 4]

            @pl.when(jj + 3 < CH - 2)
            def _(jj=jj, nbuf=nbuf):
                pltpu.async_copy(table.at[idx_v.at[jj + 3]], nbuf, sem)
            pltpu.make_async_copy(table.at[idx_v.at[jj]], buf, sem).wait()
            pltpu.sync_copy(buf, agg_sh.at[dst_v.at[jj]], add=True)
        return 0
    lax.fori_loop(0, CH // 4, quad_body, 0)

    pltpu.async_copy(table.at[idx_v.at[CH - 2]], rows0, sem)
    pltpu.async_copy(table.at[idx_v.at[CH - 1]], rows1, sem)
    pltpu.make_async_copy(table.at[idx_v.at[CH - 2]], rows0, sem).wait()
    pltpu.sync_copy(rows0, agg_sh.at[dst_v.at[CH - 2]], add=True)
    pltpu.make_async_copy(table.at[idx_v.at[CH - 1]], rows1, sem).wait()
    pltpu.sync_copy(rows1, agg_sh.at[dst_v.at[CH - 1]], add=True)

    plsc.subcore_barrier()
    pltpu.sync_copy(agg_sh.at[zsl], agg_out.at[c, zsl])


def _sc_gather_scatter(table, srcs, rts, dsts, zrow, dep):
    mesh = plsc.VectorSubcoreMesh(core_axis_name="c", subcore_axis_name="s")
    k = pl.kernel(
        _sc_body,
        out_type=jax.ShapeDtypeStruct((2, NPAD, HD), jnp.float32),
        mesh=mesh,
        scratch_types=[
            pltpu.VMEM((CH, K), jnp.int32),
            pltpu.VMEM((CH, K), jnp.int32),
            pltpu.VMEM((CH, K), jnp.int32),
            pltpu.VMEM((K, HD), jnp.float32),
            pltpu.VMEM((K, HD), jnp.float32),
            pltpu.VMEM((K, HD), jnp.float32),
            pltpu.VMEM((K, HD), jnp.float32),
            pltpu.VMEM_SHARED((NPAD, HD), jnp.float32),
            pltpu.SemaphoreType.DMA,
        ],
        compiler_params=_SC_PARAMS,
    )
    return k(table, srcs, rts, dsts, zrow, dep)


def _combine_body(relu, p_ref, dp_ref, x_ref, root_ref, b_ref, o_ref):
    a0 = p_ref[0]
    a1 = p_ref[1]
    even = jnp.concatenate([a0[:, :HD], a1[:, :HD]], axis=1)
    odd = jnp.concatenate([a0[:, HD:], a1[:, HD:]], axis=1)
    agg = jnp.stack([even, odd], axis=1).reshape(NT, D)
    deg = dp_ref[0, :, 0:1] + dp_ref[1, :, 0:1]
    rootterm = jnp.dot(x_ref[...], root_ref[...],
                       preferred_element_type=jnp.float32)
    y = agg / jnp.maximum(deg, 1.0) + rootterm + b_ref[...]
    o_ref[...] = jnp.maximum(y, 0.0) if relu else y


def _combine(partials, degp, x, root, bias, relu):
    return pl.pallas_call(
        functools.partial(_combine_body, relu),
        grid=(N // NT,),
        in_specs=[
            pl.BlockSpec((2, NT // 2, D), lambda n: (0, n, 0)),
            pl.BlockSpec((2, NT, 16), lambda n: (0, n, 0)),
            pl.BlockSpec((NT, D), lambda n: (n, 0)),
            pl.BlockSpec((D, D), lambda n: (0, 0)),
            pl.BlockSpec((1, D), lambda n: (0, 0)),
        ],
        out_specs=pl.BlockSpec((NT, D), lambda n: (n, 0)),
        out_shape=jax.ShapeDtypeStruct((N, D), jnp.float32),
    )(partials.reshape(2, NPAD // 2, D), degp, x, root,
      bias.reshape(1, D))


def kernel(edge_index, edge_type, node_emb, W1, root1, b1, W2, root2, b2):
    srcs = edge_index[:, 0].reshape(NS, CH, K)
    dsts = edge_index[:, 1].reshape(NS, CH, K)
    rts = edge_type.reshape(NS, CH, K)

    degp = _sc_degrees(dsts)
    H1 = _transform(node_emb, W1)
    dep = degp[:1, :8, :16]
    zrow = jnp.zeros((NPAD, HD), jnp.float32)
    agg1 = _sc_gather_scatter(H1.reshape(R * N * 2, HD), srcs, rts, dsts,
                              zrow, dep)
    x1 = _combine(agg1, degp, node_emb, root1, b1, relu=True)

    H2 = _transform(x1, W2)
    agg2 = _sc_gather_scatter(H2.reshape(R * N * 2, HD), srcs, rts, dsts,
                              zrow, dep)
    return _combine(agg2, degp, x1, root2, b2, relu=False)

# --- scband reference (transcript-rebuilt; emitter-appended) ---
"""Pipeline reference for scband-rgcnencoder-66735201845307 (READ-ONLY COPY).

The authoritative reference and input builder live on the scoring server;
editing this copy changes nothing except your own understanding.
"""

import jax, jax.numpy as jnp
import numpy as np

N = 10000
E = 320000
D = 128
R = 32
B = 4
BS = D // B


def setup_inputs(seed: int = 0):
    key = jax.random.key(seed)
    ks = jax.random.split(key, 7)
    edge_index = jax.random.randint(ks[0], (E, 2), 0, N, dtype=jnp.int32)
    edge_type = jax.random.randint(ks[1], (E,), 0, R, dtype=jnp.int32)
    a = float(np.sqrt(6.0 / (N + D)))
    node_emb = jax.random.uniform(ks[2], (N, D), minval=-a, maxval=a, dtype=jnp.float32)
    W1 = jax.random.normal(ks[3], (R, B, BS, BS), dtype=jnp.float32) / np.sqrt(BS)
    root1 = jax.random.normal(ks[4], (D, D), dtype=jnp.float32) / np.sqrt(D)
    b1 = jnp.zeros((D,), jnp.float32)
    W2 = jax.random.normal(ks[5], (R, B, BS, BS), dtype=jnp.float32) / np.sqrt(BS)
    root2 = jax.random.normal(ks[6], (D, D), dtype=jnp.float32) / np.sqrt(D)
    b2 = jnp.zeros((D,), jnp.float32)
    return {"edge_index": edge_index, "edge_type": edge_type, "node_emb": node_emb,
            "W1": W1, "root1": root1, "b1": b1, "W2": W2, "root2": root2, "b2": b2}


def _rgcn_conv(x, edge_index, edge_type, W, root, bias):
    # Block-diagonal R-GCN conv (PyG RGCNConv with num_blocks, aggr='mean').
    src = edge_index[:, 0]
    dst = edge_index[:, 1]
    xb = x.reshape(N, B, BS)
    # Per-relation block-diagonal transform of all node features: [R, N, D]
    H = jnp.einsum('nbi,rbij->rnbj', xb, W).reshape(R, N, D)
    # Gather transformed source features per edge by (relation, src): [E, D]
    msg = H[edge_type, src]
    agg = jax.ops.segment_sum(msg, dst, num_segments=N)
    deg = jax.ops.segment_sum(jnp.ones((E,), x.dtype), dst, num_segments=N)
    agg = agg / jnp.maximum(deg, 1.0)[:, None]
    return agg + x @ root + bias


def reference(edge_index, edge_type, node_emb, W1, root1, b1, W2, root2, b2):
    # forward: embed nodes, two RGCN layers with relu (+dropout identity in eval)
    x = _rgcn_conv(node_emb, edge_index, edge_type, W1, root1, b1)
    x = jax.nn.relu(x)
    x = _rgcn_conv(x, edge_index, edge_type, W2, root2, b2)
    return x

if __name__ == "__main__":
    import jax
    _d = setup_inputs()
    print(jax.jit(kernel)(*tuple(_d.values())))

</pallas_src>

<mosaic_0001>
#map = affine_map<(d0, d1) -> (0, 0)>
#map1 = affine_map<(d0, d1) -> (0, 0, 0)>
module attributes {stable_mosaic.version = 14 : i64} {
  func.func @_sc_body(%arg0: i32, %arg1: i32, %arg2: memref<640000x64xf32, #tpu.memory_space<hbm>>, %arg3: memref<16x250x80xi32, #tpu.memory_space<hbm>>, %arg4: memref<16x250x80xi32, #tpu.memory_space<hbm>>, %arg5: memref<16x250x80xi32, #tpu.memory_space<hbm>>, %arg6: memref<10240x64xf32, #tpu.memory_space<hbm>>, %arg7: memref<1x8x16xf32, #tpu.memory_space<hbm>>, %arg8: memref<2x10240x64xf32, #tpu.memory_space<hbm>>, %arg9: memref<250x80xi32, #tpu.memory_space<vmem>>, %arg10: memref<250x80xi32, #tpu.memory_space<vmem>>, %arg11: memref<250x80xi32, #tpu.memory_space<vmem>>, %arg12: memref<80x64xf32, #tpu.memory_space<vmem>>, %arg13: memref<80x64xf32, #tpu.memory_space<vmem>>, %arg14: memref<80x64xf32, #tpu.memory_space<vmem>>, %arg15: memref<80x64xf32, #tpu.memory_space<vmem>>, %arg16: memref<10240x64xf32, #tpu.memory_space<vmem_shared>>, %arg17: memref<!tpu.dma_semaphore, #tpu.memory_space<semaphore_mem>>) attributes {dimension_semantics = [#tpu.dimension_semantics<core_parallel>, #tpu.dimension_semantics<subcore_parallel>], iteration_bounds = array<i64: 2, 16>, scalar_prefetch = 0 : i64, scratch_operands = 9 : i64, tpu.core_type = #tpu.core_type<sc_vector_subcore>, window_params = [{transform_indices = #map}, {transform_indices = #map1}, {transform_indices = #map1}, {transform_indices = #map1}, {transform_indices = #map}, {transform_indices = #map1}, {transform_indices = #map1}]} {
    %mul3A = arith.constant 640 : i32
    %mul3A_0 = arith.muli %arg1, %mul3A : i32
    "tpu.region"() ({
      %run_scoped3A_63 = tpu.sem_alloc : memref<!tpu.dma_semaphore, #tpu.memory_space<semaphore_mem>>
      %dma_start3A_64 = arith.constant 0 : i32
      %dma_start3A_65 = tpu.memref_slice %arg16[%mul3A_0, %dma_start3A_64] : memref<10240x64xf32, #tpu.memory_space<vmem_shared>> -> memref<640x64xf32, #tpu.memory_space<vmem_shared>>
      %dma_start3A_66 = arith.constant 0 : i32
      %dma_start3A_67 = tpu.memref_slice %arg6[%mul3A_0, %dma_start3A_66] : memref<10240x64xf32, #tpu.memory_space<hbm>> -> memref<640x64xf32, #tpu.memory_space<hbm>>
      tpu.enqueue_dma source(%dma_start3A_67 : memref<640x64xf32, #tpu.memory_space<hbm>>) target(%dma_start3A_65 : memref<640x64xf32, #tpu.memory_space<vmem_shared>>) target_semaphore(%run_scoped3A_63 : memref<!tpu.dma_semaphore, #tpu.memory_space<semaphore_mem>>)
      %dma_wait3A_68 = arith.constant 0 : i32
      %dma_wait3A_69 = tpu.memref_slice %arg16[%mul3A_0, %dma_wait3A_68] : memref<10240x64xf32, #tpu.memory_space<vmem_shared>> -> memref<640x64xf32, #tpu.memory_space<vmem_shared>>
      %dma_wait3A_70 = arith.constant 0 : i32
      %dma_wait3A_71 = tpu.memref_slice %arg6[%mul3A_0, %dma_wait3A_70] : memref<10240x64xf32, #tpu.memory_space<hbm>> -> memref<640x64xf32, #tpu.memory_space<hbm>>
      tpu.wait_dma2 semaphore(%run_scoped3A_63 : memref<!tpu.dma_semaphore, #tpu.memory_space<semaphore_mem>>) src(%dma_wait3A_71 : memref<640x64xf32, #tpu.memory_space<hbm>>) dst(%dma_wait3A_69 : memref<640x64xf32, #tpu.memory_space<vmem_shared>>)
      tpu.yield
    }) : () -> ()
    "tpu.region"() ({
      %run_scoped3A_63 = tpu.sem_alloc : memref<!tpu.dma_semaphore, #tpu.memory_space<semaphore_mem>>
      %dma_start3A_64 = arith.constant 0 : i32
      %dma_start3A_65 = arith.constant 0 : i32
      %dma_start3A_66 = tpu.memref_slice %arg3[%arg1, %dma_start3A_64, %dma_start3A_65] : memref<16x250x80xi32, #tpu.memory_space<hbm>> -> memref<1x250x80xi32, #tpu.memory_space<hbm>>
      %dma_start3A_67 = tpu.memref_squeeze %dma_start3A_66 : memref<1x250x80xi32, #tpu.memory_space<hbm>> -> memref<250x80xi32, #tpu.memory_space<hbm>>
      %dma_start3A_68 = arith.constant 0 : i32
      %dma_start3A_69 = arith.constant 0 : i32
      %dma_start3A_70 = tpu.memref_slice %arg3[%arg1, %dma_start3A_68, %dma_start3A_69] : memref<16x250x80xi32, #tpu.memory_space<hbm>> -> memref<1x250x80xi32, #tpu.memory_space<hbm>>
      %dma_start3A_71 = tpu.memref_squeeze %dma_start3A_70 : memref<1x250x80xi32, #tpu.memory_space<hbm>> -> memref<250x80xi32, #tpu.memory_space<hbm>>
      tpu.enqueue_dma source(%dma_start3A_71 : memref<250x80xi32, #tpu.memory_space<hbm>>) target(%arg9 : memref<250x80xi32, #tpu.memory_space<vmem>>) target_semaphore(%run_scoped3A_63 : memref<!tpu.dma_semaphore, #tpu.memory_space<semaphore_mem>>)
      %dma_wait3A_72 = arith.constant 0 : i32
      %dma_wait3A_73 = arith.constant 0 : i32
      %dma_wait3A_74 = tpu.memref_slice %arg3[%arg1, %dma_wait3A_72, %dma_wait3A_73] : memref<16x250x80xi32, #tpu.memory_space<hbm>> -> memref<1x250x80xi32, #tpu.memory_space<hbm>>
      %dma_wait3A_75 = tpu.memref_squeeze %dma_wait3A_74 : memref<1x250x80xi32, #tpu.memory_space<hbm>> -> memref<250x80xi32, #tpu.memory_space<hbm>>
      %dma_wait3A_76 = arith.constant 0 : i32
      %dma_wait3A_77 = arith.constant 0 : i32
      %dma_wait3A_78 = tpu.memref_slice %arg3[%arg1, %dma_wait3A_76, %dma_wait3A_77] : memref<16x250x80xi32, #tpu.memory_space<hbm>> -> memref<1x250x80xi32, #tpu.memory_space<hbm>>
      %dma_wait3A_79 = tpu.memref_squeeze %dma_wait3A_78 : memref<1x250x80xi32, #tpu.memory_space<hbm>> -> memref<250x80xi32, #tpu.memory_space<hbm>>
      tpu.wait_dma2 semaphore(%run_scoped3A_63 : memref<!tpu.dma_semaphore, #tpu.memory_space<semaphore_mem>>) src(%dma_wait3A_79 : memref<250x80xi32, #tpu.memory_space<hbm>>) dst(%arg9 : memref<250x80xi32, #tpu.memory_space<vmem>>)
      tpu.yield
    }) : () -> ()
    "tpu.region"() ({
      %run_scoped3A_63 = tpu.sem_alloc : memref<!tpu.dma_semaphore, #tpu.memory_space<semaphore_mem>>
      %dma_start3A_64 = arith.constant 0 : i32
      %dma_start3A_65 = arith.constant 0 : i32
      %dma_start3A_66 = tpu.memref_slice %arg4[%arg1, %dma_start3A_64, %dma_start3A_65] : memref<16x250x80xi32, #tpu.memory_space<hbm>> -> memref<1x250x80xi32, #tpu.memory_space<hbm>>
      %dma_start3A_67 = tpu.memref_squeeze %dma_start3A_66 : memref<1x250x80xi32, #tpu.memory_space<hbm>> -> memref<250x80xi32, #tpu.memory_space<hbm>>
      %dma_start3A_68 = arith.constant 0 : i32
      %dma_start3A_69 = arith.constant 0 : i32
      %dma_start3A_70 = tpu.memref_slice %arg4[%arg1, %dma_start3A_68, %dma_start3A_69] : memref<16x250x80xi32, #tpu.memory_space<hbm>> -> memref<1x250x80xi32, #tpu.memory_space<hbm>>
      %dma_start3A_71 = tpu.memref_squeeze %dma_start3A_70 : memref<1x250x80xi32, #tpu.memory_space<hbm>> -> memref<250x80xi32, #tpu.memory_space<hbm>>
      tpu.enqueue_dma source(%dma_start3A_71 : memref<250x80xi32, #tpu.memory_space<hbm>>) target(%arg10 : memref<250x80xi32, #tpu.memory_space<vmem>>) target_semaphore(%run_scoped3A_63 : memref<!tpu.dma_semaphore, #tpu.memory_space<semaphore_mem>>)
      %dma_wait3A_72 = arith.constant 0 : i32
      %dma_wait3A_73 = arith.constant 0 : i32
      %dma_wait3A_74 = tpu.memref_slice %arg4[%arg1, %dma_wait3A_72, %dma_wait3A_73] : memref<16x250x80xi32, #tpu.memory_space<hbm>> -> memref<1x250x80xi32, #tpu.memory_space<hbm>>
      %dma_wait3A_75 = tpu.memref_squeeze %dma_wait3A_74 : memref<1x250x80xi32, #tpu.memory_space<hbm>> -> memref<250x80xi32, #tpu.memory_space<hbm>>
      %dma_wait3A_76 = arith.constant 0 : i32
      %dma_wait3A_77 = arith.constant 0 : i32
      %dma_wait3A_78 = tpu.memref_slice %arg4[%arg1, %dma_wait3A_76, %dma_wait3A_77] : memref<16x250x80xi32, #tpu.memory_space<hbm>> -> memref<1x250x80xi32, #tpu.memory_space<hbm>>
      %dma_wait3A_79 = tpu.memref_squeeze %dma_wait3A_78 : memref<1x250x80xi32, #tpu.memory_space<hbm>> -> memref<250x80xi32, #tpu.memory_space<hbm>>
      tpu.wait_dma2 semaphore(%run_scoped3A_63 : memref<!tpu.dma_semaphore, #tpu.memory_space<semaphore_mem>>) src(%dma_wait3A_79 : memref<250x80xi32, #tpu.memory_space<hbm>>) dst(%arg10 : memref<250x80xi32, #tpu.memory_space<vmem>>)
      tpu.yield
    }) : () -> ()
    "tpu.region"() ({
      %run_scoped3A_63 = tpu.sem_alloc : memref<!tpu.dma_semaphore, #tpu.memory_space<semaphore_mem>>
      %dma_start3A_64 = arith.constant 0 : i32
      %dma_start3A_65 = arith.constant 0 : i32
      %dma_start3A_66 = tpu.memref_slice %arg5[%arg1, %dma_start3A_64, %dma_start3A_65] : memref<16x250x80xi32, #tpu.memory_space<hbm>> -> memref<1x250x80xi32, #tpu.memory_space<hbm>>
      %dma_start3A_67 = tpu.memref_squeeze %dma_start3A_66 : memref<1x250x80xi32, #tpu.memory_space<hbm>> -> memref<250x80xi32, #tpu.memory_space<hbm>>
      %dma_start3A_68 = arith.constant 0 : i32
      %dma_start3A_69 = arith.constant 0 : i32
      %dma_start3A_70 = tpu.memref_slice %arg5[%arg1, %dma_start3A_68, %dma_start3A_69] : memref<16x250x80xi32, #tpu.memory_space<hbm>> -> memref<1x250x80xi32, #tpu.memory_space<hbm>>
      %dma_start3A_71 = tpu.memref_squeeze %dma_start3A_70 : memref<1x250x80xi32, #tpu.memory_space<hbm>> -> memref<250x80xi32, #tpu.memory_space<hbm>>
      tpu.enqueue_dma source(%dma_start3A_71 : memref<250x80xi32, #tpu.memory_space<hbm>>) target(%arg11 : memref<250x80xi32, #tpu.memory_space<vmem>>) target_semaphore(%run_scoped3A_63 : memref<!tpu.dma_semaphore, #tpu.memory_space<semaphore_mem>>)
      %dma_wait3A_72 = arith.constant 0 : i32
      %dma_wait3A_73 = arith.constant 0 : i32
      %dma_wait3A_74 = tpu.memref_slice %arg5[%arg1, %dma_wait3A_72, %dma_wait3A_73] : memref<16x250x80xi32, #tpu.memory_space<hbm>> -> memref<1x250x80xi32, #tpu.memory_space<hbm>>
      %dma_wait3A_75 = tpu.memref_squeeze %dma_wait3A_74 : memref<1x250x80xi32, #tpu.memory_space<hbm>> -> memref<250x80xi32, #tpu.memory_space<hbm>>
      %dma_wait3A_76 = arith.constant 0 : i32
      %dma_wait3A_77 = arith.constant 0 : i32
      %dma_wait3A_78 = tpu.memref_slice %arg5[%arg1, %dma_wait3A_76, %dma_wait3A_77] : memref<16x250x80xi32, #tpu.memory_space<hbm>> -> memref<1x250x80xi32, #tpu.memory_space<hbm>>
      %dma_wait3A_79 = tpu.memref_squeeze %dma_wait3A_78 : memref<1x250x80xi32, #tpu.memory_space<hbm>> -> memref<250x80xi32, #tpu.memory_space<hbm>>
      tpu.wait_dma2 semaphore(%run_scoped3A_63 : memref<!tpu.dma_semaphore, #tpu.memory_space<semaphore_mem>>) src(%dma_wait3A_79 : memref<250x80xi32, #tpu.memory_space<hbm>>) dst(%arg11 : memref<250x80xi32, #tpu.memory_space<vmem>>)
      tpu.yield
    }) : () -> ()
    %scan3A = arith.constant 0 : i32
    %scan3A_1 = arith.constant 0 : i32
    %scan3A_2 = arith.constant 250 : i32
    %scan3A_3 = arith.addi %scan3A_1, %scan3A_2 : i32
    %scan3A_4 = arith.constant 1 : i32
    %scan3A_5 = scf.for %scan3A_63 = %scan3A_1 to %scan3A_3 step %scan3A_4 iter_args(%scan3A_64 = %scan3A) -> (i32)  : i32 {
      %get3A = arith.index_cast %scan3A_63 : i32 to index
      %get3A_65 = arith.constant 0 : index
      %get3A_66 = tpu.vector_load %arg10[%get3A, %get3A_65] {strides = array<i32>} : memref<250x80xi32, #tpu.memory_space<vmem>>, vector<1x16xi32>,
      %get3A_67 = vector.shape_cast %get3A_66 : vector<1x16xi32> to vector<16xi32>
      %mul3A_68 = arith.constant 10000 : i32
      %mul3A_69 = vector.broadcast %mul3A_68 : i32 to vector<16xi32>
      %mul3A_70 = arith.muli %get3A_67, %mul3A_69 : vector<16xi32>
      %get3A_71 = arith.index_cast %scan3A_63 : i32 to index
      %get3A_72 = arith.constant 0 : index
      %get3A_73 = tpu.vector_load %arg9[%get3A_71, %get3A_72] {strides = array<i32>} : memref<250x80xi32, #tpu.memory_space<vmem>>, vector<1x16xi32>,
      %get3A_74 = vector.shape_cast %get3A_73 : vector<1x16xi32> to vector<16xi32>
      %add3A = arith.addi %mul3A_70, %get3A_74 : vector<16xi32>
      %mul3A_75 = arith.constant 2 : i32
      %mul3A_76 = vector.broadcast %mul3A_75 : i32 to vector<16xi32>
      %mul3A_77 = arith.muli %add3A, %mul3A_76 : vector<16xi32>
      %add3A_78 = vector.broadcast %arg0 : i32 to vector<16xi32>
      %add3A_79 = arith.addi %mul3A_77, %add3A_78 : vector<16xi32>
      %swap3A = arith.index_cast %scan3A_63 : i32 to index
      %swap3A_80 = arith.constant 0 : index
      %swap3A_81 = tpu.vector_load %arg10[%swap3A, %swap3A_80] {strides = array<i32>} : memref<250x80xi32, #tpu.memory_space<vmem>>, vector<1x16xi32>,
      %swap3A_82 = vector.shape_cast %swap3A_81 : vector<1x16xi32> to vector<16xi32>
      %swap3A_83 = vector.shape_cast %add3A_79 : vector<16xi32> to vector<1x16xi32>
      tpu.vector_store %arg10[%swap3A, %swap3A_80], %swap3A_83 {strides = array<i32>} : memref<250x80xi32, #tpu.memory_space<vmem>>, vector<1x16xi32>,
      %get3A_84 = arith.index_cast %scan3A_63 : i32 to index
      %get3A_85 = arith.constant 16 : index
      %get3A_86 = tpu.vector_load %arg10[%get3A_84, %get3A_85] {strides = array<i32>} : memref<250x80xi32, #tpu.memory_space<vmem>>, vector<1x16xi32>,
      %get3A_87 = vector.shape_cast %get3A_86 : vector<1x16xi32> to vector<16xi32>
      %mul3A_88 = arith.constant 10000 : i32
      %mul3A_89 = vector.broadcast %mul3A_88 : i32 to vector<16xi32>
      %mul3A_90 = arith.muli %get3A_87, %mul3A_89 : vector<16xi32>
      %get3A_91 = arith.index_cast %scan3A_63 : i32 to index
      %get3A_92 = arith.constant 16 : index
      %get3A_93 = tpu.vector_load %arg9[%get3A_91, %get3A_92] {strides = array<i32>} : memref<250x80xi32, #tpu.memory_space<vmem>>, vector<1x16xi32>,
      %get3A_94 = vector.shape_cast %get3A_93 : vector<1x16xi32> to vector<16xi32>
      %add3A_95 = arith.addi %mul3A_90, %get3A_94 : vector<16xi32>
      %mul3A_96 = arith.constant 2 : i32
      %mul3A_97 = vector.broadcast %mul3A_96 : i32 to vector<16xi32>
      %mul3A_98 = arith.muli %add3A_95, %mul3A_97 : vector<16xi32>
      %add3A_99 = vector.broadcast %arg0 : i32 to vector<16xi32>
      %add3A_100 = arith.addi %mul3A_98, %add3A_99 : vector<16xi32>
      %swap3A_101 = arith.index_cast %scan3A_63 : i32 to index
      %swap3A_102 = arith.constant 16 : index
      %swap3A_103 = tpu.vector_load %arg10[%swap3A_101, %swap3A_102] {strides = array<i32>} : memref<250x80xi32, #tpu.memory_space<vmem>>, vector<1x16xi32>,
      %swap3A_104 = vector.shape_cast %swap3A_103 : vector<1x16xi32> to vector<16xi32>
      %swap3A_105 = vector.shape_cast %add3A_100 : vector<16xi32> to vector<1x16xi32>
      tpu.vector_store %arg10[%swap3A_101, %swap3A_102], %swap3A_105 {strides = array<i32>} : memref<250x80xi32, #tpu.memory_space<vmem>>, vector<1x16xi32>,
      %get3A_106 = arith.index_cast %scan3A_63 : i32 to index
      %get3A_107 = arith.constant 32 : index
      %get3A_108 = tpu.vector_load %arg10[%get3A_106, %get3A_107] {strides = array<i32>} : memref<250x80xi32, #tpu.memory_space<vmem>>, vector<1x16xi32>,
      %get3A_109 = vector.shape_cast %get3A_108 : vector<1x16xi32> to vector<16xi32>
      %mul3A_110 = arith.constant 10000 : i32
      %mul3A_111 = vector.broadcast %mul3A_110 : i32 to vector<16xi32>
      %mul3A_112 = arith.muli %get3A_109, %mul3A_111 : vector<16xi32>
      %get3A_113 = arith.index_cast %scan3A_63 : i32 to index
      %get3A_114 = arith.constant 32 : index
      %get3A_115 = tpu.vector_load %arg9[%get3A_113, %get3A_114] {strides = array<i32>} : memref<250x80xi32, #tpu.memory_space<vmem>>, vector<1x16xi32>,
      %get3A_116 = vector.shape_cast %get3A_115 : vector<1x16xi32> to vector<16xi32>
      %add3A_117 = arith.addi %mul3A_112, %get3A_116 : vector<16xi32>
      %mul3A_118 = arith.constant 2 : i32
      %mul3A_119 = vector.broadcast %mul3A_118 : i32 to vector<16xi32>
      %mul3A_120 = arith.muli %add3A_117, %mul3A_119 : vector<16xi32>
      %add3A_121 = vector.broadcast %arg0 : i32 to vector<16xi32>
      %add3A_122 = arith.addi %mul3A_120, %add3A_121 : vector<16xi32>
      %swap3A_123 = arith.index_cast %scan3A_63 : i32 to index
      %swap3A_124 = arith.constant 32 : index
      %swap3A_125 = tpu.vector_load %arg10[%swap3A_123, %swap3A_124] {strides = array<i32>} : memref<250x80xi32, #tpu.memory_space<vmem>>, vector<1x16xi32>,
      %swap3A_126 = vector.shape_cast %swap3A_125 : vector<1x16xi32> to vector<16xi32>
      %swap3A_127 = vector.shape_cast %add3A_122 : vector<16xi32> to vector<1x16xi32>
      tpu.vector_store %arg10[%swap3A_123, %swap3A_124], %swap3A_127 {strides = array<i32>} : memref<250x80xi32, #tpu.memory_space<vmem>>, vector<1x16xi32>,
      %get3A_128 = arith.index_cast %scan3A_63 : i32 to index
      %get3A_129 = arith.constant 48 : index
      %get3A_130 = tpu.vector_load %arg10[%get3A_128, %get3A_129] {strides = array<i32>} : memref<250x80xi32, #tpu.memory_space<vmem>>, vector<1x16xi32>,
      %get3A_131 = vector.shape_cast %get3A_130 : vector<1x16xi32> to vector<16xi32>
      %mul3A_132 = arith.constant 10000 : i32
      %mul3A_133 = vector.broadcast %mul3A_132 : i32 to vector<16xi32>
      %mul3A_134 = arith.muli %get3A_131, %mul3A_133 : vector<16xi32>
      %get3A_135 = arith.index_cast %scan3A_63 : i32 to index
      %get3A_136 = arith.constant 48 : index
      %get3A_137 = tpu.vector_load %arg9[%get3A_135, %get3A_136] {strides = array<i32>} : memref<250x80xi32, #tpu.memory_space<vmem>>, vector<1x16xi32>,
      %get3A_138 = vector.shape_cast %get3A_137 : vector<1x16xi32> to vector<16xi32>
      %add3A_139 = arith.addi %mul3A_134, %get3A_138 : vector<16xi32>
      %mul3A_140 = arith.constant 2 : i32
      %mul3A_141 = vector.broadcast %mul3A_140 : i32 to vector<16xi32>
      %mul3A_142 = arith.muli %add3A_139, %mul3A_141 : vector<16xi32>
      %add3A_143 = vector.broadcast %arg0 : i32 to vector<16xi32>
      %add3A_144 = arith.addi %mul3A_142, %add3A_143 : vector<16xi32>
      %swap3A_145 = arith.index_cast %scan3A_63 : i32 to index
      %swap3A_146 = arith.constant 48 : index
      %swap3A_147 = tpu.vector_load %arg10[%swap3A_145, %swap3A_146] {strides = array<i32>} : memref<250x80xi32, #tpu.memory_space<vmem>>, vector<1x16xi32>,
      %swap3A_148 = vector.shape_cast %swap3A_147 : vector<1x16xi32> to vector<16xi32>
      %swap3A_149 = vector.shape_cast %add3A_144 : vector<16xi32> to vector<1x16xi32>
      tpu.vector_store %arg10[%swap3A_145, %swap3A_146], %swap3A_149 {strides = array<i32>} : memref<250x80xi32, #tpu.memory_space<vmem>>, vector<1x16xi32>,
      %get3A_150 = arith.index_cast %scan3A_63 : i32 to index
      %get3A_151 = arith.constant 64 : index
      %get3A_152 = tpu.vector_load %arg10[%get3A_150, %get3A_151] {strides = array<i32>} : memref<250x80xi32, #tpu.memory_space<vmem>>, vector<1x16xi32>,
      %get3A_153 = vector.shape_cast %get3A_152 : vector<1x16xi32> to vector<16xi32>
      %mul3A_154 = arith.constant 10000 : i32
      %mul3A_155 = vector.broadcast %mul3A_154 : i32 to vector<16xi32>
      %mul3A_156 = arith.muli %get3A_153, %mul3A_155 : vector<16xi32>
      %get3A_157 = arith.index_cast %scan3A_63 : i32 to index
      %get3A_158 = arith.constant 64 : index
      %get3A_159 = tpu.vector_load %arg9[%get3A_157, %get3A_158] {strides = array<i32>} : memref<250x80xi32, #tpu.memory_space<vmem>>, vector<1x16xi32>,
      %get3A_160 = vector.shape_cast %get3A_159 : vector<1x16xi32> to vector<16xi32>
      %add3A_161 = arith.addi %mul3A_156, %get3A_160 : vector<16xi32>
      %mul3A_162 = arith.constant 2 : i32
      %mul3A_163 = vector.broadcast %mul3A_162 : i32 to vector<16xi32>
      %mul3A_164 = arith.muli %add3A_161, %mul3A_163 : vector<16xi32>
      %add3A_165 = vector.broadcast %arg0 : i32 to vector<16xi32>
      %add3A_166 = arith.addi %mul3A_164, %add3A_165 : vector<16xi32>
      %swap3A_167 = arith.index_cast %scan3A_63 : i32 to index
      %swap3A_168 = arith.constant 64 : index
      %swap3A_169 = tpu.vector_load %arg10[%swap3A_167, %swap3A_168] {strides = array<i32>} : memref<250x80xi32, #tpu.memory_space<vmem>>, vector<1x16xi32>,
      %swap3A_170 = vector.shape_cast %swap3A_169 : vector<1x16xi32> to vector<16xi32>
      %swap3A_171 = vector.shape_cast %add3A_166 : vector<16xi32> to vector<1x16xi32>
      tpu.vector_store %arg10[%swap3A_167, %swap3A_168], %swap3A_171 {strides = array<i32>} : memref<250x80xi32, #tpu.memory_space<vmem>>, vector<1x16xi32>,
      %scan3A_172 = arith.constant 0 : i32
      scf.yield %scan3A_172 : i32
    }
    %scan3A_6 = arith.constant 250 : i32
    %barrier3A = arith.constant 0 : index
    tpu.barrier barrier_id(%barrier3A)
    %dma_start3A = arith.constant 0 : i32
    %dma_start3A_7 = arith.constant 0 : i32
    %dma_start3A_8 = tpu.memref_slice %arg10[%dma_start3A, %dma_start3A_7] : memref<250x80xi32, #tpu.memory_space<vmem>> -> memref<1x80xi32, #tpu.memory_space<vmem>>
    %dma_start3A_9 = tpu.memref_squeeze %dma_start3A_8 : memref<1x80xi32, #tpu.memory_space<vmem>> -> memref<80xi32, #tpu.memory_space<vmem>>
    %dma_start3A_10 = arith.constant 0 : i32
    %dma_start3A_11 = arith.constant 0 : i32
    %dma_start3A_12 = tpu.memref_slice %arg2[%dma_start3A_10, %dma_start3A_11] : memref<640000x64xf32, #tpu.memory_space<hbm>> -> memref<640000x64xf32, #tpu.memory_space<hbm>>
    tpu.enqueue_indirect_dma source(%dma_start3A_12 : memref<640000x64xf32, #tpu.memory_space<hbm>>) target(%arg12 : memref<80x64xf32, #tpu.memory_space<vmem>>) offsets(%dma_start3A_9 : memref<80xi32, #tpu.memory_space<vmem>>) semaphore(%arg17 : memref<!tpu.dma_semaphore, #tpu.memory_space<semaphore_mem>>)
    %dma_start3A_13 = arith.constant 1 : i32
    %dma_start3A_14 = arith.constant 0 : i32
    %dma_start3A_15 = tpu.memref_slice %arg10[%dma_start3A_13, %dma_start3A_14] : memref<250x80xi32, #tpu.memory_space<vmem>> -> memref<1x80xi32, #tpu.memory_space<vmem>>
    %dma_start3A_16 = tpu.memref_squeeze %dma_start3A_15 : memref<1x80xi32, #tpu.memory_space<vmem>> -> memref<80xi32, #tpu.memory_space<vmem>>
    %dma_start3A_17 = arith.constant 0 : i32
    %dma_start3A_18 = arith.constant 0 : i32
    %dma_start3A_19 = tpu.memref_slice %arg2[%dma_start3A_17, %dma_start3A_18] : memref<640000x64xf32, #tpu.memory_space<hbm>> -> memref<640000x64xf32, #tpu.memory_space<hbm>>
    tpu.enqueue_indirect_dma source(%dma_start3A_19 : memref<640000x64xf32, #tpu.memory_space<hbm>>) target(%arg13 : memref<80x64xf32, #tpu.memory_space<vmem>>) offsets(%dma_start3A_16 : memref<80xi32, #tpu.memory_space<vmem>>) semaphore(%arg17 : memref<!tpu.dma_semaphore, #tpu.memory_space<semaphore_mem>>)
    %dma_start3A_20 = arith.constant 2 : i32
    %dma_start3A_21 = arith.constant 0 : i32
    %dma_start3A_22 = tpu.memref_slice %arg10[%dma_start3A_20, %dma_start3A_21] : memref<250x80xi32, #tpu.memory_space<vmem>> -> memref<1x80xi32, #tpu.memory_space<vmem>>
    %dma_start3A_23 = tpu.memref_squeeze %dma_start3A_22 : memref<1x80xi32, #tpu.memory_space<vmem>> -> memref<80xi32, #tpu.memory_space<vmem>>
    %dma_start3A_24 = arith.constant 0 : i32
    %dma_start3A_25 = arith.constant 0 : i32
    %dma_start3A_26 = tpu.memref_slice %arg2[%dma_start3A_24, %dma_start3A_25] : memref<640000x64xf32, #tpu.memory_space<hbm>> -> memref<640000x64xf32, #tpu.memory_space<hbm>>
    tpu.enqueue_indirect_dma source(%dma_start3A_26 : memref<640000x64xf32, #tpu.memory_space<hbm>>) target(%arg14 : memref<80x64xf32, #tpu.memory_space<vmem>>) offsets(%dma_start3A_23 : memref<80xi32, #tpu.memory_space<vmem>>) semaphore(%arg17 : memref<!tpu.dma_semaphore, #tpu.memory_space<semaphore_mem>>)
    %scan3A_27 = arith.constant 0 : i32
    %scan3A_28 = arith.constant 0 : i32
    %scan3A_29 = arith.constant 62 : i32
    %scan3A_30 = arith.addi %scan3A_28, %scan3A_29 : i32
    %scan3A_31 = arith.constant 1 : i32
    %scan3A_32 = scf.for %scan3A_63 = %scan3A_28 to %scan3A_30 step %scan3A_31 iter_args(%scan3A_64 = %scan3A_27) -> (i32)  : i32 {
      %mul3A_65 = arith.constant 4 : i32
      %mul3A_66 = arith.muli %mul3A_65, %scan3A_63 : i32
      %add3A = arith.constant 0 : i32
      %add3A_67 = arith.addi %mul3A_66, %add3A : i32
      %add3A_68 = arith.constant 3 : i32
      %add3A_69 = arith.addi %add3A_67, %add3A_68 : i32
      %lt3A = arith.constant 248 : i32
      %lt3A_70 = arith.cmpi slt, %add3A_69, %lt3A : i32
      %convert_element_type3A = arith.extui %lt3A_70 : i1 to i32
      %cond3A = arith.constant 0 : i32
      %cond3A_71 = arith.cmpi ne, %convert_element_type3A, %cond3A : i32
      scf.if %cond3A_71 {
        %add3A_124 = arith.constant 3 : i32
        %add3A_125 = arith.addi %add3A_67, %add3A_124 : i32
        %dma_start3A_126 = arith.constant 0 : i32
        %dma_start3A_127 = tpu.memref_slice %arg10[%add3A_125, %dma_start3A_126] : memref<250x80xi32, #tpu.memory_space<vmem>> -> memref<1x80xi32, #tpu.memory_space<vmem>>
        %dma_start3A_128 = tpu.memref_squeeze %dma_start3A_127 : memref<1x80xi32, #tpu.memory_space<vmem>> -> memref<80xi32, #tpu.memory_space<vmem>>
        %dma_start3A_129 = arith.constant 0 : i32
        %dma_start3A_130 = arith.constant 0 : i32
        %dma_start3A_131 = tpu.memref_slice %arg2[%dma_start3A_129, %dma_start3A_130] : memref<640000x64xf32, #tpu.memory_space<hbm>> -> memref<640000x64xf32, #tpu.memory_space<hbm>>
        tpu.enqueue_indirect_dma source(%dma_start3A_131 : memref<640000x64xf32, #tpu.memory_space<hbm>>) target(%arg15 : memref<80x64xf32, #tpu.memory_space<vmem>>) offsets(%dma_start3A_128 : memref<80xi32, #tpu.memory_space<vmem>>) semaphore(%arg17 : memref<!tpu.dma_semaphore, #tpu.memory_space<semaphore_mem>>)
      } else {
      }
      %dma_wait3A_72 = arith.constant 0 : i32
      %dma_wait3A_73 = tpu.memref_slice %arg10[%add3A_67, %dma_wait3A_72] : memref<250x80xi32, #tpu.memory_space<vmem>> -> memref<1x80xi32, #tpu.memory_space<vmem>>
      %dma_wait3A_74 = tpu.memref_squeeze %dma_wait3A_73 : memref<1x80xi32, #tpu.memory_space<vmem>> -> memref<80xi32, #tpu.memory_space<vmem>>
      %dma_wait3A_75 = arith.constant 0 : i32
      %dma_wait3A_76 = arith.constant 0 : i32
      %dma_wait3A_77 = tpu.memref_slice %arg2[%dma_wait3A_75, %dma_wait3A_76] : memref<640000x64xf32, #tpu.memory_space<hbm>> -> memref<640000x64xf32, #tpu.memory_space<hbm>>
      tpu.wait_indirect_dma semaphore(%arg17 : memref<!tpu.dma_semaphore, #tpu.memory_space<semaphore_mem>>) src(%dma_wait3A_77 : memref<640000x64xf32, #tpu.memory_space<hbm>>) dst(%arg12 : memref<80x64xf32, #tpu.memory_space<vmem>>)
      "tpu.region"() ({
        %run_scoped3A_124 = tpu.sem_alloc : memref<!tpu.dma_semaphore, #tpu.memory_space<semaphore_mem>>
        %dma_start3A_125 = arith.constant 0 : i32
        %dma_start3A_126 = tpu.memref_slice %arg11[%add3A_67, %dma_start3A_125] : memref<250x80xi32, #tpu.memory_space<vmem>> -> memref<1x80xi32, #tpu.memory_space<vmem>>
        %dma_start3A_127 = tpu.memref_squeeze %dma_start3A_126 : memref<1x80xi32, #tpu.memory_space<vmem>> -> memref<80xi32, #tpu.memory_space<vmem>>
        %dma_start3A_128 = arith.constant 0 : i32
        %dma_start3A_129 = arith.constant 0 : i32
        %dma_start3A_130 = tpu.memref_slice %arg16[%dma_start3A_128, %dma_start3A_129] : memref<10240x64xf32, #tpu.memory_space<vmem_shared>> -> memref<10240x64xf32, #tpu.memory_space<vmem_shared>>
        tpu.enqueue_indirect_dma source(%arg12 : memref<80x64xf32, #tpu.memory_space<vmem>>) target(%dma_start3A_130 : memref<10240x64xf32, #tpu.memory_space<vmem_shared>>) offsets(%dma_start3A_127 : memref<80xi32, #tpu.memory_space<vmem>>) semaphore(%run_scoped3A_124 : memref<!tpu.dma_semaphore, #tpu.memory_space<semaphore_mem>>) {add = true}
        %dma_wait3A_131 = arith.constant 0 : i32
        %dma_wait3A_132 = tpu.memref_slice %arg11[%add3A_67, %dma_wait3A_131] : memref<250x80xi32, #tpu.memory_space<vmem>> -> memref<1x80xi32, #tpu.memory_space<vmem>>
        %dma_wait3A_133 = tpu.memref_squeeze %dma_wait3A_132 : memref<1x80xi32, #tpu.memory_space<vmem>> -> memref<80xi32, #tpu.memory_space<vmem>>
        %dma_wait3A_134 = arith.constant 0 : i32
        %dma_wait3A_135 = arith.constant 0 : i32
        %dma_wait3A_136 = tpu.memref_slice %arg16[%dma_wait3A_134, %dma_wait3A_135] : memref<10240x64xf32, #tpu.memory_space<vmem_shared>> -> memref<10240x64xf32, #tpu.memory_space<vmem_shared>>
        tpu.wait_indirect_dma semaphore(%run_scoped3A_124 : memref<!tpu.dma_semaphore, #tpu.memory_space<semaphore_mem>>) src(%arg12 : memref<80x64xf32, #tpu.memory_space<vmem>>) dst(%dma_wait3A_136 : memref<10240x64xf32, #tpu.memory_space<vmem_shared>>)
        tpu.yield
      }) : () -> ()
      %add3A_78 = arith.constant 1 : i32
      %add3A_79 = arith.addi %mul3A_66, %add3A_78 : i32
      %add3A_80 = arith.constant 3 : i32
      %add3A_81 = arith.addi %add3A_79, %add3A_80 : i32
      %lt3A_82 = arith.constant 248 : i32
      %lt3A_83 = arith.cmpi slt, %add3A_81, %lt3A_82 : i32
      %convert_element_type3A_84 = arith.extui %lt3A_83 : i1 to i32
      %cond3A_85 = arith.constant 0 : i32
      %cond3A_86 = arith.cmpi ne, %convert_element_type3A_84, %cond3A_85 : i32
      scf.if %cond3A_86 {
        %add3A_124 = arith.constant 3 : i32
        %add3A_125 = arith.addi %add3A_79, %add3A_124 : i32
        %dma_start3A_126 = arith.constant 0 : i32
        %dma_start3A_127 = tpu.memref_slice %arg10[%add3A_125, %dma_start3A_126] : memref<250x80xi32, #tpu.memory_space<vmem>> -> memref<1x80xi32, #tpu.memory_space<vmem>>
        %dma_start3A_128 = tpu.memref_squeeze %dma_start3A_127 : memref<1x80xi32, #tpu.memory_space<vmem>> -> memref<80xi32, #tpu.memory_space<vmem>>
        %dma_start3A_129 = arith.constant 0 : i32
        %dma_start3A_130 = arith.constant 0 : i32
        %dma_start3A_131 = tpu.memref_slice %arg2[%dma_start3A_129, %dma_start3A_130] : memref<640000x64xf32, #tpu.memory_space<hbm>> -> memref<640000x64xf32, #tpu.memory_space<hbm>>
        tpu.enqueue_indirect_dma source(%dma_start3A_131 : memref<640000x64xf32, #tpu.memory_space<hbm>>) target(%arg12 : memref<80x64xf32, #tpu.memory_space<vmem>>) offsets(%dma_start3A_128 : memref<80xi32, #tpu.memory_space<vmem>>) semaphore(%arg17 : memref<!tpu.dma_semaphore, #tpu.memory_space<semaphore_mem>>)
      } else {
      }
      %dma_wait3A_87 = arith.constant 0 : i32
      %dma_wait3A_88 = tpu.memref_slice %arg10[%add3A_79, %dma_wait3A_87] : memref<250x80xi32, #tpu.memory_space<vmem>> -> memref<1x80xi32, #tpu.memory_space<vmem>>
      %dma_wait3A_89 = tpu.memref_squeeze %dma_wait3A_88 : memref<1x80xi32, #tpu.memory_space<vmem>> -> memref<80xi32, #tpu.memory_space<vmem>>
      %dma_wait3A_90 = arith.constant 0 : i32
      %dma_wait3A_91 = arith.constant 0 : i32
      %dma_wait3A_92 = tpu.memref_slice %arg2[%dma_wait3A_90, %dma_wait3A_91] : memref<640000x64xf32, #tpu.memory_space<hbm>> -> memref<640000x64xf32, #tpu.memory_space<hbm>>
      tpu.wait_indirect_dma semaphore(%arg17 : memref<!tpu.dma_semaphore, #tpu.memory_space<semaphore_mem>>) src(%dma_wait3A_92 : memref<640000x64xf32, #tpu.memory_space<hbm>>) dst(%arg13 : memref<80x64xf32, #tpu.memory_space<vmem>>)
      "tpu.region"() ({
        %run_scoped3A_124 = tpu.sem_alloc : memref<!tpu.dma_semaphore, #tpu.memory_space<semaphore_mem>>
        %dma_start3A_125 = arith.constant 0 : i32
        %dma_start3A_126 = tpu.memref_slice %arg11[%add3A_79, %dma_start3A_125] : memref<250x80xi32, #tpu.memory_space<vmem>> -> memref<1x80xi32, #tpu.memory_space<vmem>>
        %dma_start3A_127 = tpu.memref_squeeze %dma_start3A_126 : memref<1x80xi32, #tpu.memory_space<vmem>> -> memref<80xi32, #tpu.memory_space<vmem>>
        %dma_start3A_128 = arith.constant 0 : i32
        %dma_start3A_129 = arith.constant 0 : i32
        %dma_start3A_130 = tpu.memref_slice %arg16[%dma_start3A_128, %dma_start3A_129] : memref<10240x64xf32, #tpu.memory_space<vmem_shared>> -> memref<10240x64xf32, #tpu.memory_space<vmem_shared>>
        tpu.enqueue_indirect_dma source(%arg13 : memref<80x64xf32, #tpu.memory_space<vmem>>) target(%dma_start3A_130 : memref<10240x64xf32, #tpu.memory_space<vmem_shared>>) offsets(%dma_start3A_127 : memref<80xi32, #tpu.memory_space<vmem>>) semaphore(%run_scoped3A_124 : memref<!tpu.dma_semaphore, #tpu.memory_space<semaphore_mem>>) {add = true}
        %dma_wait3A_131 = arith.constant 0 : i32
        %dma_wait3A_132 = tpu.memref_slice %arg11[%add3A_79, %dma_wait3A_131] : memref<250x80xi32, #tpu.memory_space<vmem>> -> memref<1x80xi32, #tpu.memory_space<vmem>>
        %dma_wait3A_133 = tpu.memref_squeeze %dma_wait3A_132 : memref<1x80xi32, #tpu.memory_space<vmem>> -> memref<80xi32, #tpu.memory_space<vmem>>
        %dma_wait3A_134 = arith.constant 0 : i32
        %dma_wait3A_135 = arith.constant 0 : i32
        %dma_wait3A_136 = tpu.memref_slice %arg16[%dma_wait3A_134, %dma_wait3A_135] : memref<10240x64xf32, #tpu.memory_space<vmem_shared>> -> memref<10240x64xf32, #tpu.memory_space<vmem_shared>>
        tpu.wait_indirect_dma semaphore(%run_scoped3A_124 : memref<!tpu.dma_semaphore, #tpu.memory_space<semaphore_mem>>) src(%arg13 : memref<80x64xf32, #tpu.memory_space<vmem>>) dst(%dma_wait3A_136 : memref<10240x64xf32, #tpu.memory_space<vmem_shared>>)
        tpu.yield
      }) : () -> ()
      %add3A_93 = arith.constant 2 : i32
      %add3A_94 = arith.addi %mul3A_66, %add3A_93 : i32
      %add3A_95 = arith.constant 3 : i32
      %add3A_96 = arith.addi %add3A_94, %add3A_95 : i32
      %lt3A_97 = arith.constant 248 : i32
      %lt3A_98 = arith.cmpi slt, %add3A_96, %lt3A_97 : i32
      %convert_element_type3A_99 = arith.extui %lt3A_98 : i1 to i32
      %cond3A_100 = arith.constant 0 : i32
      %cond3A_101 = arith.cmpi ne, %convert_element_type3A_99, %cond3A_100 : i32
      scf.if %cond3A_101 {
        %add3A_124 = arith.constant 3 : i32
        %add3A_125 = arith.addi %add3A_94, %add3A_124 : i32
        %dma_start3A_126 = arith.constant 0 : i32
        %dma_start3A_127 = tpu.memref_slice %arg10[%add3A_125, %dma_start3A_126] : memref<250x80xi32, #tpu.memory_space<vmem>> -> memref<1x80xi32, #tpu.memory_space<vmem>>
        %dma_start3A_128 = tpu.memref_squeeze %dma_start3A_127 : memref<1x80xi32, #tpu.memory_space<vmem>> -> memref<80xi32, #tpu.memory_space<vmem>>
        %dma_start3A_129 = arith.constant 0 : i32
        %dma_start3A_130 = arith.constant 0 : i32
        %dma_start3A_131 = tpu.memref_slice %arg2[%dma_start3A_129, %dma_start3A_130] : memref<640000x64xf32, #tpu.memory_space<hbm>> -> memref<640000x64xf32, #tpu.memory_space<hbm>>
        tpu.enqueue_indirect_dma source(%dma_start3A_131 : memref<640000x64xf32, #tpu.memory_space<hbm>>) target(%arg13 : memref<80x64xf32, #tpu.memory_space<vmem>>) offsets(%dma_start3A_128 : memref<80xi32, #tpu.memory_space<vmem>>) semaphore(%arg17 : memref<!tpu.dma_semaphore, #tpu.memory_space<semaphore_mem>>)
      } else {
      }
      %dma_wait3A_102 = arith.constant 0 : i32
      %dma_wait3A_103 = tpu.memref_slice %arg10[%add3A_94, %dma_wait3A_102] : memref<250x80xi32, #tpu.memory_space<vmem>> -> memref<1x80xi32, #tpu.memory_space<vmem>>
      %dma_wait3A_104 = tpu.memref_squeeze %dma_wait3A_103 : memref<1x80xi32, #tpu.memory_space<vmem>> -> memref<80xi32, #tpu.memory_space<vmem>>
      %dma_wait3A_105 = arith.constant 0 : i32
      %dma_wait3A_106 = arith.constant 0 : i32
      %dma_wait3A_107 = tpu.memref_slice %arg2[%dma_wait3A_105, %dma_wait3A_106] : memref<640000x64xf32, #tpu.memory_space<hbm>> -> memref<640000x64xf32, #tpu.memory_space<hbm>>
      tpu.wait_indirect_dma semaphore(%arg17 : memref<!tpu.dma_semaphore, #tpu.memory_space<semaphore_mem>>) src(%dma_wait3A_107 : memref<640000x64xf32, #tpu.memory_space<hbm>>) dst(%arg14 : memref<80x64xf32, #tpu.memory_space<vmem>>)
      "tpu.region"() ({
        %run_scoped3A_124 = tpu.sem_alloc : memref<!tpu.dma_semaphore, #tpu.memory_space<semaphore_mem>>
        %dma_start3A_125 = arith.constant 0 : i32
        %dma_start3A_126 = tpu.memref_slice %arg11[%add3A_94, %dma_start3A_125] : memref<250x80xi32, #tpu.memory_space<vmem>> -> memref<1x80xi32, #tpu.memory_space<vmem>>
        %dma_start3A_127 = tpu.memref_squeeze %dma_start3A_126 : memref<1x80xi32, #tpu.memory_space<vmem>> -> memref<80xi32, #tpu.memory_space<vmem>>
        %dma_start3A_128 = arith.constant 0 : i32
        %dma_start3A_129 = arith.constant 0 : i32
        %dma_start3A_130 = tpu.memref_slice %arg16[%dma_start3A_128, %dma_start3A_129] : memref<10240x64xf32, #tpu.memory_space<vmem_shared>> -> memref<10240x64xf32, #tpu.memory_space<vmem_shared>>
        tpu.enqueue_indirect_dma source(%arg14 : memref<80x64xf32, #tpu.memory_space<vmem>>) target(%dma_start3A_130 : memref<10240x64xf32, #tpu.memory_space<vmem_shared>>) offsets(%dma_start3A_127 : memref<80xi32, #tpu.memory_space<vmem>>) semaphore(%run_scoped3A_124 : memref<!tpu.dma_semaphore, #tpu.memory_space<semaphore_mem>>) {add = true}
        %dma_wait3A_131 = arith.constant 0 : i32
        %dma_wait3A_132 = tpu.memref_slice %arg11[%add3A_94, %dma_wait3A_131] : memref<250x80xi32, #tpu.memory_space<vmem>> -> memref<1x80xi32, #tpu.memory_space<vmem>>
        %dma_wait3A_133 = tpu.memref_squeeze %dma_wait3A_132 : memref<1x80xi32, #tpu.memory_space<vmem>> -> memref<80xi32, #tpu.memory_space<vmem>>
        %dma_wait3A_134 = arith.constant 0 : i32
        %dma_wait3A_135 = arith.constant 0 : i32
        %dma_wait3A_136 = tpu.memref_slice %arg16[%dma_wait3A_134, %dma_wait3A_135] : memref<10240x64xf32, #tpu.memory_space<vmem_shared>> -> memref<10240x64xf32, #tpu.memory_space<vmem_shared>>
        tpu.wait_indirect_dma semaphore(%run_scoped3A_124 : memref<!tpu.dma_semaphore, #tpu.memory_space<semaphore_mem>>) src(%arg14 : memref<80x64xf32, #tpu.memory_space<vmem>>) dst(%dma_wait3A_136 : memref<10240x64xf32, #tpu.memory_space<vmem_shared>>)
        tpu.yield
      }) : () -> ()
      %add3A_108 = arith.constant 3 : i32
      %add3A_109 = arith.addi %mul3A_66, %add3A_108 : i32
      %add3A_110 = arith.constant 3 : i32
      %add3A_111 = arith.addi %add3A_109, %add3A_110 : i32
      %lt3A_112 = arith.constant 248 : i32
      %lt3A_113 = arith.cmpi slt, %add3A_111, %lt3A_112 : i32
      %convert_element_type3A_114 = arith.extui %lt3A_113 : i1 to i32
      %cond3A_115 = arith.constant 0 : i32
      %cond3A_116 = arith.cmpi ne, %convert_element_type3A_114, %cond3A_115 : i32
      scf.if %cond3A_116 {
        %add3A_124 = arith.constant 3 : i32
        %add3A_125 = arith.addi %add3A_109, %add3A_124 : i32
        %dma_start3A_126 = arith.constant 0 : i32
        %dma_start3A_127 = tpu.memref_slice %arg10[%add3A_125, %dma_start3A_126] : memref<250x80xi32, #tpu.memory_space<vmem>> -> memref<1x80xi32, #tpu.memory_space<vmem>>
        %dma_start3A_128 = tpu.memref_squeeze %dma_start3A_127 : memref<1x80xi32, #tpu.memory_space<vmem>> -> memref<80xi32, #tpu.memory_space<vmem>>
        %dma_start3A_129 = arith.constant 0 : i32
        %dma_start3A_130 = arith.constant 0 : i32
        %dma_start3A_131 = tpu.memref_slice %arg2[%dma_start3A_129, %dma_start3A_130] : memref<640000x64xf32, #tpu.memory_space<hbm>> -> memref<640000x64xf32, #tpu.memory_space<hbm>>
        tpu.enqueue_indirect_dma source(%dma_start3A_131 : memref<640000x64xf32, #tpu.memory_space<hbm>>) target(%arg14 : memref<80x64xf32, #tpu.memory_space<vmem>>) offsets(%dma_start3A_128 : memref<80xi32, #tpu.memory_space<vmem>>) semaphore(%arg17 : memref<!tpu.dma_semaphore, #tpu.memory_space<semaphore_mem>>)
      } else {
      }
      %dma_wait3A_117 = arith.constant 0 : i32
      %dma_wait3A_118 = tpu.memref_slice %arg10[%add3A_109, %dma_wait3A_117] : memref<250x80xi32, #tpu.memory_space<vmem>> -> memref<1x80xi32, #tpu.memory_space<vmem>>
      %dma_wait3A_119 = tpu.memref_squeeze %dma_wait3A_118 : memref<1x80xi32, #tpu.memory_space<vmem>> -> memref<80xi32, #tpu.memory_space<vmem>>
      %dma_wait3A_120 = arith.constant 0 : i32
      %dma_wait3A_121 = arith.constant 0 : i32
      %dma_wait3A_122 = tpu.memref_slice %arg2[%dma_wait3A_120, %dma_wait3A_121] : memref<640000x64xf32, #tpu.memory_space<hbm>> -> memref<640000x64xf32, #tpu.memory_space<hbm>>
      tpu.wait_indirect_dma semaphore(%arg17 : memref<!tpu.dma_semaphore, #tpu.memory_space<semaphore_mem>>) src(%dma_wait3A_122 : memref<640000x64xf32, #tpu.memory_space<hbm>>) dst(%arg15 : memref<80x64xf32, #tpu.memory_space<vmem>>)
      "tpu.region"() ({
        %run_scoped3A_124 = tpu.sem_alloc : memref<!tpu.dma_semaphore, #tpu.memory_space<semaphore_mem>>
        %dma_start3A_125 = arith.constant 0 : i32
        %dma_start3A_126 = tpu.memref_slice %arg11[%add3A_109, %dma_start3A_125] : memref<250x80xi32, #tpu.memory_space<vmem>> -> memref<1x80xi32, #tpu.memory_space<vmem>>
        %dma_start3A_127 = tpu.memref_squeeze %dma_start3A_126 : memref<1x80xi32, #tpu.memory_space<vmem>> -> memref<80xi32, #tpu.memory_space<vmem>>
        %dma_start3A_128 = arith.constant 0 : i32
        %dma_start3A_129 = arith.constant 0 : i32
        %dma_start3A_130 = tpu.memref_slice %arg16[%dma_start3A_128, %dma_start3A_129] : memref<10240x64xf32, #tpu.memory_space<vmem_shared>> -> memref<10240x64xf32, #tpu.memory_space<vmem_shared>>
        tpu.enqueue_indirect_dma source(%arg15 : memref<80x64xf32, #tpu.memory_space<vmem>>) target(%dma_start3A_130 : memref<10240x64xf32, #tpu.memory_space<vmem_shared>>) offsets(%dma_start3A_127 : memref<80xi32, #tpu.memory_space<vmem>>) semaphore(%run_scoped3A_124 : memref<!tpu.dma_semaphore, #tpu.memory_space<semaphore_mem>>) {add = true}
        %dma_wait3A_131 = arith.constant 0 : i32
        %dma_wait3A_132 = tpu.memref_slice %arg11[%add3A_109, %dma_wait3A_131] : memref<250x80xi32, #tpu.memory_space<vmem>> -> memref<1x80xi32, #tpu.memory_space<vmem>>
        %dma_wait3A_133 = tpu.memref_squeeze %dma_wait3A_132 : memref<1x80xi32, #tpu.memory_space<vmem>> -> memref<80xi32, #tpu.memory_space<vmem>>
        %dma_wait3A_134 = arith.constant 0 : i32
        %dma_wait3A_135 = arith.constant 0 : i32
        %dma_wait3A_136 = tpu.memref_slice %arg16[%dma_wait3A_134, %dma_wait3A_135] : memref<10240x64xf32, #tpu.memory_space<vmem_shared>> -> memref<10240x64xf32, #tpu.memory_space<vmem_shared>>
        tpu.wait_indirect_dma semaphore(%run_scoped3A_124 : memref<!tpu.dma_semaphore, #tpu.memory_space<semaphore_mem>>) src(%arg15 : memref<80x64xf32, #tpu.memory_space<vmem>>) dst(%dma_wait3A_136 : memref<10240x64xf32, #tpu.memory_space<vmem_shared>>)
        tpu.yield
      }) : () -> ()
      %scan3A_123 = arith.constant 0 : i32
      scf.yield %scan3A_123 : i32
    }
    %scan3A_33 = arith.constant 62 : i32
    %dma_start3A_34 = arith.constant 248 : i32
    %dma_start3A_35 = arith.constant 0 : i32
    %dma_start3A_36 = tpu.memref_slice %arg10[%dma_start3A_34, %dma_start3A_35] : memref<250x80xi32, #tpu.memory_space<vmem>> -> memref<1x80xi32, #tpu.memory_space<vmem>>
    %dma_start3A_37 = tpu.memref_squeeze %dma_start3A_36 : memref<1x80xi32, #tpu.memory_space<vmem>> -> memref<80xi32, #tpu.memory_space<vmem>>
    %dma_start3A_38 = arith.constant 0 : i32
    %dma_start3A_39 = arith.constant 0 : i32
    %dma_start3A_40 = tpu.memref_slice %arg2[%dma_start3A_38, %dma_start3A_39] : memref<640000x64xf32, #tpu.memory_space<hbm>> -> memref<640000x64xf32, #tpu.memory_space<hbm>>
    tpu.enqueue_indirect_dma source(%dma_start3A_40 : memref<640000x64xf32, #tpu.memory_space<hbm>>) target(%arg12 : memref<80x64xf32, #tpu.memory_space<vmem>>) offsets(%dma_start3A_37 : memref<80xi32, #tpu.memory_space<vmem>>) semaphore(%arg17 : memref<!tpu.dma_semaphore, #tpu.memory_space<semaphore_mem>>)
    %dma_start3A_41 = arith.constant 249 : i32
    %dma_start3A_42 = arith.constant 0 : i32
    %dma_start3A_43 = tpu.memref_slice %arg10[%dma_start3A_41, %dma_start3A_42] : memref<250x80xi32, #tpu.memory_space<vmem>> -> memref<1x80xi32, #tpu.memory_space<vmem>>
    %dma_start3A_44 = tpu.memref_squeeze %dma_start3A_43 : memref<1x80xi32, #tpu.memory_space<vmem>> -> memref<80xi32, #tpu.memory_space<vmem>>
    %dma_start3A_45 = arith.constant 0 : i32
    %dma_start3A_46 = arith.constant 0 : i32
    %dma_start3A_47 = tpu.memref_slice %arg2[%dma_start3A_45, %dma_start3A_46] : memref<640000x64xf32, #tpu.memory_space<hbm>> -> memref<640000x64xf32, #tpu.memory_space<hbm>>
    tpu.enqueue_indirect_dma source(%dma_start3A_47 : memref<640000x64xf32, #tpu.memory_space<hbm>>) target(%arg13 : memref<80x64xf32, #tpu.memory_space<vmem>>) offsets(%dma_start3A_44 : memref<80xi32, #tpu.memory_space<vmem>>) semaphore(%arg17 : memref<!tpu.dma_semaphore, #tpu.memory_space<semaphore_mem>>)
    %dma_wait3A = arith.constant 248 : i32
    %dma_wait3A_48 = arith.constant 0 : i32
    %dma_wait3A_49 = tpu.memref_slice %arg10[%dma_wait3A, %dma_wait3A_48] : memref<250x80xi32, #tpu.memory_space<vmem>> -> memref<1x80xi32, #tpu.memory_space<vmem>>
    %dma_wait3A_50 = tpu.memref_squeeze %dma_wait3A_49 : memref<1x80xi32, #tpu.memory_space<vmem>> -> memref<80xi32, #tpu.memory_space<vmem>>
    %dma_wait3A_51 = arith.constant 0 : i32
    %dma_wait3A_52 = arith.constant 0 : i32
    %dma_wait3A_53 = tpu.memref_slice %arg2[%dma_wait3A_51, %dma_wait3A_52] : memref<640000x64xf32, #tpu.memory_space<hbm>> -> memref<640000x64xf32, #tpu.memory_space<hbm>>
    tpu.wait_indirect_dma semaphore(%arg17 : memref<!tpu.dma_semaphore, #tpu.memory_space<semaphore_mem>>) src(%dma_wait3A_53 : memref<640000x64xf32, #tpu.memory_space<hbm>>) dst(%arg12 : memref<80x64xf32, #tpu.memory_space<vmem>>)
    %run_scoped3A = arith.constant 248 : i32
    "tpu.region"() ({
      %run_scoped3A_63 = tpu.sem_alloc : memref<!tpu.dma_semaphore, #tpu.memory_space<semaphore_mem>>
      %dma_start3A_64 = arith.constant 0 : i32
      %dma_start3A_65 = tpu.memref_slice %arg11[%run_scoped3A, %dma_start3A_64] : memref<250x80xi32, #tpu.memory_space<vmem>> -> memref<1x80xi32, #tpu.memory_space<vmem>>
      %dma_start3A_66 = tpu.memref_squeeze %dma_start3A_65 : memref<1x80xi32, #tpu.memory_space<vmem>> -> memref<80xi32, #tpu.memory_space<vmem>>
      %dma_start3A_67 = arith.constant 0 : i32
      %dma_start3A_68 = arith.constant 0 : i32
      %dma_start3A_69 = tpu.memref_slice %arg16[%dma_start3A_67, %dma_start3A_68] : memref<10240x64xf32, #tpu.memory_space<vmem_shared>> -> memref<10240x64xf32, #tpu.memory_space<vmem_shared>>
      tpu.enqueue_indirect_dma source(%arg12 : memref<80x64xf32, #tpu.memory_space<vmem>>) target(%dma_start3A_69 : memref<10240x64xf32, #tpu.memory_space<vmem_shared>>) offsets(%dma_start3A_66 : memref<80xi32, #tpu.memory_space<vmem>>) semaphore(%run_scoped3A_63 : memref<!tpu.dma_semaphore, #tpu.memory_space<semaphore_mem>>) {add = true}
      %dma_wait3A_70 = arith.constant 0 : i32
      %dma_wait3A_71 = tpu.memref_slice %arg11[%run_scoped3A, %dma_wait3A_70] : memref<250x80xi32, #tpu.memory_space<vmem>> -> memref<1x80xi32, #tpu.memory_space<vmem>>
      %dma_wait3A_72 = tpu.memref_squeeze %dma_wait3A_71 : memref<1x80xi32, #tpu.memory_space<vmem>> -> memref<80xi32, #tpu.memory_space<vmem>>
      %dma_wait3A_73 = arith.constant 0 : i32
      %dma_wait3A_74 = arith.constant 0 : i32
      %dma_wait3A_75 = tpu.memref_slice %arg16[%dma_wait3A_73, %dma_wait3A_74] : memref<10240x64xf32, #tpu.memory_space<vmem_shared>> -> memref<10240x64xf32, #tpu.memory_space<vmem_shared>>
      tpu.wait_indirect_dma semaphore(%run_scoped3A_63 : memref<!tpu.dma_semaphore, #tpu.memory_space<semaphore_mem>>) src(%arg12 : memref<80x64xf32, #tpu.memory_space<vmem>>) dst(%dma_wait3A_75 : memref<10240x64xf32, #tpu.memory_space<vmem_shared>>)
      tpu.yield
    }) : () -> ()
    %dma_wait3A_54 = arith.constant 249 : i32
    %dma_wait3A_55 = arith.constant 0 : i32
    %dma_wait3A_56 = tpu.memref_slice %arg10[%dma_wait3A_54, %dma_wait3A_55] : memref<250x80xi32, #tpu.memory_space<vmem>> -> memref<1x80xi32, #tpu.memory_space<vmem>>
    %dma_wait3A_57 = tpu.memref_squeeze %dma_wait3A_56 : memref<1x80xi32, #tpu.memory_space<vmem>> -> memref<80xi32, #tpu.memory_space<vmem>>
    %dma_wait3A_58 = arith.constant 0 : i32
    %dma_wait3A_59 = arith.constant 0 : i32
    %dma_wait3A_60 = tpu.memref_slice %arg2[%dma_wait3A_58, %dma_wait3A_59] : memref<640000x64xf32, #tpu.memory_space<hbm>> -> memref<640000x64xf32, #tpu.memory_space<hbm>>
    tpu.wait_indirect_dma semaphore(%arg17 : memref<!tpu.dma_semaphore, #tpu.memory_space<semaphore_mem>>) src(%dma_wait3A_60 : memref<640000x64xf32, #tpu.memory_space<hbm>>) dst(%arg13 : memref<80x64xf32, #tpu.memory_space<vmem>>)
    %run_scoped3A_61 = arith.constant 249 : i32
    "tpu.region"() ({
      %run_scoped3A_63 = tpu.sem_alloc : memref<!tpu.dma_semaphore, #tpu.memory_space<semaphore_mem>>
      %dma_start3A_64 = arith.constant 0 : i32
      %dma_start3A_65 = tpu.memref_slice %arg11[%run_scoped3A_61, %dma_start3A_64] : memref<250x80xi32, #tpu.memory_space<vmem>> -> memref<1x80xi32, #tpu.memory_space<vmem>>
      %dma_start3A_66 = tpu.memref_squeeze %dma_start3A_65 : memref<1x80xi32, #tpu.memory_space<vmem>> -> memref<80xi32, #tpu.memory_space<vmem>>
      %dma_start3A_67 = arith.constant 0 : i32
      %dma_start3A_68 = arith.constant 0 : i32
      %dma_start3A_69 = tpu.memref_slice %arg16[%dma_start3A_67, %dma_start3A_68] : memref<10240x64xf32, #tpu.memory_space<vmem_shared>> -> memref<10240x64xf32, #tpu.memory_space<vmem_shared>>
      tpu.enqueue_indirect_dma source(%arg13 : memref<80x64xf32, #tpu.memory_space<vmem>>) target(%dma_start3A_69 : memref<10240x64xf32, #tpu.memory_space<vmem_shared>>) offsets(%dma_start3A_66 : memref<80xi32, #tpu.memory_space<vmem>>) semaphore(%run_scoped3A_63 : memref<!tpu.dma_semaphore, #tpu.memory_space<semaphore_mem>>) {add = true}
      %dma_wait3A_70 = arith.constant 0 : i32
      %dma_wait3A_71 = tpu.memref_slice %arg11[%run_scoped3A_61, %dma_wait3A_70] : memref<250x80xi32, #tpu.memory_space<vmem>> -> memref<1x80xi32, #tpu.memory_space<vmem>>
      %dma_wait3A_72 = tpu.memref_squeeze %dma_wait3A_71 : memref<1x80xi32, #tpu.memory_space<vmem>> -> memref<80xi32, #tpu.memory_space<vmem>>
      %dma_wait3A_73 = arith.constant 0 : i32
      %dma_wait3A_74 = arith.constant 0 : i32
      %dma_wait3A_75 = tpu.memref_slice %arg16[%dma_wait3A_73, %dma_wait3A_74] : memref<10240x64xf32, #tpu.memory_space<vmem_shared>> -> memref<10240x64xf32, #tpu.memory_space<vmem_shared>>
      tpu.wait_indirect_dma semaphore(%run_scoped3A_63 : memref<!tpu.dma_semaphore, #tpu.memory_space<semaphore_mem>>) src(%arg13 : memref<80x64xf32, #tpu.memory_space<vmem>>) dst(%dma_wait3A_75 : memref<10240x64xf32, #tpu.memory_space<vmem_shared>>)
      tpu.yield
    }) : () -> ()
    %barrier3A_62 = arith.constant 0 : index
    tpu.barrier barrier_id(%barrier3A_62)
    "tpu.region"() ({
      %run_scoped3A_63 = tpu.sem_alloc : memref<!tpu.dma_semaphore, #tpu.memory_space<semaphore_mem>>
      %dma_start3A_64 = arith.constant 0 : i32
      %dma_start3A_65 = tpu.memref_slice %arg8[%arg0, %mul3A_0, %dma_start3A_64] : memref<2x10240x64xf32, #tpu.memory_space<hbm>> -> memref<1x640x64xf32, #tpu.memory_space<hbm>>
      %dma_start3A_66 = tpu.memref_squeeze %dma_start3A_65 : memref<1x640x64xf32, #tpu.memory_space<hbm>> -> memref<640x64xf32, #tpu.memory_space<hbm>>
      %dma_start3A_67 = arith.constant 0 : i32
      %dma_start3A_68 = tpu.memref_slice %arg16[%mul3A_0, %dma_start3A_67] : memref<10240x64xf32, #tpu.memory_space<vmem_shared>> -> memref<640x64xf32, #tpu.memory_space<vmem_shared>>
      tpu.enqueue_dma source(%dma_start3A_68 : memref<640x64xf32, #tpu.memory_space<vmem_shared>>) target(%dma_start3A_66 : memref<640x64xf32, #tpu.memory_space<hbm>>) target_semaphore(%run_scoped3A_63 : memref<!tpu.dma_semaphore, #tpu.memory_space<semaphore_mem>>)
      %dma_wait3A_69 = arith.constant 0 : i32
      %dma_wait3A_70 = tpu.memref_slice %arg8[%arg0, %mul3A_0, %dma_wait3A_69] : memref<2x10240x64xf32, #tpu.memory_space<hbm>> -> memref<1x640x64xf32, #tpu.memory_space<hbm>>
      %dma_wait3A_71 = tpu.memref_squeeze %dma_wait3A_70 : memref<1x640x64xf32, #tpu.memory_space<hbm>> -> memref<640x64xf32, #tpu.memory_space<hbm>>
      %dma_wait3A_72 = arith.constant 0 : i32
      %dma_wait3A_73 = tpu.memref_slice %arg16[%mul3A_0, %dma_wait3A_72] : memref<10240x64xf32, #tpu.memory_space<vmem_shared>> -> memref<640x64xf32, #tpu.memory_space<vmem_shared>>
      tpu.wait_dma2 semaphore(%run_scoped3A_63 : memref<!tpu.dma_semaphore, #tpu.memory_space<semaphore_mem>>) src(%dma_wait3A_73 : memref<640x64xf32, #tpu.memory_space<vmem_shared>>) dst(%dma_wait3A_71 : memref<640x64xf32, #tpu.memory_space<hbm>>)
      tpu.yield
    }) : () -> ()
    return
  }
}

#map = affine_map<(d0, d1) -> (0, 0)>
#map1 = affine_map<(d0, d1) -> (0, 0, 0)>
module attributes {stable_mosaic.version = 14 : i64} {
  func.func @_sc_body(%arg0: i32, %arg1: i32, %arg2: memref<640000x64xf32, #tpu.memory_space<hbm>>, %arg3: memref<16x250x80xi32, #tpu.memory_space<hbm>>, %arg4: memref<16x250x80xi32, #tpu.memory_space<hbm>>, %arg5: memref<16x250x80xi32, #tpu.memory_space<hbm>>, %arg6: memref<10240x64xf32, #tpu.memory_space<hbm>>, %arg7: memref<1x8x16xf32, #tpu.memory_space<hbm>>, %arg8: memref<2x10240x64xf32, #tpu.memory_space<hbm>>, %arg9: memref<250x80xi32, #tpu.memory_space<vmem>>, %arg10: memref<250x80xi32, #tpu.memory_space<vmem>>, %arg11: memref<250x80xi32, #tpu.memory_space<vmem>>, %arg12: memref<80x64xf32, #tpu.memory_space<vmem>>, %arg13: memref<80x64xf32, #tpu.memory_space<vmem>>, %arg14: memref<80x64xf32, #tpu.memory_space<vmem>>, %arg15: memref<80x64xf32, #tpu.memory_space<vmem>>, %arg16: memref<10240x64xf32, #tpu.memory_space<vmem_shared>>, %arg17: memref<!tpu.dma_semaphore, #tpu.memory_space<semaphore_mem>>) attributes {dimension_semantics = [#tpu.dimension_semantics<core_parallel>, #tpu.dimension_semantics<subcore_parallel>], iteration_bounds = array<i64: 2, 16>, scalar_prefetch = 0 : i64, scratch_operands = 9 : i64, tpu.core_type = #tpu.core_type<sc_vector_subcore>, window_params = [{transform_indices = #map}, {transform_indices = #map1}, {transform_indices = #map1}, {transform_indices = #map1}, {transform_indices = #map}, {transform_indices = #map1}, {transform_indices = #map1}]} {
    %mul3A = arith.constant 640 : i32
    %mul3A_0 = arith.muli %arg1, %mul3A : i32
    "tpu.region"() ({
      %run_scoped3A_63 = tpu.sem_alloc : memref<!tpu.dma_semaphore, #tpu.memory_space<semaphore_mem>>
      %dma_start3A_64 = arith.constant 0 : i32
      %dma_start3A_65 = tpu.memref_slice %arg16[%mul3A_0, %dma_start3A_64] : memref<10240x64xf32, #tpu.memory_space<vmem_shared>> -> memref<640x64xf32, #tpu.memory_space<vmem_shared>>
      %dma_start3A_66 = arith.constant 0 : i32
      %dma_start3A_67 = tpu.memref_slice %arg6[%mul3A_0, %dma_start3A_66] : memref<10240x64xf32, #tpu.memory_space<hbm>> -> memref<640x64xf32, #tpu.memory_space<hbm>>
      tpu.enqueue_dma source(%dma_start3A_67 : memref<640x64xf32, #tpu.memory_space<hbm>>) target(%dma_start3A_65 : memref<640x64xf32, #tpu.memory_space<vmem_shared>>) target_semaphore(%run_scoped3A_63 : memref<!tpu.dma_semaphore, #tpu.memory_space<semaphore_mem>>)
      %dma_wait3A_68 = arith.constant 0 : i32
      %dma_wait3A_69 = tpu.memref_slice %arg16[%mul3A_0, %dma_wait3A_68] : memref<10240x64xf32, #tpu.memory_space<vmem_shared>> -> memref<640x64xf32, #tpu.memory_space<vmem_shared>>
      %dma_wait3A_70 = arith.constant 0 : i32
      %dma_wait3A_71 = tpu.memref_slice %arg6[%mul3A_0, %dma_wait3A_70] : memref<10240x64xf32, #tpu.memory_space<hbm>> -> memref<640x64xf32, #tpu.memory_space<hbm>>
      tpu.wait_dma2 semaphore(%run_scoped3A_63 : memref<!tpu.dma_semaphore, #tpu.memory_space<semaphore_mem>>) src(%dma_wait3A_71 : memref<640x64xf32, #tpu.memory_space<hbm>>) dst(%dma_wait3A_69 : memref<640x64xf32, #tpu.memory_space<vmem_shared>>)
      tpu.yield
    }) : () -> ()
    "tpu.region"() ({
      %run_scoped3A_63 = tpu.sem_alloc : memref<!tpu.dma_semaphore, #tpu.memory_space<semaphore_mem>>
      %dma_start3A_64 = arith.constant 0 : i32
      %dma_start3A_65 = arith.constant 0 : i32
      %dma_start3A_66 = tpu.memref_slice %arg3[%arg1, %dma_start3A_64, %dma_start3A_65] : memref<16x250x80xi32, #tpu.memory_space<hbm>> -> memref<1x250x80xi32, #tpu.memory_space<hbm>>
      %dma_start3A_67 = tpu.memref_squeeze %dma_start3A_66 : memref<1x250x80xi32, #tpu.memory_space<hbm>> -> memref<250x80xi32, #tpu.memory_space<hbm>>
      %dma_start3A_68 = arith.constant 0 : i32
      %dma_start3A_69 = arith.constant 0 : i32
      %dma_start3A_70 = tpu.memref_slice %arg3[%arg1, %dma_start3A_68, %dma_start3A_69] : memref<16x250x80xi32, #tpu.memory_space<hbm>> -> memref<1x250x80xi32, #tpu.memory_space<hbm>>
      %dma_start3A_71 = tpu.memref_squeeze %dma_start3A_70 : memref<1x250x80xi32, #tpu.memory_space<hbm>> -> memref<250x80xi32, #tpu.memory_space<hbm>>
      tpu.enqueue_dma source(%dma_start3A_71 : memref<250x80xi32, #tpu.memory_space<hbm>>) target(%arg9 : memref<250x80xi32, #tpu.memory_space<vmem>>) target_semaphore(%run_scoped3A_63 : memref<!tpu.dma_semaphore, #tpu.memory_space<semaphore_mem>>)
      %dma_wait3A_72 = arith.constant 0 : i32
      %dma_wait3A_73 = arith.constant 0 : i32
      %dma_wait3A_74 = tpu.memref_slice %arg3[%arg1, %dma_wait3A_72, %dma_wait3A_73] : memref<16x250x80xi32, #tpu.memory_space<hbm>> -> memref<1x250x80xi32, #tpu.memory_space<hbm>>
      %dma_wait3A_75 = tpu.memref_squeeze %dma_wait3A_74 : memref<1x250x80xi32, #tpu.memory_space<hbm>> -> memref<250x80xi32, #tpu.memory_space<hbm>>
      %dma_wait3A_76 = arith.constant 0 : i32
      %dma_wait3A_77 = arith.constant 0 : i32
      %dma_wait3A_78 = tpu.memref_slice %arg3[%arg1, %dma_wait3A_76, %dma_wait3A_77] : memref<16x250x80xi32, #tpu.memory_space<hbm>> -> memref<1x250x80xi32, #tpu.memory_space<hbm>>
      %dma_wait3A_79 = tpu.memref_squeeze %dma_wait3A_78 : memref<1x250x80xi32, #tpu.memory_space<hbm>> -> memref<250x80xi32, #tpu.memory_space<hbm>>
      tpu.wait_dma2 semaphore(%run_scoped3A_63 : memref<!tpu.dma_semaphore, #tpu.memory_space<semaphore_mem>>) src(%dma_wait3A_79 : memref<250x80xi32, #tpu.memory_space<hbm>>) dst(%arg9 : memref<250x80xi32, #tpu.memory_space<vmem>>)
      tpu.yield
    }) : () -> ()
    "tpu.region"() ({
      %run_scoped3A_63 = tpu.sem_alloc : memref<!tpu.dma_semaphore, #tpu.memory_space<semaphore_mem>>
      %dma_start3A_64 = arith.constant 0 : i32
      %dma_start3A_65 = arith.constant 0 : i32
      %dma_start3A_66 = tpu.memref_slice %arg4[%arg1, %dma_start3A_64, %dma_start3A_65] : memref<16x250x80xi32, #tpu.memory_space<hbm>> -> memref<1x250x80xi32, #tpu.memory_space<hbm>>
      %dma_start3A_67 = tpu.memref_squeeze %dma_start3A_66 : memref<1x250x80xi32, #tpu.memory_space<hbm>> -> memref<250x80xi32, #tpu.memory_space<hbm>>
      %dma_start3A_68 = arith.constant 0 : i32
      %dma_start3A_69 = arith.constant 0 : i32
      %dma_start3A_70 = tpu.memref_slice %arg4[%arg1, %dma_start3A_68, %dma_start3A_69] : memref<16x250x80xi32, #tpu.memory_space<hbm>> -> memref<1x250x80xi32, #tpu.memory_space<hbm>>
      %dma_start3A_71 = tpu.memref_squeeze %dma_start3A_70 : memref<1x250x80xi32, #tpu.memory_space<hbm>> -> memref<250x80xi32, #tpu.memory_space<hbm>>
      tpu.enqueue_dma source(%dma_start3A_71 : memref<250x80xi32, #tpu.memory_space<hbm>>) target(%arg10 : memref<250x80xi32, #tpu.memory_space<vmem>>) target_semaphore(%run_scoped3A_63 : memref<!tpu.dma_semaphore, #tpu.memory_space<semaphore_mem>>)
      %dma_wait3A_72 = arith.constant 0 : i32
      %dma_wait3A_73 = arith.constant 0 : i32
      %dma_wait3A_74 = tpu.memref_slice %arg4[%arg1, %dma_wait3A_72, %dma_wait3A_73] : memref<16x250x80xi32, #tpu.memory_space<hbm>> -> memref<1x250x80xi32, #tpu.memory_space<hbm>>
      %dma_wait3A_75 = tpu.memref_squeeze %dma_wait3A_74 : memref<1x250x80xi32, #tpu.memory_space<hbm>> -> memref<250x80xi32, #tpu.memory_space<hbm>>
      %dma_wait3A_76 = arith.constant 0 : i32
      %dma_wait3A_77 = arith.constant 0 : i32
      %dma_wait3A_78 = tpu.memref_slice %arg4[%arg1, %dma_wait3A_76, %dma_wait3A_77] : memref<16x250x80xi32, #tpu.memory_space<hbm>> -> memref<1x250x80xi32, #tpu.memory_space<hbm>>
      %dma_wait3A_79 = tpu.memref_squeeze %dma_wait3A_78 : memref<1x250x80xi32, #tpu.memory_space<hbm>> -> memref<250x80xi32, #tpu.memory_space<hbm>>
      tpu.wait_dma2 semaphore(%run_scoped3A_63 : memref<!tpu.dma_semaphore, #tpu.memory_space<semaphore_mem>>) src(%dma_wait3A_79 : memref<250x80xi32, #tpu.memory_space<hbm>>) dst(%arg10 : memref<250x80xi32, #tpu.memory_space<vmem>>)
      tpu.yield
    }) : () -> ()
    "tpu.region"() ({
      %run_scoped3A_63 = tpu.sem_alloc : memref<!tpu.dma_semaphore, #tpu.memory_space<semaphore_mem>>
      %dma_start3A_64 = arith.constant 0 : i32
      %dma_start3A_65 = arith.constant 0 : i32
      %dma_start3A_66 = tpu.memref_slice %arg5[%arg1, %dma_start3A_64, %dma_start3A_65] : memref<16x250x80xi32, #tpu.memory_space<hbm>> -> memref<1x250x80xi32, #tpu.memory_space<hbm>>
      %dma_start3A_67 = tpu.memref_squeeze %dma_start3A_66 : memref<1x250x80xi32, #tpu.memory_space<hbm>> -> memref<250x80xi32, #tpu.memory_space<hbm>>
      %dma_start3A_68 = arith.constant 0 : i32
      %dma_start3A_69 = arith.constant 0 : i32
      %dma_start3A_70 = tpu.memref_slice %arg5[%arg1, %dma_start3A_68, %dma_start3A_69] : memref<16x250x80xi32, #tpu.memory_space<hbm>> -> memref<1x250x80xi32, #tpu.memory_space<hbm>>
      %dma_start3A_71 = tpu.memref_squeeze %dma_start3A_70 : memref<1x250x80xi32, #tpu.memory_space<hbm>> -> memref<250x80xi32, #tpu.memory_space<hbm>>
      tpu.enqueue_dma source(%dma_start3A_71 : memref<250x80xi32, #tpu.memory_space<hbm>>) target(%arg11 : memref<250x80xi32, #tpu.memory_space<vmem>>) target_semaphore(%run_scoped3A_63 : memref<!tpu.dma_semaphore, #tpu.memory_space<semaphore_mem>>)
      %dma_wait3A_72 = arith.constant 0 : i32
      %dma_wait3A_73 = arith.constant 0 : i32
      %dma_wait3A_74 = tpu.memref_slice %arg5[%arg1, %dma_wait3A_72, %dma_wait3A_73] : memref<16x250x80xi32, #tpu.memory_space<hbm>> -> memref<1x250x80xi32, #tpu.memory_space<hbm>>
      %dma_wait3A_75 = tpu.memref_squeeze %dma_wait3A_74 : memref<1x250x80xi32, #tpu.memory_space<hbm>> -> memref<250x80xi32, #tpu.memory_space<hbm>>
      %dma_wait3A_76 = arith.constant 0 : i32
      %dma_wait3A_77 = arith.constant 0 : i32
      %dma_wait3A_78 = tpu.memref_slice %arg5[%arg1, %dma_wait3A_76, %dma_wait3A_77] : memref<16x250x80xi32, #tpu.memory_space<hbm>> -> memref<1x250x80xi32, #tpu.memory_space<hbm>>
      %dma_wait3A_79 = tpu.memref_squeeze %dma_wait3A_78 : memref<1x250x80xi32, #tpu.memory_space<hbm>> -> memref<250x80xi32, #tpu.memory_space<hbm>>
      tpu.wait_dma2 semaphore(%run_scoped3A_63 : memref<!tpu.dma_semaphore, #tpu.memory_space<semaphore_mem>>) src(%dma_wait3A_79 : memref<250x80xi32, #tpu.memory_space<hbm>>) dst(%arg11 : memref<250x80xi32, #tpu.memory_space<vmem>>)
      tpu.yield
    }) : () -> ()
    %scan3A = arith.constant 0 : i32
    %scan3A_1 = arith.constant 0 : i32
    %scan3A_2 = arith.constant 250 : i32
    %scan3A_3 = arith.addi %scan3A_1, %scan3A_2 : i32
    %scan3A_4 = arith.constant 1 : i32
    %scan3A_5 = scf.for %scan3A_63 = %scan3A_1 to %scan3A_3 step %scan3A_4 iter_args(%scan3A_64 = %scan3A) -> (i32)  : i32 {
      %get3A = arith.index_cast %scan3A_63 : i32 to index
      %get3A_65 = arith.constant 0 : index
      %get3A_66 = tpu.vector_load %arg10[%get3A, %get3A_65] {strides = array<i32>} : memref<250x80xi32, #tpu.memory_space<vmem>>, vector<1x16xi32>,
      %get3A_67 = vector.shape_cast %get3A_66 : vector<1x16xi32> to vector<16xi32>
      %mul3A_68 = arith.constant 10000 : i32
      %mul3A_69 = vector.broadcast %mul3A_68 : i32 to vector<16xi32>
      %mul3A_70 = arith.muli %get3A_67, %mul3A_69 : vector<16xi32>
      %get3A_71 = arith.index_cast %scan3A_63 : i32 to index
      %get3A_72 = arith.constant 0 : index
      %get3A_73 = tpu.vector_load %arg9[%get3A_71, %get3A_72] {strides = array<i32>} : memref<250x80xi32, #tpu.memory_space<vmem>>, vector<1x16xi32>,
      %get3A_74 = vector.shape_cast %get3A_73 : vector<1x16xi32> to vector<16xi32>
      %add3A = arith.addi %mul3A_70, %get3A_74 : vector<16xi32>
      %mul3A_75 = arith.constant 2 : i32
      %mul3A_76 = vector.broadcast %mul3A_75 : i32 to vector<16xi32>
      %mul3A_77 = arith.muli %add3A, %mul3A_76 : vector<16xi32>
      %add3A_78 = vector.broadcast %arg0 : i32 to vector<16xi32>
      %add3A_79 = arith.addi %mul3A_77, %add3A_78 : vector<16xi32>
      %swap3A = arith.index_cast %scan3A_63 : i32 to index
      %swap3A_80 = arith.constant 0 : index
      %swap3A_81 = tpu.vector_load %arg10[%swap3A, %swap3A_80] {strides = array<i32>} : memref<250x80xi32, #tpu.memory_space<vmem>>, vector<1x16xi32>,
      %swap3A_82 = vector.shape_cast %swap3A_81 : vector<1x16xi32> to vector<16xi32>
      %swap3A_83 = vector.shape_cast %add3A_79 : vector<16xi32> to vector<1x16xi32>
      tpu.vector_store %arg10[%swap3A, %swap3A_80], %swap3A_83 {strides = array<i32>} : memref<250x80xi32, #tpu.memory_space<vmem>>, vector<1x16xi32>,
      %get3A_84 = arith.index_cast %scan3A_63 : i32 to index
      %get3A_85 = arith.constant 16 : index
      %get3A_86 = tpu.vector_load %arg10[%get3A_84, %get3A_85] {strides = array<i32>} : memref<250x80xi32, #tpu.memory_space<vmem>>, vector<1x16xi32>,
      %get3A_87 = vector.shape_cast %get3A_86 : vector<1x16xi32> to vector<16xi32>
      %mul3A_88 = arith.constant 10000 : i32
      %mul3A_89 = vector.broadcast %mul3A_88 : i32 to vector<16xi32>
      %mul3A_90 = arith.muli %get3A_87, %mul3A_89 : vector<16xi32>
      %get3A_91 = arith.index_cast %scan3A_63 : i32 to index
      %get3A_92 = arith.constant 16 : index
      %get3A_93 = tpu.vector_load %arg9[%get3A_91, %get3A_92] {strides = array<i32>} : memref<250x80xi32, #tpu.memory_space<vmem>>, vector<1x16xi32>,
      %get3A_94 = vector.shape_cast %get3A_93 : vector<1x16xi32> to vector<16xi32>
      %add3A_95 = arith.addi %mul3A_90, %get3A_94 : vector<16xi32>
      %mul3A_96 = arith.constant 2 : i32
      %mul3A_97 = vector.broadcast %mul3A_96 : i32 to vector<16xi32>
      %mul3A_98 = arith.muli %add3A_95, %mul3A_97 : vector<16xi32>
      %add3A_99 = vector.broadcast %arg0 : i32 to vector<16xi32>
      %add3A_100 = arith.addi %mul3A_98, %add3A_99 : vector<16xi32>
      %swap3A_101 = arith.index_cast %scan3A_63 : i32 to index
      %swap3A_102 = arith.constant 16 : index
      %swap3A_103 = tpu.vector_load %arg10[%swap3A_101, %swap3A_102] {strides = array<i32>} : memref<250x80xi32, #tpu.memory_space<vmem>>, vector<1x16xi32>,
      %swap3A_104 = vector.shape_cast %swap3A_103 : vector<1x16xi32> to vector<16xi32>
      %swap3A_105 = vector.shape_cast %add3A_100 : vector<16xi32> to vector<1x16xi32>
      tpu.vector_store %arg10[%swap3A_101, %swap3A_102], %swap3A_105 {strides = array<i32>} : memref<250x80xi32, #tpu.memory_space<vmem>>, vector<1x16xi32>,
      %get3A_106 = arith.index_cast %scan3A_63 : i32 to index
      %get3A_107 = arith.constant 32 : index
      %get3A_108 = tpu.vector_load %arg10[%get3A_106, %get3A_107] {strides = array<i32>} : memref<250x80xi32, #tpu.memory_space<vmem>>, vector<1x16xi32>,
      %get3A_109 = vector.shape_cast %get3A_108 : vector<1x16xi32> to vector<16xi32>
      %mul3A_110 = arith.constant 10000 : i32
      %mul3A_111 = vector.broadcast %mul3A_110 : i32 to vector<16xi32>
      %mul3A_112 = arith.muli %get3A_109, %mul3A_111 : vector<16xi32>
      %get3A_113 = arith.index_cast %scan3A_63 : i32 to index
      %get3A_114 = arith.constant 32 : index
      %get3A_115 = tpu.vector_load %arg9[%get3A_113, %get3A_114] {strides = array<i32>} : memref<250x80xi32, #tpu.memory_space<vmem>>, vector<1x16xi32>,
      %get3A_116 = vector.shape_cast %get3A_115 : vector<1x16xi32> to vector<16xi32>
      %add3A_117 = arith.addi %mul3A_112, %get3A_116 : vector<16xi32>
      %mul3A_118 = arith.constant 2 : i32
      %mul3A_119 = vector.broadcast %mul3A_118 : i32 to vector<16xi32>
      %mul3A_120 = arith.muli %add3A_117, %mul3A_119 : vector<16xi32>
      %add3A_121 = vector.broadcast %arg0 : i32 to vector<16xi32>
      %add3A_122 = arith.addi %mul3A_120, %add3A_121 : vector<16xi32>
      %swap3A_123 = arith.index_cast %scan3A_63 : i32 to index
      %swap3A_124 = arith.constant 32 : index
      %swap3A_125 = tpu.vector_load %arg10[%swap3A_123, %swap3A_124] {strides = array<i32>} : memref<250x80xi32, #tpu.memory_space<vmem>>, vector<1x16xi32>,
      %swap3A_126 = vector.shape_cast %swap3A_125 : vector<1x16xi32> to vector<16xi32>
      %swap3A_127 = vector.shape_cast %add3A_122 : vector<16xi32> to vector<1x16xi32>
      tpu.vector_store %arg10[%swap3A_123, %swap3A_124], %swap3A_127 {strides = array<i32>} : memref<250x80xi32, #tpu.memory_space<vmem>>, vector<1x16xi32>,
      %get3A_128 = arith.index_cast %scan3A_63 : i32 to index
      %get3A_129 = arith.constant 48 : index
      %get3A_130 = tpu.vector_load %arg10[%get3A_128, %get3A_129] {strides = array<i32>} : memref<250x80xi32, #tpu.memory_space<vmem>>, vector<1x16xi32>,
      %get3A_131 = vector.shape_cast %get3A_130 : vector<1x16xi32> to vector<16xi32>
      %mul3A_132 = arith.constant 10000 : i32
      %mul3A_133 = vector.broadcast %mul3A_132 : i32 to vector<16xi32>
      %mul3A_134 = arith.muli %get3A_131, %mul3A_133 : vector<16xi32>
      %get3A_135 = arith.index_cast %scan3A_63 : i32 to index
      %get3A_136 = arith.constant 48 : index
      %get3A_137 = tpu.vector_load %arg9[%get3A_135, %get3A_136] {strides = array<i32>} : memref<250x80xi32, #tpu.memory_space<vmem>>, vector<1x16xi32>,
      %get3A_138 = vector.shape_cast %get3A_137 : vector<1x16xi32> to vector<16xi32>
      %add3A_139 = arith.addi %mul3A_134, %get3A_138 : vector<16xi32>
      %mul3A_140 = arith.constant 2 : i32
      %mul3A_141 = vector.broadcast %mul3A_140 : i32 to vector<16xi32>
      %mul3A_142 = arith.muli %add3A_139, %mul3A_141 : vector<16xi32>
      %add3A_143 = vector.broadcast %arg0 : i32 to vector<16xi32>
      %add3A_144 = arith.addi %mul3A_142, %add3A_143 : vector<16xi32>
      %swap3A_145 = arith.index_cast %scan3A_63 : i32 to index
      %swap3A_146 = arith.constant 48 : index
      %swap3A_147 = tpu.vector_load %arg10[%swap3A_145, %swap3A_146] {strides = array<i32>} : memref<250x80xi32, #tpu.memory_space<vmem>>, vector<1x16xi32>,
      %swap3A_148 = vector.shape_cast %swap3A_147 : vector<1x16xi32> to vector<16xi32>
      %swap3A_149 = vector.shape_cast %add3A_144 : vector<16xi32> to vector<1x16xi32>
      tpu.vector_store %arg10[%swap3A_145, %swap3A_146], %swap3A_149 {strides = array<i32>} : memref<250x80xi32, #tpu.memory_space<vmem>>, vector<1x16xi32>,
      %get3A_150 = arith.index_cast %scan3A_63 : i32 to index
      %get3A_151 = arith.constant 64 : index
      %get3A_152 = tpu.vector_load %arg10[%get3A_150, %get3A_151] {strides = array<i32>} : memref<250x80xi32, #tpu.memory_space<vmem>>, vector<1x16xi32>,
      %get3A_153 = vector.shape_cast %get3A_152 : vector<1x16xi32> to vector<16xi32>
      %mul3A_154 = arith.constant 10000 : i32
      %mul3A_155 = vector.broadcast %mul3A_154 : i32 to vector<16xi32>
      %mul3A_156 = arith.muli %get3A_153, %mul3A_155 : vector<16xi32>
      %get3A_157 = arith.index_cast %scan3A_63 : i32 to index
      %get3A_158 = arith.constant 64 : index
      %get3A_159 = tpu.vector_load %arg9[%get3A_157, %get3A_158] {strides = array<i32>} : memref<250x80xi32, #tpu.memory_space<vmem>>, vector<1x16xi32>,
      %get3A_160 = vector.shape_cast %get3A_159 : vector<1x16xi32> to vector<16xi32>
      %add3A_161 = arith.addi %mul3A_156, %get3A_160 : vector<16xi32>
      %mul3A_162 = arith.constant 2 : i32
      %mul3A_163 = vector.broadcast %mul3A_162 : i32 to vector<16xi32>
      %mul3A_164 = arith.muli %add3A_161, %mul3A_163 : vector<16xi32>
      %add3A_165 = vector.broadcast %arg0 : i32 to vector<16xi32>
      %add3A_166 = arith.addi %mul3A_164, %add3A_165 : vector<16xi32>
      %swap3A_167 = arith.index_cast %scan3A_63 : i32 to index
      %swap3A_168 = arith.constant 64 : index
      %swap3A_169 = tpu.vector_load %arg10[%swap3A_167, %swap3A_168] {strides = array<i32>} : memref<250x80xi32, #tpu.memory_space<vmem>>, vector<1x16xi32>,
      %swap3A_170 = vector.shape_cast %swap3A_169 : vector<1x16xi32> to vector<16xi32>
      %swap3A_171 = vector.shape_cast %add3A_166 : vector<16xi32> to vector<1x16xi32>
      tpu.vector_store %arg10[%swap3A_167, %swap3A_168], %swap3A_171 {strides = array<i32>} : memref<250x80xi32, #tpu.memory_space<vmem>>, vector<1x16xi32>,
      %scan3A_172 = arith.constant 0 : i32
      scf.yield %scan3A_172 : i32
    }
    %scan3A_6 = arith.constant 250 : i32
    %barrier3A = arith.constant 0 : index
    tpu.barrier barrier_id(%barrier3A)
    %dma_start3A = arith.constant 0 : i32
    %dma_start3A_7 = arith.constant 0 : i32
    %dma_start3A_8 = tpu.memref_slice %arg10[%dma_start3A, %dma_start3A_7] : memref<250x80xi32, #tpu.memory_space<vmem>> -> memref<1x80xi32, #tpu.memory_space<vmem>>
    %dma_start3A_9 = tpu.memref_squeeze %dma_start3A_8 : memref<1x80xi32, #tpu.memory_space<vmem>> -> memref<80xi32, #tpu.memory_space<vmem>>
    %dma_start3A_10 = arith.constant 0 : i32
    %dma_start3A_11 = arith.constant 0 : i32
    %dma_start3A_12 = tpu.memref_slice %arg2[%dma_start3A_10, %dma_start3A_11] : memref<640000x64xf32, #tpu.memory_space<hbm>> -> memref<640000x64xf32, #tpu.memory_space<hbm>>
    tpu.enqueue_indirect_dma source(%dma_start3A_12 : memref<640000x64xf32, #tpu.memory_space<hbm>>) target(%arg12 : memref<80x64xf32, #tpu.memory_space<vmem>>) offsets(%dma_start3A_9 : memref<80xi32, #tpu.memory_space<vmem>>) semaphore(%arg17 : memref<!tpu.dma_semaphore, #tpu.memory_space<semaphore_mem>>)
    %dma_start3A_13 = arith.constant 1 : i32
    %dma_start3A_14 = arith.constant 0 : i32
    %dma_start3A_15 = tpu.memref_slice %arg10[%dma_start3A_13, %dma_start3A_14] : memref<250x80xi32, #tpu.memory_space<vmem>> -> memref<1x80xi32, #tpu.memory_space<vmem>>
    %dma_start3A_16 = tpu.memref_squeeze %dma_start3A_15 : memref<1x80xi32, #tpu.memory_space<vmem>> -> memref<80xi32, #tpu.memory_space<vmem>>
    %dma_start3A_17 = arith.constant 0 : i32
    %dma_start3A_18 = arith.constant 0 : i32
    %dma_start3A_19 = tpu.memref_slice %arg2[%dma_start3A_17, %dma_start3A_18] : memref<640000x64xf32, #tpu.memory_space<hbm>> -> memref<640000x64xf32, #tpu.memory_space<hbm>>
    tpu.enqueue_indirect_dma source(%dma_start3A_19 : memref<640000x64xf32, #tpu.memory_space<hbm>>) target(%arg13 : memref<80x64xf32, #tpu.memory_space<vmem>>) offsets(%dma_start3A_16 : memref<80xi32, #tpu.memory_space<vmem>>) semaphore(%arg17 : memref<!tpu.dma_semaphore, #tpu.memory_space<semaphore_mem>>)
    %dma_start3A_20 = arith.constant 2 : i32
    %dma_start3A_21 = arith.constant 0 : i32
    %dma_start3A_22 = tpu.memref_slice %arg10[%dma_start3A_20, %dma_start3A_21] : memref<250x80xi32, #tpu.memory_space<vmem>> -> memref<1x80xi32, #tpu.memory_space<vmem>>
    %dma_start3A_23 = tpu.memref_squeeze %dma_start3A_22 : memref<1x80xi32, #tpu.memory_space<vmem>> -> memref<80xi32, #tpu.memory_space<vmem>>
    %dma_start3A_24 = arith.constant 0 : i32
    %dma_start3A_25 = arith.constant 0 : i32
    %dma_start3A_26 = tpu.memref_slice %arg2[%dma_start3A_24, %dma_start3A_25] : memref<640000x64xf32, #tpu.memory_space<hbm>> -> memref<640000x64xf32, #tpu.memory_space<hbm>>
    tpu.enqueue_indirect_dma source(%dma_start3A_26 : memref<640000x64xf32, #tpu.memory_space<hbm>>) target(%arg14 : memref<80x64xf32, #tpu.memory_space<vmem>>) offsets(%dma_start3A_23 : memref<80xi32, #tpu.memory_space<vmem>>) semaphore(%arg17 : memref<!tpu.dma_semaphore, #tpu.memory_space<semaphore_mem>>)
    %scan3A_27 = arith.constant 0 : i32
    %scan3A_28 = arith.constant 0 : i32
    %scan3A_29 = arith.constant 62 : i32
    %scan3A_30 = arith.addi %scan3A_28, %scan3A_29 : i32
    %scan3A_31 = arith.constant 1 : i32
    %scan3A_32 = scf.for %scan3A_63 = %scan3A_28 to %scan3A_30 step %scan3A_31 iter_args(%scan3A_64 = %scan3A_27) -> (i32)  : i32 {
      %mul3A_65 = arith.constant 4 : i32
      %mul3A_66 = arith.muli %mul3A_65, %scan3A_63 : i32
      %add3A = arith.constant 0 : i32
      %add3A_67 = arith.addi %mul3A_66, %add3A : i32
      %add3A_68 = arith.constant 3 : i32
      %add3A_69 = arith.addi %add3A_67, %add3A_68 : i32
      %lt3A = arith.constant 248 : i32
      %lt3A_70 = arith.cmpi slt, %add3A_69, %lt3A : i32
      %convert_element_type3A = arith.extui %lt3A_70 : i1 to i32
      %cond3A = arith.constant 0 : i32
      %cond3A_71 = arith.cmpi ne, %convert_element_type3A, %cond3A : i32
      scf.if %cond3A_71 {
        %add3A_124 = arith.constant 3 : i32
        %add3A_125 = arith.addi %add3A_67, %add3A_124 : i32
        %dma_start3A_126 = arith.constant 0 : i32
        %dma_start3A_127 = tpu.memref_slice %arg10[%add3A_125, %dma_start3A_126] : memref<250x80xi32, #tpu.memory_space<vmem>> -> memref<1x80xi32, #tpu.memory_space<vmem>>
        %dma_start3A_128 = tpu.memref_squeeze %dma_start3A_127 : memref<1x80xi32, #tpu.memory_space<vmem>> -> memref<80xi32, #tpu.memory_space<vmem>>
        %dma_start3A_129 = arith.constant 0 : i32
        %dma_start3A_130 = arith.constant 0 : i32
        %dma_start3A_131 = tpu.memref_slice %arg2[%dma_start3A_129, %dma_start3A_130] : memref<640000x64xf32, #tpu.memory_space<hbm>> -> memref<640000x64xf32, #tpu.memory_space<hbm>>
        tpu.enqueue_indirect_dma source(%dma_start3A_131 : memref<640000x64xf32, #tpu.memory_space<hbm>>) target(%arg15 : memref<80x64xf32, #tpu.memory_space<vmem>>) offsets(%dma_start3A_128 : memref<80xi32, #tpu.memory_space<vmem>>) semaphore(%arg17 : memref<!tpu.dma_semaphore, #tpu.memory_space<semaphore_mem>>)
      } else {
      }
      %dma_wait3A_72 = arith.constant 0 : i32
      %dma_wait3A_73 = tpu.memref_slice %arg10[%add3A_67, %dma_wait3A_72] : memref<250x80xi32, #tpu.memory_space<vmem>> -> memref<1x80xi32, #tpu.memory_space<vmem>>
      %dma_wait3A_74 = tpu.memref_squeeze %dma_wait3A_73 : memref<1x80xi32, #tpu.memory_space<vmem>> -> memref<80xi32, #tpu.memory_space<vmem>>
      %dma_wait3A_75 = arith.constant 0 : i32
      %dma_wait3A_76 = arith.constant 0 : i32
      %dma_wait3A_77 = tpu.memref_slice %arg2[%dma_wait3A_75, %dma_wait3A_76] : memref<640000x64xf32, #tpu.memory_space<hbm>> -> memref<640000x64xf32, #tpu.memory_space<hbm>>
      tpu.wait_indirect_dma semaphore(%arg17 : memref<!tpu.dma_semaphore, #tpu.memory_space<semaphore_mem>>) src(%dma_wait3A_77 : memref<640000x64xf32, #tpu.memory_space<hbm>>) dst(%arg12 : memref<80x64xf32, #tpu.memory_space<vmem>>)
      "tpu.region"() ({
        %run_scoped3A_124 = tpu.sem_alloc : memref<!tpu.dma_semaphore, #tpu.memory_space<semaphore_mem>>
        %dma_start3A_125 = arith.constant 0 : i32
        %dma_start3A_126 = tpu.memref_slice %arg11[%add3A_67, %dma_start3A_125] : memref<250x80xi32, #tpu.memory_space<vmem>> -> memref<1x80xi32, #tpu.memory_space<vmem>>
        %dma_start3A_127 = tpu.memref_squeeze %dma_start3A_126 : memref<1x80xi32, #tpu.memory_space<vmem>> -> memref<80xi32, #tpu.memory_space<vmem>>
        %dma_start3A_128 = arith.constant 0 : i32
        %dma_start3A_129 = arith.constant 0 : i32
        %dma_start3A_130 = tpu.memref_slice %arg16[%dma_start3A_128, %dma_start3A_129] : memref<10240x64xf32, #tpu.memory_space<vmem_shared>> -> memref<10240x64xf32, #tpu.memory_space<vmem_shared>>
        tpu.enqueue_indirect_dma source(%arg12 : memref<80x64xf32, #tpu.memory_space<vmem>>) target(%dma_start3A_130 : memref<10240x64xf32, #tpu.memory_space<vmem_shared>>) offsets(%dma_start3A_127 : memref<80xi32, #tpu.memory_space<vmem>>) semaphore(%run_scoped3A_124 : memref<!tpu.dma_semaphore, #tpu.memory_space<semaphore_mem>>) {add = true}
        %dma_wait3A_131 = arith.constant 0 : i32
        %dma_wait3A_132 = tpu.memref_slice %arg11[%add3A_67, %dma_wait3A_131] : memref<250x80xi32, #tpu.memory_space<vmem>> -> memref<1x80xi32, #tpu.memory_space<vmem>>
        %dma_wait3A_133 = tpu.memref_squeeze %dma_wait3A_132 : memref<1x80xi32, #tpu.memory_space<vmem>> -> memref<80xi32, #tpu.memory_space<vmem>>
        %dma_wait3A_134 = arith.constant 0 : i32
        %dma_wait3A_135 = arith.constant 0 : i32
        %dma_wait3A_136 = tpu.memref_slice %arg16[%dma_wait3A_134, %dma_wait3A_135] : memref<10240x64xf32, #tpu.memory_space<vmem_shared>> -> memref<10240x64xf32, #tpu.memory_space<vmem_shared>>
        tpu.wait_indirect_dma semaphore(%run_scoped3A_124 : memref<!tpu.dma_semaphore, #tpu.memory_space<semaphore_mem>>) src(%arg12 : memref<80x64xf32, #tpu.memory_space<vmem>>) dst(%dma_wait3A_136 : memref<10240x64xf32, #tpu.memory_space<vmem_shared>>)
        tpu.yield
      }) : () -> ()
      %add3A_78 = arith.constant 1 : i32
      %add3A_79 = arith.addi %mul3A_66, %add3A_78 : i32
      %add3A_80 = arith.constant 3 : i32
      %add3A_81 = arith.addi %add3A_79, %add3A_80 : i32
      %lt3A_82 = arith.constant 248 : i32
      %lt3A_83 = arith.cmpi slt, %add3A_81, %lt3A_82 : i32
      %convert_element_type3A_84 = arith.extui %lt3A_83 : i1 to i32
      %cond3A_85 = arith.constant 0 : i32
      %cond3A_86 = arith.cmpi ne, %convert_element_type3A_84, %cond3A_85 : i32
      scf.if %cond3A_86 {
        %add3A_124 = arith.constant 3 : i32
        %add3A_125 = arith.addi %add3A_79, %add3A_124 : i32
        %dma_start3A_126 = arith.constant 0 : i32
        %dma_start3A_127 = tpu.memref_slice %arg10[%add3A_125, %dma_start3A_126] : memref<250x80xi32, #tpu.memory_space<vmem>> -> memref<1x80xi32, #tpu.memory_space<vmem>>
        %dma_start3A_128 = tpu.memref_squeeze %dma_start3A_127 : memref<1x80xi32, #tpu.memory_space<vmem>> -> memref<80xi32, #tpu.memory_space<vmem>>
        %dma_start3A_129 = arith.constant 0 : i32
        %dma_start3A_130 = arith.constant 0 : i32
        %dma_start3A_131 = tpu.memref_slice %arg2[%dma_start3A_129, %dma_start3A_130] : memref<640000x64xf32, #tpu.memory_space<hbm>> -> memref<640000x64xf32, #tpu.memory_space<hbm>>
        tpu.enqueue_indirect_dma source(%dma_start3A_131 : memref<640000x64xf32, #tpu.memory_space<hbm>>) target(%arg12 : memref<80x64xf32, #tpu.memory_space<vmem>>) offsets(%dma_start3A_128 : memref<80xi32, #tpu.memory_space<vmem>>) semaphore(%arg17 : memref<!tpu.dma_semaphore, #tpu.memory_space<semaphore_mem>>)
      } else {
      }
      %dma_wait3A_87 = arith.constant 0 : i32
      %dma_wait3A_88 = tpu.memref_slice %arg10[%add3A_79, %dma_wait3A_87] : memref<250x80xi32, #tpu.memory_space<vmem>> -> memref<1x80xi32, #tpu.memory_space<vmem>>
      %dma_wait3A_89 = tpu.memref_squeeze %dma_wait3A_88 : memref<1x80xi32, #tpu.memory_space<vmem>> -> memref<80xi32, #tpu.memory_space<vmem>>
      %dma_wait3A_90 = arith.constant 0 : i32
      %dma_wait3A_91 = arith.constant 0 : i32
      %dma_wait3A_92 = tpu.memref_slice %arg2[%dma_wait3A_90, %dma_wait3A_91] : memref<640000x64xf32, #tpu.memory_space<hbm>> -> memref<640000x64xf32, #tpu.memory_space<hbm>>
      tpu.wait_indirect_dma semaphore(%arg17 : memref<!tpu.dma_semaphore, #tpu.memory_space<semaphore_mem>>) src(%dma_wait3A_92 : memref<640000x64xf32, #tpu.memory_space<hbm>>) dst(%arg13 : memref<80x64xf32, #tpu.memory_space<vmem>>)
      "tpu.region"() ({
        %run_scoped3A_124 = tpu.sem_alloc : memref<!tpu.dma_semaphore, #tpu.memory_space<semaphore_mem>>
        %dma_start3A_125 = arith.constant 0 : i32
        %dma_start3A_126 = tpu.memref_slice %arg11[%add3A_79, %dma_start3A_125] : memref<250x80xi32, #tpu.memory_space<vmem>> -> memref<1x80xi32, #tpu.memory_space<vmem>>
        %dma_start3A_127 = tpu.memref_squeeze %dma_start3A_126 : memref<1x80xi32, #tpu.memory_space<vmem>> -> memref<80xi32, #tpu.memory_space<vmem>>
        %dma_start3A_128 = arith.constant 0 : i32
        %dma_start3A_129 = arith.constant 0 : i32
        %dma_start3A_130 = tpu.memref_slice %arg16[%dma_start3A_128, %dma_start3A_129] : memref<10240x64xf32, #tpu.memory_space<vmem_shared>> -> memref<10240x64xf32, #tpu.memory_space<vmem_shared>>
        tpu.enqueue_indirect_dma source(%arg13 : memref<80x64xf32, #tpu.memory_space<vmem>>) target(%dma_start3A_130 : memref<10240x64xf32, #tpu.memory_space<vmem_shared>>) offsets(%dma_start3A_127 : memref<80xi32, #tpu.memory_space<vmem>>) semaphore(%run_scoped3A_124 : memref<!tpu.dma_semaphore, #tpu.memory_space<semaphore_mem>>) {add = true}
        %dma_wait3A_131 = arith.constant 0 : i32
        %dma_wait3A_132 = tpu.memref_slice %arg11[%add3A_79, %dma_wait3A_131] : memref<250x80xi32, #tpu.memory_space<vmem>> -> memref<1x80xi32, #tpu.memory_space<vmem>>
        %dma_wait3A_133 = tpu.memref_squeeze %dma_wait3A_132 : memref<1x80xi32, #tpu.memory_space<vmem>> -> memref<80xi32, #tpu.memory_space<vmem>>
        %dma_wait3A_134 = arith.constant 0 : i32
        %dma_wait3A_135 = arith.constant 0 : i32
        %dma_wait3A_136 = tpu.memref_slice %arg16[%dma_wait3A_134, %dma_wait3A_135] : memref<10240x64xf32, #tpu.memory_space<vmem_shared>> -> memref<10240x64xf32, #tpu.memory_space<vmem_shared>>
        tpu.wait_indirect_dma semaphore(%run_scoped3A_124 : memref<!tpu.dma_semaphore, #tpu.memory_space<semaphore_mem>>) src(%arg13 : memref<80x64xf32, #tpu.memory_space<vmem>>) dst(%dma_wait3A_136 : memref<10240x64xf32, #tpu.memory_space<vmem_shared>>)
        tpu.yield
      }) : () -> ()
      %add3A_93 = arith.constant 2 : i32
      %add3A_94 = arith.addi %mul3A_66, %add3A_93 : i32
      %add3A_95 = arith.constant 3 : i32
      %add3A_96 = arith.addi %add3A_94, %add3A_95 : i32
      %lt3A_97 = arith.constant 248 : i32
      %lt3A_98 = arith.cmpi slt, %add3A_96, %lt3A_97 : i32
      %convert_element_type3A_99 = arith.extui %lt3A_98 : i1 to i32
      %cond3A_100 = arith.constant 0 : i32
      %cond3A_101 = arith.cmpi ne, %convert_element_type3A_99, %cond3A_100 : i32
      scf.if %cond3A_101 {
        %add3A_124 = arith.constant 3 : i32
        %add3A_125 = arith.addi %add3A_94, %add3A_124 : i32
        %dma_start3A_126 = arith.constant 0 : i32
        %dma_start3A_127 = tpu.memref_slice %arg10[%add3A_125, %dma_start3A_126] : memref<250x80xi32, #tpu.memory_space<vmem>> -> memref<1x80xi32, #tpu.memory_space<vmem>>
        %dma_start3A_128 = tpu.memref_squeeze %dma_start3A_127 : memref<1x80xi32, #tpu.memory_space<vmem>> -> memref<80xi32, #tpu.memory_space<vmem>>
        %dma_start3A_129 = arith.constant 0 : i32
        %dma_start3A_130 = arith.constant 0 : i32
        %dma_start3A_131 = tpu.memref_slice %arg2[%dma_start3A_129, %dma_start3A_130] : memref<640000x64xf32, #tpu.memory_space<hbm>> -> memref<640000x64xf32, #tpu.memory_space<hbm>>
        tpu.enqueue_indirect_dma source(%dma_start3A_131 : memref<640000x64xf32, #tpu.memory_space<hbm>>) target(%arg13 : memref<80x64xf32, #tpu.memory_space<vmem>>) offsets(%dma_start3A_128 : memref<80xi32, #tpu.memory_space<vmem>>) semaphore(%arg17 : memref<!tpu.dma_semaphore, #tpu.memory_space<semaphore_mem>>)
      } else {
      }
      %dma_wait3A_102 = arith.constant 0 : i32
      %dma_wait3A_103 = tpu.memref_slice %arg10[%add3A_94, %dma_wait3A_102] : memref<250x80xi32, #tpu.memory_space<vmem>> -> memref<1x80xi32, #tpu.memory_space<vmem>>
      %dma_wait3A_104 = tpu.memref_squeeze %dma_wait3A_103 : memref<1x80xi32, #tpu.memory_space<vmem>> -> memref<80xi32, #tpu.memory_space<vmem>>
      %dma_wait3A_105 = arith.constant 0 : i32
      %dma_wait3A_106 = arith.constant 0 : i32
      %dma_wait3A_107 = tpu.memref_slice %arg2[%dma_wait3A_105, %dma_wait3A_106] : memref<640000x64xf32, #tpu.memory_space<hbm>> -> memref<640000x64xf32, #tpu.memory_space<hbm>>
      tpu.wait_indirect_dma semaphore(%arg17 : memref<!tpu.dma_semaphore, #tpu.memory_space<semaphore_mem>>) src(%dma_wait3A_107 : memref<640000x64xf32, #tpu.memory_space<hbm>>) dst(%arg14 : memref<80x64xf32, #tpu.memory_space<vmem>>)
      "tpu.region"() ({
        %run_scoped3A_124 = tpu.sem_alloc : memref<!tpu.dma_semaphore, #tpu.memory_space<semaphore_mem>>
        %dma_start3A_125 = arith.constant 0 : i32
        %dma_start3A_126 = tpu.memref_slice %arg11[%add3A_94, %dma_start3A_125] : memref<250x80xi32, #tpu.memory_space<vmem>> -> memref<1x80xi32, #tpu.memory_space<vmem>>
        %dma_start3A_127 = tpu.memref_squeeze %dma_start3A_126 : memref<1x80xi32, #tpu.memory_space<vmem>> -> memref<80xi32, #tpu.memory_space<vmem>>
        %dma_start3A_128 = arith.constant 0 : i32
        %dma_start3A_129 = arith.constant 0 : i32
        %dma_start3A_130 = tpu.memref_slice %arg16[%dma_start3A_128, %dma_start3A_129] : memref<10240x64xf32, #tpu.memory_space<vmem_shared>> -> memref<10240x64xf32, #tpu.memory_space<vmem_shared>>
        tpu.enqueue_indirect_dma source(%arg14 : memref<80x64xf32, #tpu.memory_space<vmem>>) target(%dma_start3A_130 : memref<10240x64xf32, #tpu.memory_space<vmem_shared>>) offsets(%dma_start3A_127 : memref<80xi32, #tpu.memory_space<vmem>>) semaphore(%run_scoped3A_124 : memref<!tpu.dma_semaphore, #tpu.memory_space<semaphore_mem>>) {add = true}
        %dma_wait3A_131 = arith.constant 0 : i32
        %dma_wait3A_132 = tpu.memref_slice %arg11[%add3A_94, %dma_wait3A_131] : memref<250x80xi32, #tpu.memory_space<vmem>> -> memref<1x80xi32, #tpu.memory_space<vmem>>
        %dma_wait3A_133 = tpu.memref_squeeze %dma_wait3A_132 : memref<1x80xi32, #tpu.memory_space<vmem>> -> memref<80xi32, #tpu.memory_space<vmem>>
        %dma_wait3A_134 = arith.constant 0 : i32
        %dma_wait3A_135 = arith.constant 0 : i32
        %dma_wait3A_136 = tpu.memref_slice %arg16[%dma_wait3A_134, %dma_wait3A_135] : memref<10240x64xf32, #tpu.memory_space<vmem_shared>> -> memref<10240x64xf32, #tpu.memory_space<vmem_shared>>
        tpu.wait_indirect_dma semaphore(%run_scoped3A_124 : memref<!tpu.dma_semaphore, #tpu.memory_space<semaphore_mem>>) src(%arg14 : memref<80x64xf32, #tpu.memory_space<vmem>>) dst(%dma_wait3A_136 : memref<10240x64xf32, #tpu.memory_space<vmem_shared>>)
        tpu.yield
      }) : () -> ()
      %add3A_108 = arith.constant 3 : i32
      %add3A_109 = arith.addi %mul3A_66, %add3A_108 : i32
      %add3A_110 = arith.constant 3 : i32
      %add3A_111 = arith.addi %add3A_109, %add3A_110 : i32
      %lt3A_112 = arith.constant 248 : i32
      %lt3A_113 = arith.cmpi slt, %add3A_111, %lt3A_112 : i32
      %convert_element_type3A_114 = arith.extui %lt3A_113 : i1 to i32
      %cond3A_115 = arith.constant 0 : i32
      %cond3A_116 = arith.cmpi ne, %convert_element_type3A_114, %cond3A_115 : i32
      scf.if %cond3A_116 {
        %add3A_124 = arith.constant 3 : i32
        %add3A_125 = arith.addi %add3A_109, %add3A_124 : i32
        %dma_start3A_126 = arith.constant 0 : i32
        %dma_start3A_127 = tpu.memref_slice %arg10[%add3A_125, %dma_start3A_126] : memref<250x80xi32, #tpu.memory_space<vmem>> -> memref<1x80xi32, #tpu.memory_space<vmem>>
        %dma_start3A_128 = tpu.memref_squeeze %dma_start3A_127 : memref<1x80xi32, #tpu.memory_space<vmem>> -> memref<80xi32, #tpu.memory_space<vmem>>
        %dma_start3A_129 = arith.constant 0 : i32
        %dma_start3A_130 = arith.constant 0 : i32
        %dma_start3A_131 = tpu.memref_slice %arg2[%dma_start3A_129, %dma_start3A_130] : memref<640000x64xf32, #tpu.memory_space<hbm>> -> memref<640000x64xf32, #tpu.memory_space<hbm>>
        tpu.enqueue_indirect_dma source(%dma_start3A_131 : memref<640000x64xf32, #tpu.memory_space<hbm>>) target(%arg14 : memref<80x64xf32, #tpu.memory_space<vmem>>) offsets(%dma_start3A_128 : memref<80xi32, #tpu.memory_space<vmem>>) semaphore(%arg17 : memref<!tpu.dma_semaphore, #tpu.memory_space<semaphore_mem>>)
      } else {
      }
      %dma_wait3A_117 = arith.constant 0 : i32
      %dma_wait3A_118 = tpu.memref_slice %arg10[%add3A_109, %dma_wait3A_117] : memref<250x80xi32, #tpu.memory_space<vmem>> -> memref<1x80xi32, #tpu.memory_space<vmem>>
      %dma_wait3A_119 = tpu.memref_squeeze %dma_wait3A_118 : memref<1x80xi32, #tpu.memory_space<vmem>> -> memref<80xi32, #tpu.memory_space<vmem>>
      %dma_wait3A_120 = arith.constant 0 : i32
      %dma_wait3A_121 = arith.constant 0 : i32
      %dma_wait3A_122 = tpu.memref_slice %arg2[%dma_wait3A_120, %dma_wait3A_121] : memref<640000x64xf32, #tpu.memory_space<hbm>> -> memref<640000x64xf32, #tpu.memory_space<hbm>>
      tpu.wait_indirect_dma semaphore(%arg17 : memref<!tpu.dma_semaphore, #tpu.memory_space<semaphore_mem>>) src(%dma_wait3A_122 : memref<640000x64xf32, #tpu.memory_space<hbm>>) dst(%arg15 : memref<80x64xf32, #tpu.memory_space<vmem>>)
      "tpu.region"() ({
        %run_scoped3A_124 = tpu.sem_alloc : memref<!tpu.dma_semaphore, #tpu.memory_space<semaphore_mem>>
        %dma_start3A_125 = arith.constant 0 : i32
        %dma_start3A_126 = tpu.memref_slice %arg11[%add3A_109, %dma_start3A_125] : memref<250x80xi32, #tpu.memory_space<vmem>> -> memref<1x80xi32, #tpu.memory_space<vmem>>
        %dma_start3A_127 = tpu.memref_squeeze %dma_start3A_126 : memref<1x80xi32, #tpu.memory_space<vmem>> -> memref<80xi32, #tpu.memory_space<vmem>>
        %dma_start3A_128 = arith.constant 0 : i32
        %dma_start3A_129 = arith.constant 0 : i32
        %dma_start3A_130 = tpu.memref_slice %arg16[%dma_start3A_128, %dma_start3A_129] : memref<10240x64xf32, #tpu.memory_space<vmem_shared>> -> memref<10240x64xf32, #tpu.memory_space<vmem_shared>>
        tpu.enqueue_indirect_dma source(%arg15 : memref<80x64xf32, #tpu.memory_space<vmem>>) target(%dma_start3A_130 : memref<10240x64xf32, #tpu.memory_space<vmem_shared>>) offsets(%dma_start3A_127 : memref<80xi32, #tpu.memory_space<vmem>>) semaphore(%run_scoped3A_124 : memref<!tpu.dma_semaphore, #tpu.memory_space<semaphore_mem>>) {add = true}
        %dma_wait3A_131 = arith.constant 0 : i32
        %dma_wait3A_132 = tpu.memref_slice %arg11[%add3A_109, %dma_wait3A_131] : memref<250x80xi32, #tpu.memory_space<vmem>> -> memref<1x80xi32, #tpu.memory_space<vmem>>
        %dma_wait3A_133 = tpu.memref_squeeze %dma_wait3A_132 : memref<1x80xi32, #tpu.memory_space<vmem>> -> memref<80xi32, #tpu.memory_space<vmem>>
        %dma_wait3A_134 = arith.constant 0 : i32
        %dma_wait3A_135 = arith.constant 0 : i32
        %dma_wait3A_136 = tpu.memref_slice %arg16[%dma_wait3A_134, %dma_wait3A_135] : memref<10240x64xf32, #tpu.memory_space<vmem_shared>> -> memref<10240x64xf32, #tpu.memory_space<vmem_shared>>
        tpu.wait_indirect_dma semaphore(%run_scoped3A_124 : memref<!tpu.dma_semaphore, #tpu.memory_space<semaphore_mem>>) src(%arg15 : memref<80x64xf32, #tpu.memory_space<vmem>>) dst(%dma_wait3A_136 : memref<10240x64xf32, #tpu.memory_space<vmem_shared>>)
        tpu.yield
      }) : () -> ()
      %scan3A_123 = arith.constant 0 : i32
      scf.yield %scan3A_123 : i32
    }
    %scan3A_33 = arith.constant 62 : i32
    %dma_start3A_34 = arith.constant 248 : i32
    %dma_start3A_35 = arith.constant 0 : i32
    %dma_start3A_36 = tpu.memref_slice %arg10[%dma_start3A_34, %dma_start3A_35] : memref<250x80xi32, #tpu.memory_space<vmem>> -> memref<1x80xi32, #tpu.memory_space<vmem>>
    %dma_start3A_37 = tpu.memref_squeeze %dma_start3A_36 : memref<1x80xi32, #tpu.memory_space<vmem>> -> memref<80xi32, #tpu.memory_space<vmem>>
    %dma_start3A_38 = arith.constant 0 : i32
    %dma_start3A_39 = arith.constant 0 : i32
    %dma_start3A_40 = tpu.memref_slice %arg2[%dma_start3A_38, %dma_start3A_39] : memref<640000x64xf32, #tpu.memory_space<hbm>> -> memref<640000x64xf32, #tpu.memory_space<hbm>>
    tpu.enqueue_indirect_dma source(%dma_start3A_40 : memref<640000x64xf32, #tpu.memory_space<hbm>>) target(%arg12 : memref<80x64xf32, #tpu.memory_space<vmem>>) offsets(%dma_start3A_37 : memref<80xi32, #tpu.memory_space<vmem>>) semaphore(%arg17 : memref<!tpu.dma_semaphore, #tpu.memory_space<semaphore_mem>>)
    %dma_start3A_41 = arith.constant 249 : i32
    %dma_start3A_42 = arith.constant 0 : i32
    %dma_start3A_43 = tpu.memref_slice %arg10[%dma_start3A_41, %dma_start3A_42] : memref<250x80xi32, #tpu.memory_space<vmem>> -> memref<1x80xi32, #tpu.memory_space<vmem>>
    %dma_start3A_44 = tpu.memref_squeeze %dma_start3A_43 : memref<1x80xi32, #tpu.memory_space<vmem>> -> memref<80xi32, #tpu.memory_space<vmem>>
    %dma_start3A_45 = arith.constant 0 : i32
    %dma_start3A_46 = arith.constant 0 : i32
    %dma_start3A_47 = tpu.memref_slice %arg2[%dma_start3A_45, %dma_start3A_46] : memref<640000x64xf32, #tpu.memory_space<hbm>> -> memref<640000x64xf32, #tpu.memory_space<hbm>>
    tpu.enqueue_indirect_dma source(%dma_start3A_47 : memref<640000x64xf32, #tpu.memory_space<hbm>>) target(%arg13 : memref<80x64xf32, #tpu.memory_space<vmem>>) offsets(%dma_start3A_44 : memref<80xi32, #tpu.memory_space<vmem>>) semaphore(%arg17 : memref<!tpu.dma_semaphore, #tpu.memory_space<semaphore_mem>>)
    %dma_wait3A = arith.constant 248 : i32
    %dma_wait3A_48 = arith.constant 0 : i32
    %dma_wait3A_49 = tpu.memref_slice %arg10[%dma_wait3A, %dma_wait3A_48] : memref<250x80xi32, #tpu.memory_space<vmem>> -> memref<1x80xi32, #tpu.memory_space<vmem>>
    %dma_wait3A_50 = tpu.memref_squeeze %dma_wait3A_49 : memref<1x80xi32, #tpu.memory_space<vmem>> -> memref<80xi32, #tpu.memory_space<vmem>>
    %dma_wait3A_51 = arith.constant 0 : i32
    %dma_wait3A_52 = arith.constant 0 : i32
    %dma_wait3A_53 = tpu.memref_slice %arg2[%dma_wait3A_51, %dma_wait3A_52] : memref<640000x64xf32, #tpu.memory_space<hbm>> -> memref<640000x64xf32, #tpu.memory_space<hbm>>
    tpu.wait_indirect_dma semaphore(%arg17 : memref<!tpu.dma_semaphore, #tpu.memory_space<semaphore_mem>>) src(%dma_wait3A_53 : memref<640000x64xf32, #tpu.memory_space<hbm>>) dst(%arg12 : memref<80x64xf32, #tpu.memory_space<vmem>>)
    %run_scoped3A = arith.constant 248 : i32
    "tpu.region"() ({
      %run_scoped3A_63 = tpu.sem_alloc : memref<!tpu.dma_semaphore, #tpu.memory_space<semaphore_mem>>
      %dma_start3A_64 = arith.constant 0 : i32
      %dma_start3A_65 = tpu.memref_slice %arg11[%run_scoped3A, %dma_start3A_64] : memref<250x80xi32, #tpu.memory_space<vmem>> -> memref<1x80xi32, #tpu.memory_space<vmem>>
      %dma_start3A_66 = tpu.memref_squeeze %dma_start3A_65 : memref<1x80xi32, #tpu.memory_space<vmem>> -> memref<80xi32, #tpu.memory_space<vmem>>
      %dma_start3A_67 = arith.constant 0 : i32
      %dma_start3A_68 = arith.constant 0 : i32
      %dma_start3A_69 = tpu.memref_slice %arg16[%dma_start3A_67, %dma_start3A_68] : memref<10240x64xf32, #tpu.memory_space<vmem_shared>> -> memref<10240x64xf32, #tpu.memory_space<vmem_shared>>
      tpu.enqueue_indirect_dma source(%arg12 : memref<80x64xf32, #tpu.memory_space<vmem>>) target(%dma_start3A_69 : memref<10240x64xf32, #tpu.memory_space<vmem_shared>>) offsets(%dma_start3A_66 : memref<80xi32, #tpu.memory_space<vmem>>) semaphore(%run_scoped3A_63 : memref<!tpu.dma_semaphore, #tpu.memory_space<semaphore_mem>>) {add = true}
      %dma_wait3A_70 = arith.constant 0 : i32
      %dma_wait3A_71 = tpu.memref_slice %arg11[%run_scoped3A, %dma_wait3A_70] : memref<250x80xi32, #tpu.memory_space<vmem>> -> memref<1x80xi32, #tpu.memory_space<vmem>>
      %dma_wait3A_72 = tpu.memref_squeeze %dma_wait3A_71 : memref<1x80xi32, #tpu.memory_space<vmem>> -> memref<80xi32, #tpu.memory_space<vmem>>
      %dma_wait3A_73 = arith.constant 0 : i32
      %dma_wait3A_74 = arith.constant 0 : i32
      %dma_wait3A_75 = tpu.memref_slice %arg16[%dma_wait3A_73, %dma_wait3A_74] : memref<10240x64xf32, #tpu.memory_space<vmem_shared>> -> memref<10240x64xf32, #tpu.memory_space<vmem_shared>>
      tpu.wait_indirect_dma semaphore(%run_scoped3A_63 : memref<!tpu.dma_semaphore, #tpu.memory_space<semaphore_mem>>) src(%arg12 : memref<80x64xf32, #tpu.memory_space<vmem>>) dst(%dma_wait3A_75 : memref<10240x64xf32, #tpu.memory_space<vmem_shared>>)
      tpu.yield
    }) : () -> ()
    %dma_wait3A_54 = arith.constant 249 : i32
    %dma_wait3A_55 = arith.constant 0 : i32
    %dma_wait3A_56 = tpu.memref_slice %arg10[%dma_wait3A_54, %dma_wait3A_55] : memref<250x80xi32, #tpu.memory_space<vmem>> -> memref<1x80xi32, #tpu.memory_space<vmem>>
    %dma_wait3A_57 = tpu.memref_squeeze %dma_wait3A_56 : memref<1x80xi32, #tpu.memory_space<vmem>> -> memref<80xi32, #tpu.memory_space<vmem>>
    %dma_wait3A_58 = arith.constant 0 : i32
    %dma_wait3A_59 = arith.constant 0 : i32
    %dma_wait3A_60 = tpu.memref_slice %arg2[%dma_wait3A_58, %dma_wait3A_59] : memref<640000x64xf32, #tpu.memory_space<hbm>> -> memref<640000x64xf32, #tpu.memory_space<hbm>>
    tpu.wait_indirect_dma semaphore(%arg17 : memref<!tpu.dma_semaphore, #tpu.memory_space<semaphore_mem>>) src(%dma_wait3A_60 : memref<640000x64xf32, #tpu.memory_space<hbm>>) dst(%arg13 : memref<80x64xf32, #tpu.memory_space<vmem>>)
    %run_scoped3A_61 = arith.constant 249 : i32
    "tpu.region"() ({
      %run_scoped3A_63 = tpu.sem_alloc : memref<!tpu.dma_semaphore, #tpu.memory_space<semaphore_mem>>
      %dma_start3A_64 = arith.constant 0 : i32
      %dma_start3A_65 = tpu.memref_slice %arg11[%run_scoped3A_61, %dma_start3A_64] : memref<250x80xi32, #tpu.memory_space<vmem>> -> memref<1x80xi32, #tpu.memory_space<vmem>>
      %dma_start3A_66 = tpu.memref_squeeze %dma_start3A_65 : memref<1x80xi32, #tpu.memory_space<vmem>> -> memref<80xi32, #tpu.memory_space<vmem>>
      %dma_start3A_67 = arith.constant 0 : i32
      %dma_start3A_68 = arith.constant 0 : i32
      %dma_start3A_69 = tpu.memref_slice %arg16[%dma_start3A_67, %dma_start3A_68] : memref<10240x64xf32, #tpu.memory_space<vmem_shared>> -> memref<10240x64xf32, #tpu.memory_space<vmem_shared>>
      tpu.enqueue_indirect_dma source(%arg13 : memref<80x64xf32, #tpu.memory_space<vmem>>) target(%dma_start3A_69 : memref<10240x64xf32, #tpu.memory_space<vmem_shared>>) offsets(%dma_start3A_66 : memref<80xi32, #tpu.memory_space<vmem>>) semaphore(%run_scoped3A_63 : memref<!tpu.dma_semaphore, #tpu.memory_space<semaphore_mem>>) {add = true}
      %dma_wait3A_70 = arith.constant 0 : i32
      %dma_wait3A_71 = tpu.memref_slice %arg11[%run_scoped3A_61, %dma_wait3A_70] : memref<250x80xi32, #tpu.memory_space<vmem>> -> memref<1x80xi32, #tpu.memory_space<vmem>>
      %dma_wait3A_72 = tpu.memref_squeeze %dma_wait3A_71 : memref<1x80xi32, #tpu.memory_space<vmem>> -> memref<80xi32, #tpu.memory_space<vmem>>
      %dma_wait3A_73 = arith.constant 0 : i32
      %dma_wait3A_74 = arith.constant 0 : i32
      %dma_wait3A_75 = tpu.memref_slice %arg16[%dma_wait3A_73, %dma_wait3A_74] : memref<10240x64xf32, #tpu.memory_space<vmem_shared>> -> memref<10240x64xf32, #tpu.memory_space<vmem_shared>>
      tpu.wait_indirect_dma semaphore(%run_scoped3A_63 : memref<!tpu.dma_semaphore, #tpu.memory_space<semaphore_mem>>) src(%arg13 : memref<80x64xf32, #tpu.memory_space<vmem>>) dst(%dma_wait3A_75 : memref<10240x64xf32, #tpu.memory_space<vmem_shared>>)
      tpu.yield
    }) : () -> ()
    %barrier3A_62 = arith.constant 0 : index
    tpu.barrier barrier_id(%barrier3A_62)
    "tpu.region"() ({
      %run_scoped3A_63 = tpu.sem_alloc : memref<!tpu.dma_semaphore, #tpu.memory_space<semaphore_mem>>
      %dma_start3A_64 = arith.constant 0 : i32
      %dma_start3A_65 = tpu.memref_slice %arg8[%arg0, %mul3A_0, %dma_start3A_64] : memref<2x10240x64xf32, #tpu.memory_space<hbm>> -> memref<1x640x64xf32, #tpu.memory_space<hbm>>
      %dma_start3A_66 = tpu.memref_squeeze %dma_start3A_65 : memref<1x640x64xf32, #tpu.memory_space<hbm>> -> memref<640x64xf32, #tpu.memory_space<hbm>>
      %dma_start3A_67 = arith.constant 0 : i32
      %dma_start3A_68 = tpu.memref_slice %arg16[%mul3A_0, %dma_start3A_67] : memref<10240x64xf32, #tpu.memory_space<vmem_shared>> -> memref<640x64xf32, #tpu.memory_space<vmem_shared>>
      tpu.enqueue_dma source(%dma_start3A_68 : memref<640x64xf32, #tpu.memory_space<vmem_shared>>) target(%dma_start3A_66 : memref<640x64xf32, #tpu.memory_space<hbm>>) target_semaphore(%run_scoped3A_63 : memref<!tpu.dma_semaphore, #tpu.memory_space<semaphore_mem>>)
      %dma_wait3A_69 = arith.constant 0 : i32
      %dma_wait3A_70 = tpu.memref_slice %arg8[%arg0, %mul3A_0, %dma_wait3A_69] : memref<2x10240x64xf32, #tpu.memory_space<hbm>> -> memref<1x640x64xf32, #tpu.memory_space<hbm>>
      %dma_wait3A_71 = tpu.memref_squeeze %dma_wait3A_70 : memref<1x640x64xf32, #tpu.memory_space<hbm>> -> memref<640x64xf32, #tpu.memory_space<hbm>>
      %dma_wait3A_72 = arith.constant 0 : i32
      %dma_wait3A_73 = tpu.memref_slice %arg16[%mul3A_0, %dma_wait3A_72] : memref<10240x64xf32, #tpu.memory_space<vmem_shared>> -> memref<640x64xf32, #tpu.memory_space<vmem_shared>>
      tpu.wait_dma2 semaphore(%run_scoped3A_63 : memref<!tpu.dma_semaphore, #tpu.memory_space<semaphore_mem>>) src(%dma_wait3A_73 : memref<640x64xf32, #tpu.memory_space<vmem_shared>>) dst(%dma_wait3A_71 : memref<640x64xf32, #tpu.memory_space<hbm>>)
      tpu.yield
    }) : () -> ()
    return
  }
}

#map = affine_map<(d0, d1) -> (0, 0, 0)>
#map1 = affine_map<(d0, d1) -> (0, 0)>
module attributes {stable_mosaic.version = 14 : i64} {
  func.func @_deg_body(%arg0: i32, %arg1: i32, %arg2: memref<16x250x80xi32, #tpu.memory_space<hbm>>, %arg3: memref<10240x16xf32, #tpu.memory_space<hbm>>, %arg4: memref<2x10240x16xf32, #tpu.memory_space<hbm>>, %arg5: memref<250x80xi32, #tpu.memory_space<vmem>>, %arg6: memref<80x16xf32, #tpu.memory_space<vmem>>, %arg7: memref<10240x16xf32, #tpu.memory_space<vmem_shared>>) attributes {dimension_semantics = [#tpu.dimension_semantics<core_parallel>, #tpu.dimension_semantics<subcore_parallel>], iteration_bounds = array<i64: 2, 16>, scalar_prefetch = 0 : i64, scratch_operands = 3 : i64, tpu.core_type = #tpu.core_type<sc_vector_subcore>, window_params = [{transform_indices = #map}, {transform_indices = #map1}, {transform_indices = #map}]} {
    %mul3A = arith.constant 640 : i32
    %mul3A_0 = arith.muli %arg1, %mul3A : i32
    "tpu.region"() ({
      %run_scoped3A = tpu.sem_alloc : memref<!tpu.dma_semaphore, #tpu.memory_space<semaphore_mem>>
      %dma_start3A = arith.constant 0 : i32
      %dma_start3A_15 = tpu.memref_slice %arg7[%mul3A_0, %dma_start3A] : memref<10240x16xf32, #tpu.memory_space<vmem_shared>> -> memref<640x16xf32, #tpu.memory_space<vmem_shared>>
      %dma_start3A_16 = arith.constant 0 : i32
      %dma_start3A_17 = tpu.memref_slice %arg3[%mul3A_0, %dma_start3A_16] : memref<10240x16xf32, #tpu.memory_space<hbm>> -> memref<640x16xf32, #tpu.memory_space<hbm>>
      tpu.enqueue_dma source(%dma_start3A_17 : memref<640x16xf32, #tpu.memory_space<hbm>>) target(%dma_start3A_15 : memref<640x16xf32, #tpu.memory_space<vmem_shared>>) target_semaphore(%run_scoped3A : memref<!tpu.dma_semaphore, #tpu.memory_space<semaphore_mem>>)
      %dma_wait3A = arith.constant 0 : i32
      %dma_wait3A_18 = tpu.memref_slice %arg7[%mul3A_0, %dma_wait3A] : memref<10240x16xf32, #tpu.memory_space<vmem_shared>> -> memref<640x16xf32, #tpu.memory_space<vmem_shared>>
      %dma_wait3A_19 = arith.constant 0 : i32
      %dma_wait3A_20 = tpu.memref_slice %arg3[%mul3A_0, %dma_wait3A_19] : memref<10240x16xf32, #tpu.memory_space<hbm>> -> memref<640x16xf32, #tpu.memory_space<hbm>>
      tpu.wait_dma2 semaphore(%run_scoped3A : memref<!tpu.dma_semaphore, #tpu.memory_space<semaphore_mem>>) src(%dma_wait3A_20 : memref<640x16xf32, #tpu.memory_space<hbm>>) dst(%dma_wait3A_18 : memref<640x16xf32, #tpu.memory_space<vmem_shared>>)
      tpu.yield
    }) : () -> ()
    "tpu.region"() ({
      %run_scoped3A = tpu.sem_alloc : memref<!tpu.dma_semaphore, #tpu.memory_space<semaphore_mem>>
      %dma_start3A = arith.constant 0 : i32
      %dma_start3A_15 = arith.constant 0 : i32
      %dma_start3A_16 = tpu.memref_slice %arg2[%arg1, %dma_start3A, %dma_start3A_15] : memref<16x250x80xi32, #tpu.memory_space<hbm>> -> memref<1x250x80xi32, #tpu.memory_space<hbm>>
      %dma_start3A_17 = tpu.memref_squeeze %dma_start3A_16 : memref<1x250x80xi32, #tpu.memory_space<hbm>> -> memref<250x80xi32, #tpu.memory_space<hbm>>
      %dma_start3A_18 = arith.constant 0 : i32
      %dma_start3A_19 = arith.constant 0 : i32
      %dma_start3A_20 = tpu.memref_slice %arg2[%arg1, %dma_start3A_18, %dma_start3A_19] : memref<16x250x80xi32, #tpu.memory_space<hbm>> -> memref<1x250x80xi32, #tpu.memory_space<hbm>>
      %dma_start3A_21 = tpu.memref_squeeze %dma_start3A_20 : memref<1x250x80xi32, #tpu.memory_space<hbm>> -> memref<250x80xi32, #tpu.memory_space<hbm>>
      tpu.enqueue_dma source(%dma_start3A_21 : memref<250x80xi32, #tpu.memory_space<hbm>>) target(%arg5 : memref<250x80xi32, #tpu.memory_space<vmem>>) target_semaphore(%run_scoped3A : memref<!tpu.dma_semaphore, #tpu.memory_space<semaphore_mem>>)
      %dma_wait3A = arith.constant 0 : i32
      %dma_wait3A_22 = arith.constant 0 : i32
      %dma_wait3A_23 = tpu.memref_slice %arg2[%arg1, %dma_wait3A, %dma_wait3A_22] : memref<16x250x80xi32, #tpu.memory_space<hbm>> -> memref<1x250x80xi32, #tpu.memory_space<hbm>>
      %dma_wait3A_24 = tpu.memref_squeeze %dma_wait3A_23 : memref<1x250x80xi32, #tpu.memory_space<hbm>> -> memref<250x80xi32, #tpu.memory_space<hbm>>
      %dma_wait3A_25 = arith.constant 0 : i32
      %dma_wait3A_26 = arith.constant 0 : i32
      %dma_wait3A_27 = tpu.memref_slice %arg2[%arg1, %dma_wait3A_25, %dma_wait3A_26] : memref<16x250x80xi32, #tpu.memory_space<hbm>> -> memref<1x250x80xi32, #tpu.memory_space<hbm>>
      %dma_wait3A_28 = tpu.memref_squeeze %dma_wait3A_27 : memref<1x250x80xi32, #tpu.memory_space<hbm>> -> memref<250x80xi32, #tpu.memory_space<hbm>>
      tpu.wait_dma2 semaphore(%run_scoped3A : memref<!tpu.dma_semaphore, #tpu.memory_space<semaphore_mem>>) src(%dma_wait3A_28 : memref<250x80xi32, #tpu.memory_space<hbm>>) dst(%arg5 : memref<250x80xi32, #tpu.memory_space<vmem>>)
      tpu.yield
    }) : () -> ()
    %scan3A = arith.constant 0 : i32
    %scan3A_1 = arith.constant 0 : i32
    %scan3A_2 = arith.constant 80 : i32
    %scan3A_3 = arith.addi %scan3A_1, %scan3A_2 : i32
    %scan3A_4 = arith.constant 1 : i32
    %scan3A_5 = scf.for %scan3A_15 = %scan3A_1 to %scan3A_3 step %scan3A_4 iter_args(%scan3A_16 = %scan3A) -> (i32)  : i32 {
      %broadcast_in_dim3A = arith.constant 1.000000e+00 : f32
      %broadcast_in_dim3A_17 = vector.broadcast %broadcast_in_dim3A : f32 to vector<16xf32>
      %swap3A = arith.index_cast %scan3A_15 : i32 to index
      %swap3A_18 = arith.constant 0 : index
      %swap3A_19 = tpu.vector_load %arg6[%swap3A, %swap3A_18] {strides = array<i32>} : memref<80x16xf32, #tpu.memory_space<vmem>>, vector<1x16xf32>,
      %swap3A_20 = vector.shape_cast %swap3A_19 : vector<1x16xf32> to vector<16xf32>
      %swap3A_21 = vector.shape_cast %broadcast_in_dim3A_17 : vector<16xf32> to vector<1x16xf32>
      tpu.vector_store %arg6[%swap3A, %swap3A_18], %swap3A_21 {strides = array<i32>} : memref<80x16xf32, #tpu.memory_space<vmem>>, vector<1x16xf32>,
      %scan3A_22 = arith.constant 0 : i32
      scf.yield %scan3A_22 : i32
    }
    %scan3A_6 = arith.constant 80 : i32
    %barrier3A = arith.constant 0 : index
    tpu.barrier barrier_id(%barrier3A)
    %scan3A_7 = arith.constant 0 : i32
    %scan3A_8 = arith.constant 0 : i32
    %scan3A_9 = arith.constant 125 : i32
    %scan3A_10 = arith.addi %scan3A_8, %scan3A_9 : i32
    %scan3A_11 = arith.constant 1 : i32
    %scan3A_12 = scf.for %scan3A_15 = %scan3A_8 to %scan3A_10 step %scan3A_11 iter_args(%scan3A_16 = %scan3A_7) -> (i32)  : i32 {
      %mul3A_17 = arith.constant 125 : i32
      %mul3A_18 = arith.muli %arg0, %mul3A_17 : i32
      %add3A = arith.addi %mul3A_18, %scan3A_15 : i32
      "tpu.region"() ({
        %run_scoped3A = tpu.sem_alloc : memref<!tpu.dma_semaphore, #tpu.memory_space<semaphore_mem>>
        %dma_start3A = arith.constant 0 : i32
        %dma_start3A_20 = tpu.memref_slice %arg5[%add3A, %dma_start3A] : memref<250x80xi32, #tpu.memory_space<vmem>> -> memref<1x80xi32, #tpu.memory_space<vmem>>
        %dma_start3A_21 = tpu.memref_squeeze %dma_start3A_20 : memref<1x80xi32, #tpu.memory_space<vmem>> -> memref<80xi32, #tpu.memory_space<vmem>>
        %dma_start3A_22 = arith.constant 0 : i32
        %dma_start3A_23 = arith.constant 0 : i32
        %dma_start3A_24 = tpu.memref_slice %arg7[%dma_start3A_22, %dma_start3A_23] : memref<10240x16xf32, #tpu.memory_space<vmem_shared>> -> memref<10240x16xf32, #tpu.memory_space<vmem_shared>>
        tpu.enqueue_indirect_dma source(%arg6 : memref<80x16xf32, #tpu.memory_space<vmem>>) target(%dma_start3A_24 : memref<10240x16xf32, #tpu.memory_space<vmem_shared>>) offsets(%dma_start3A_21 : memref<80xi32, #tpu.memory_space<vmem>>) semaphore(%run_scoped3A : memref<!tpu.dma_semaphore, #tpu.memory_space<semaphore_mem>>) {add = true}
        %dma_wait3A = arith.constant 0 : i32
        %dma_wait3A_25 = tpu.memref_slice %arg5[%add3A, %dma_wait3A] : memref<250x80xi32, #tpu.memory_space<vmem>> -> memref<1x80xi32, #tpu.memory_space<vmem>>
        %dma_wait3A_26 = tpu.memref_squeeze %dma_wait3A_25 : memref<1x80xi32, #tpu.memory_space<vmem>> -> memref<80xi32, #tpu.memory_space<vmem>>
        %dma_wait3A_27 = arith.constant 0 : i32
        %dma_wait3A_28 = arith.constant 0 : i32
        %dma_wait3A_29 = tpu.memref_slice %arg7[%dma_wait3A_27, %dma_wait3A_28] : memref<10240x16xf32, #tpu.memory_space<vmem_shared>> -> memref<10240x16xf32, #tpu.memory_space<vmem_shared>>
        tpu.wait_indirect_dma semaphore(%run_scoped3A : memref<!tpu.dma_semaphore, #tpu.memory_space<semaphore_mem>>) src(%arg6 : memref<80x16xf32, #tpu.memory_space<vmem>>) dst(%dma_wait3A_29 : memref<10240x16xf32, #tpu.memory_space<vmem_shared>>)
        tpu.yield
      }) : () -> ()
      %scan3A_19 = arith.constant 0 : i32
      scf.yield %scan3A_19 : i32
    }
    %scan3A_13 = arith.constant 125 : i32
    %barrier3A_14 = arith.constant 0 : index
    tpu.barrier barrier_id(%barrier3A_14)
    "tpu.region"() ({
      %run_scoped3A = tpu.sem_alloc : memref<!tpu.dma_semaphore, #tpu.memory_space<semaphore_mem>>
      %dma_start3A = arith.constant 0 : i32
      %dma_start3A_15 = tpu.memref_slice %arg4[%arg0, %mul3A_0, %dma_start3A] : memref<2x10240x16xf32, #tpu.memory_space<hbm>> -> memref<1x640x16xf32, #tpu.memory_space<hbm>>
      %dma_start3A_16 = tpu.memref_squeeze %dma_start3A_15 : memref<1x640x16xf32, #tpu.memory_space<hbm>> -> memref<640x16xf32, #tpu.memory_space<hbm>>
      %dma_start3A_17 = arith.constant 0 : i32
      %dma_start3A_18 = tpu.memref_slice %arg7[%mul3A_0, %dma_start3A_17] : memref<10240x16xf32, #tpu.memory_space<vmem_shared>> -> memref<640x16xf32, #tpu.memory_space<vmem_shared>>
      tpu.enqueue_dma source(%dma_start3A_18 : memref<640x16xf32, #tpu.memory_space<vmem_shared>>) target(%dma_start3A_16 : memref<640x16xf32, #tpu.memory_space<hbm>>) target_semaphore(%run_scoped3A : memref<!tpu.dma_semaphore, #tpu.memory_space<semaphore_mem>>)
      %dma_wait3A = arith.constant 0 : i32
      %dma_wait3A_19 = tpu.memref_slice %arg4[%arg0, %mul3A_0, %dma_wait3A] : memref<2x10240x16xf32, #tpu.memory_space<hbm>> -> memref<1x640x16xf32, #tpu.memory_space<hbm>>
      %dma_wait3A_20 = tpu.memref_squeeze %dma_wait3A_19 : memref<1x640x16xf32, #tpu.memory_space<hbm>> -> memref<640x16xf32, #tpu.memory_space<hbm>>
      %dma_wait3A_21 = arith.constant 0 : i32
      %dma_wait3A_22 = tpu.memref_slice %arg7[%mul3A_0, %dma_wait3A_21] : memref<10240x16xf32, #tpu.memory_space<vmem_shared>> -> memref<640x16xf32, #tpu.memory_space<vmem_shared>>
      tpu.wait_dma2 semaphore(%run_scoped3A : memref<!tpu.dma_semaphore, #tpu.memory_space<semaphore_mem>>) src(%dma_wait3A_22 : memref<640x16xf32, #tpu.memory_space<vmem_shared>>) dst(%dma_wait3A_20 : memref<640x16xf32, #tpu.memory_space<hbm>>)
      tpu.yield
    }) : () -> ()
    return
  }
}

module attributes {stable_mosaic.version = 14 : i64} {
  func.func @_h_body(%arg0: i32, %arg1: i32, %arg2: memref<2000x128xf32, #tpu.memory_space<vmem>>, %arg3: memref<8x4x32x32xf32, #tpu.memory_space<vmem>>, %arg4: memref<8x2000x128xf32, #tpu.memory_space<vmem>>) attributes {dimension_semantics = [#tpu.dimension_semantics<arbitrary>, #tpu.dimension_semantics<arbitrary>], iteration_bounds = array<i64: 5, 4>, scalar_prefetch = 0 : i64, scratch_operands = 0 : i64, tpu.core_type = #tpu.core_type<tc>, window_params = [{transform_indices = @transform_0, window_bounds = array<i64: 2000, 128>}, {transform_indices = @transform_1, window_bounds = array<i64: 8, 4, 32, 32>}, {transform_indices = @transform_2, window_bounds = array<i64: 8, 2000, 128>}]} {
    %broadcast_in_dim3A = arith.constant 0.000000e+00 : f32
    %broadcast_in_dim3A_0 = vector.broadcast %broadcast_in_dim3A : f32 to vector<32x32xf32>
    %get3A = arith.constant 0 : index
    %get3A_1 = arith.constant 0 : index
    %get3A_2 = arith.constant 0 : index
    %get3A_3 = arith.constant 0 : index
    %get3A_4 = vector.load %arg3[%get3A, %get3A_1, %get3A_2, %get3A_3] : memref<8x4x32x32xf32, #tpu.memory_space<vmem>>, vector<1x1x32x32xf32>
    %get3A_5 = vector.shape_cast %get3A_4 : vector<1x1x32x32xf32> to vector<32x32xf32>
    %concatenate3A = tpu.concatenate %get3A_5, %broadcast_in_dim3A_0, %broadcast_in_dim3A_0, %broadcast_in_dim3A_0 in 1 : vector<32x32xf32>, vector<32x32xf32>, vector<32x32xf32>, vector<32x32xf32> -> vector<32x128xf32>
    %get3A_6 = arith.constant 0 : index
    %get3A_7 = arith.constant 1 : index
    %get3A_8 = arith.constant 0 : index
    %get3A_9 = arith.constant 0 : index
    %get3A_10 = vector.load %arg3[%get3A_6, %get3A_7, %get3A_8, %get3A_9] : memref<8x4x32x32xf32, #tpu.memory_space<vmem>>, vector<1x1x32x32xf32>
    %get3A_11 = vector.shape_cast %get3A_10 : vector<1x1x32x32xf32> to vector<32x32xf32>
    %concatenate3A_12 = tpu.concatenate %broadcast_in_dim3A_0, %get3A_11, %broadcast_in_dim3A_0, %broadcast_in_dim3A_0 in 1 : vector<32x32xf32>, vector<32x32xf32>, vector<32x32xf32>, vector<32x32xf32> -> vector<32x128xf32>
    %get3A_13 = arith.constant 0 : index
    %get3A_14 = arith.constant 2 : index
    %get3A_15 = arith.constant 0 : index
    %get3A_16 = arith.constant 0 : index
    %get3A_17 = vector.load %arg3[%get3A_13, %get3A_14, %get3A_15, %get3A_16] : memref<8x4x32x32xf32, #tpu.memory_space<vmem>>, vector<1x1x32x32xf32>
    %get3A_18 = vector.shape_cast %get3A_17 : vector<1x1x32x32xf32> to vector<32x32xf32>
    %concatenate3A_19 = tpu.concatenate %broadcast_in_dim3A_0, %broadcast_in_dim3A_0, %get3A_18, %broadcast_in_dim3A_0 in 1 : vector<32x32xf32>, vector<32x32xf32>, vector<32x32xf32>, vector<32x32xf32> -> vector<32x128xf32>
    %get3A_20 = arith.constant 0 : index
    %get3A_21 = arith.constant 3 : index
    %get3A_22 = arith.constant 0 : index
    %get3A_23 = arith.constant 0 : index
    %get3A_24 = vector.load %arg3[%get3A_20, %get3A_21, %get3A_22, %get3A_23] : memref<8x4x32x32xf32, #tpu.memory_space<vmem>>, vector<1x1x32x32xf32>
    %get3A_25 = vector.shape_cast %get3A_24 : vector<1x1x32x32xf32> to vector<32x32xf32>
    %concatenate3A_26 = tpu.concatenate %broadcast_in_dim3A_0, %broadcast_in_dim3A_0, %broadcast_in_dim3A_0, %get3A_25 in 1 : vector<32x32xf32>, vector<32x32xf32>, vector<32x32xf32>, vector<32x32xf32> -> vector<32x128xf32>
    %concatenate3A_27 = tpu.concatenate %concatenate3A, %concatenate3A_12, %concatenate3A_19, %concatenate3A_26 in 0 : vector<32x128xf32>, vector<32x128xf32>, vector<32x128xf32>, vector<32x128xf32> -> vector<128x128xf32>
    %get3A_28 = arith.constant 0 : index
    %get3A_29 = arith.constant 0 : index
    %get3A_30 = vector.load %arg2[%get3A_28, %get3A_29] : memref<2000x128xf32, #tpu.memory_space<vmem>>, vector<2000x128xf32>
    %dot_general3A = arith.constant dense<0.000000e+00> : vector<2000x128xf32>
    %dot_general3A_31 = tpu.matmul %get3A_30, %concatenate3A_27, %dot_general3A {dimension_numbers = #tpu.dot_dimension_numbers<[1], [0], [0], [1], [0, 0, 1, 1], [], []>, transpose_lhs_hint = false} : vector<2000x128xf32>, vector<128x128xf32>, vector<2000x128xf32> -> vector<2000x128xf32>
    %swap3A = arith.constant 0 : index
    %swap3A_32 = arith.constant 0 : index
    %swap3A_33 = arith.constant 0 : index
    %swap3A_34 = vector.load %arg4[%swap3A, %swap3A_32, %swap3A_33] : memref<8x2000x128xf32, #tpu.memory_space<vmem>>, vector<1x2000x128xf32>
    %swap3A_35 = vector.shape_cast %swap3A_34 : vector<1x2000x128xf32> to vector<2000x128xf32>
    %swap3A_36 = vector.shape_cast %dot_general3A_31 : vector<2000x128xf32> to vector<1x2000x128xf32>
    tpu.vector_store %arg4[%swap3A, %swap3A_32, %swap3A_33], %swap3A_36 {strides = array<i32>} : memref<8x2000x128xf32, #tpu.memory_space<vmem>>, vector<1x2000x128xf32>,
    %get3A_37 = arith.constant 1 : index
    %get3A_38 = arith.constant 0 : index
    %get3A_39 = arith.constant 0 : index
    %get3A_40 = arith.constant 0 : index
    %get3A_41 = vector.load %arg3[%get3A_37, %get3A_38, %get3A_39, %get3A_40] : memref<8x4x32x32xf32, #tpu.memory_space<vmem>>, vector<1x1x32x32xf32>
    %get3A_42 = vector.shape_cast %get3A_41 : vector<1x1x32x32xf32> to vector<32x32xf32>
    %concatenate3A_43 = tpu.concatenate %get3A_42, %broadcast_in_dim3A_0, %broadcast_in_dim3A_0, %broadcast_in_dim3A_0 in 1 : vector<32x32xf32>, vector<32x32xf32>, vector<32x32xf32>, vector<32x32xf32> -> vector<32x128xf32>
    %get3A_44 = arith.constant 1 : index
    %get3A_45 = arith.constant 1 : index
    %get3A_46 = arith.constant 0 : index
    %get3A_47 = arith.constant 0 : index
    %get3A_48 = vector.load %arg3[%get3A_44, %get3A_45, %get3A_46, %get3A_47] : memref<8x4x32x32xf32, #tpu.memory_space<vmem>>, vector<1x1x32x32xf32>
    %get3A_49 = vector.shape_cast %get3A_48 : vector<1x1x32x32xf32> to vector<32x32xf32>
    %concatenate3A_50 = tpu.concatenate %broadcast_in_dim3A_0, %get3A_49, %broadcast_in_dim3A_0, %broadcast_in_dim3A_0 in 1 : vector<32x32xf32>, vector<32x32xf32>, vector<32x32xf32>, vector<32x32xf32> -> vector<32x128xf32>
    %get3A_51 = arith.constant 1 : index
    %get3A_52 = arith.constant 2 : index
    %get3A_53 = arith.constant 0 : index
    %get3A_54 = arith.constant 0 : index
    %get3A_55 = vector.load %arg3[%get3A_51, %get3A_52, %get3A_53, %get3A_54] : memref<8x4x32x32xf32, #tpu.memory_space<vmem>>, vector<1x1x32x32xf32>
    %get3A_56 = vector.shape_cast %get3A_55 : vector<1x1x32x32xf32> to vector<32x32xf32>
    %concatenate3A_57 = tpu.concatenate %broadcast_in_dim3A_0, %broadcast_in_dim3A_0, %get3A_56, %broadcast_in_dim3A_0 in 1 : vector<32x32xf32>, vector<32x32xf32>, vector<32x32xf32>, vector<32x32xf32> -> vector<32x128xf32>
    %get3A_58 = arith.constant 1 : index
    %get3A_59 = arith.constant 3 : index
    %get3A_60 = arith.constant 0 : index
    %get3A_61 = arith.constant 0 : index
    %get3A_62 = vector.load %arg3[%get3A_58, %get3A_59, %get3A_60, %get3A_61] : memref<8x4x32x32xf32, #tpu.memory_space<vmem>>, vector<1x1x32x32xf32>
    %get3A_63 = vector.shape_cast %get3A_62 : vector<1x1x32x32xf32> to vector<32x32xf32>
    %concatenate3A_64 = tpu.concatenate %broadcast_in_dim3A_0, %broadcast_in_dim3A_0, %broadcast_in_dim3A_0, %get3A_63 in 1 : vector<32x32xf32>, vector<32x32xf32>, vector<32x32xf32>, vector<32x32xf32> -> vector<32x128xf32>
    %concatenate3A_65 = tpu.concatenate %concatenate3A_43, %concatenate3A_50, %concatenate3A_57, %concatenate3A_64 in 0 : vector<32x128xf32>, vector<32x128xf32>, vector<32x128xf32>, vector<32x128xf32> -> vector<128x128xf32>
    %get3A_66 = arith.constant 0 : index
    %get3A_67 = arith.constant 0 : index
    %get3A_68 = vector.load %arg2[%get3A_66, %get3A_67] : memref<2000x128xf32, #tpu.memory_space<vmem>>, vector<2000x128xf32>
    %dot_general3A_69 = arith.constant dense<0.000000e+00> : vector<2000x128xf32>
    %dot_general3A_70 = tpu.matmul %get3A_68, %concatenate3A_65, %dot_general3A_69 {dimension_numbers = #tpu.dot_dimension_numbers<[1], [0], [0], [1], [0, 0, 1, 1], [], []>, transpose_lhs_hint = false} : vector<2000x128xf32>, vector<128x128xf32>, vector<2000x128xf32> -> vector<2000x128xf32>
    %swap3A_71 = arith.constant 1 : index
    %swap3A_72 = arith.constant 0 : index
    %swap3A_73 = arith.constant 0 : index
    %swap3A_74 = vector.load %arg4[%swap3A_71, %swap3A_72, %swap3A_73] : memref<8x2000x128xf32, #tpu.memory_space<vmem>>, vector<1x2000x128xf32>
    %swap3A_75 = vector.shape_cast %swap3A_74 : vector<1x2000x128xf32> to vector<2000x128xf32>
    %swap3A_76 = vector.shape_cast %dot_general3A_70 : vector<2000x128xf32> to vector<1x2000x128xf32>
    tpu.vector_store %arg4[%swap3A_71, %swap3A_72, %swap3A_73], %swap3A_76 {strides = array<i32>} : memref<8x2000x128xf32, #tpu.memory_space<vmem>>, vector<1x2000x128xf32>,
    %get3A_77 = arith.constant 2 : index
    %get3A_78 = arith.constant 0 : index
    %get3A_79 = arith.constant 0 : index
    %get3A_80 = arith.constant 0 : index
    %get3A_81 = vector.load %arg3[%get3A_77, %get3A_78, %get3A_79, %get3A_80] : memref<8x4x32x32xf32, #tpu.memory_space<vmem>>, vector<1x1x32x32xf32>
    %get3A_82 = vector.shape_cast %get3A_81 : vector<1x1x32x32xf32> to vector<32x32xf32>
    %concatenate3A_83 = tpu.concatenate %get3A_82, %broadcast_in_dim3A_0, %broadcast_in_dim3A_0, %broadcast_in_dim3A_0 in 1 : vector<32x32xf32>, vector<32x32xf32>, vector<32x32xf32>, vector<32x32xf32> -> vector<32x128xf32>
    %get3A_84 = arith.constant 2 : index
    %get3A_85 = arith.constant 1 : index
    %get3A_86 = arith.constant 0 : index
    %get3A_87 = arith.constant 0 : index
    %get3A_88 = vector.load %arg3[%get3A_84, %get3A_85, %get3A_86, %get3A_87] : memref<8x4x32x32xf32, #tpu.memory_space<vmem>>, vector<1x1x32x32xf32>
    %get3A_89 = vector.shape_cast %get3A_88 : vector<1x1x32x32xf32> to vector<32x32xf32>
    %concatenate3A_90 = tpu.concatenate %broadcast_in_dim3A_0, %get3A_89, %broadcast_in_dim3A_0, %broadcast_in_dim3A_0 in 1 : vector<32x32xf32>, vector<32x32xf32>, vector<32x32xf32>, vector<32x32xf32> -> vector<32x128xf32>
    %get3A_91 = arith.constant 2 : index
    %get3A_92 = arith.constant 2 : index
    %get3A_93 = arith.constant 0 : index
    %get3A_94 = arith.constant 0 : index
    %get3A_95 = vector.load %arg3[%get3A_91, %get3A_92, %get3A_93, %get3A_94] : memref<8x4x32x32xf32, #tpu.memory_space<vmem>>, vector<1x1x32x32xf32>
    %get3A_96 = vector.shape_cast %get3A_95 : vector<1x1x32x32xf32> to vector<32x32xf32>
    %concatenate3A_97 = tpu.concatenate %broadcast_in_dim3A_0, %broadcast_in_dim3A_0, %get3A_96, %broadcast_in_dim3A_0 in 1 : vector<32x32xf32>, vector<32x32xf32>, vector<32x32xf32>, vector<32x32xf32> -> vector<32x128xf32>
    %get3A_98 = arith.constant 2 : index
    %get3A_99 = arith.constant 3 : index
    %get3A_100 = arith.constant 0 : index
    %get3A_101 = arith.constant 0 : index
    %get3A_102 = vector.load %arg3[%get3A_98, %get3A_99, %get3A_100, %get3A_101] : memref<8x4x32x32xf32, #tpu.memory_space<vmem>>, vector<1x1x32x32xf32>
    %get3A_103 = vector.shape_cast %get3A_102 : vector<1x1x32x32xf32> to vector<32x32xf32>
    %concatenate3A_104 = tpu.concatenate %broadcast_in_dim3A_0, %broadcast_in_dim3A_0, %broadcast_in_dim3A_0, %get3A_103 in 1 : vector<32x32xf32>, vector<32x32xf32>, vector<32x32xf32>, vector<32x32xf32> -> vector<32x128xf32>
    %concatenate3A_105 = tpu.concatenate %concatenate3A_83, %concatenate3A_90, %concatenate3A_97, %concatenate3A_104 in 0 : vector<32x128xf32>, vector<32x128xf32>, vector<32x128xf32>, vector<32x128xf32> -> vector<128x128xf32>
    %get3A_106 = arith.constant 0 : index
    %get3A_107 = arith.constant 0 : index
    %get3A_108 = vector.load %arg2[%get3A_106, %get3A_107] : memref<2000x128xf32, #tpu.memory_space<vmem>>, vector<2000x128xf32>
    %dot_general3A_109 = arith.constant dense<0.000000e+00> : vector<2000x128xf32>
    %dot_general3A_110 = tpu.matmul %get3A_108, %concatenate3A_105, %dot_general3A_109 {dimension_numbers = #tpu.dot_dimension_numbers<[1], [0], [0], [1], [0, 0, 1, 1], [], []>, transpose_lhs_hint = false} : vector<2000x128xf32>, vector<128x128xf32>, vector<2000x128xf32> -> vector<2000x128xf32>
    %swap3A_111 = arith.constant 2 : index
    %swap3A_112 = arith.constant 0 : index
    %swap3A_113 = arith.constant 0 : index
    %swap3A_114 = vector.load %arg4[%swap3A_111, %swap3A_112, %swap3A_113] : memref<8x2000x128xf32, #tpu.memory_space<vmem>>, vector<1x2000x128xf32>
    %swap3A_115 = vector.shape_cast %swap3A_114 : vector<1x2000x128xf32> to vector<2000x128xf32>
    %swap3A_116 = vector.shape_cast %dot_general3A_110 : vector<2000x128xf32> to vector<1x2000x128xf32>
    tpu.vector_store %arg4[%swap3A_111, %swap3A_112, %swap3A_113], %swap3A_116 {strides = array<i32>} : memref<8x2000x128xf32, #tpu.memory_space<vmem>>, vector<1x2000x128xf32>,
    %get3A_117 = arith.constant 3 : index
    %get3A_118 = arith.constant 0 : index
    %get3A_119 = arith.constant 0 : index
    %get3A_120 = arith.constant 0 : index
    %get3A_121 = vector.load %arg3[%get3A_117, %get3A_118, %get3A_119, %get3A_120] : memref<8x4x32x32xf32, #tpu.memory_space<vmem>>, vector<1x1x32x32xf32>
    %get3A_122 = vector.shape_cast %get3A_121 : vector<1x1x32x32xf32> to vector<32x32xf32>
    %concatenate3A_123 = tpu.concatenate %get3A_122, %broadcast_in_dim3A_0, %broadcast_in_dim3A_0, %broadcast_in_dim3A_0 in 1 : vector<32x32xf32>, vector<32x32xf32>, vector<32x32xf32>, vector<32x32xf32> -> vector<32x128xf32>
    %get3A_124 = arith.constant 3 : index
    %get3A_125 = arith.constant 1 : index
    %get3A_126 = arith.constant 0 : index
    %get3A_127 = arith.constant 0 : index
    %get3A_128 = vector.load %arg3[%get3A_124, %get3A_125, %get3A_126, %get3A_127] : memref<8x4x32x32xf32, #tpu.memory_space<vmem>>, vector<1x1x32x32xf32>
    %get3A_129 = vector.shape_cast %get3A_128 : vector<1x1x32x32xf32> to vector<32x32xf32>
    %concatenate3A_130 = tpu.concatenate %broadcast_in_dim3A_0, %get3A_129, %broadcast_in_dim3A_0, %broadcast_in_dim3A_0 in 1 : vector<32x32xf32>, vector<32x32xf32>, vector<32x32xf32>, vector<32x32xf32> -> vector<32x128xf32>
    %get3A_131 = arith.constant 3 : index
    %get3A_132 = arith.constant 2 : index
    %get3A_133 = arith.constant 0 : index
    %get3A_134 = arith.constant 0 : index
    %get3A_135 = vector.load %arg3[%get3A_131, %get3A_132, %get3A_133, %get3A_134] : memref<8x4x32x32xf32, #tpu.memory_space<vmem>>, vector<1x1x32x32xf32>
    %get3A_136 = vector.shape_cast %get3A_135 : vector<1x1x32x32xf32> to vector<32x32xf32>
    %concatenate3A_137 = tpu.concatenate %broadcast_in_dim3A_0, %broadcast_in_dim3A_0, %get3A_136, %broadcast_in_dim3A_0 in 1 : vector<32x32xf32>, vector<32x32xf32>, vector<32x32xf32>, vector<32x32xf32> -> vector<32x128xf32>
    %get3A_138 = arith.constant 3 : index
    %get3A_139 = arith.constant 3 : index
    %get3A_140 = arith.constant 0 : index
    %get3A_141 = arith.constant 0 : index
    %get3A_142 = vector.load %arg3[%get3A_138, %get3A_139, %get3A_140, %get3A_141] : memref<8x4x32x32xf32, #tpu.memory_space<vmem>>, vector<1x1x32x32xf32>
    %get3A_143 = vector.shape_cast %get3A_142 : vector<1x1x32x32xf32> to vector<32x32xf32>
    %concatenate3A_144 = tpu.concatenate %broadcast_in_dim3A_0, %broadcast_in_dim3A_0, %broadcast_in_dim3A_0, %get3A_143 in 1 : vector<32x32xf32>, vector<32x32xf32>, vector<32x32xf32>, vector<32x32xf32> -> vector<32x128xf32>
    %concatenate3A_145 = tpu.concatenate %concatenate3A_123, %concatenate3A_130, %concatenate3A_137, %concatenate3A_144 in 0 : vector<32x128xf32>, vector<32x128xf32>, vector<32x128xf32>, vector<32x128xf32> -> vector<128x128xf32>
    %get3A_146 = arith.constant 0 : index
    %get3A_147 = arith.constant 0 : index
    %get3A_148 = vector.load %arg2[%get3A_146, %get3A_147] : memref<2000x128xf32, #tpu.memory_space<vmem>>, vector<2000x128xf32>
    %dot_general3A_149 = arith.constant dense<0.000000e+00> : vector<2000x128xf32>
    %dot_general3A_150 = tpu.matmul %get3A_148, %concatenate3A_145, %dot_general3A_149 {dimension_numbers = #tpu.dot_dimension_numbers<[1], [0], [0], [1], [0, 0, 1, 1], [], []>, transpose_lhs_hint = false} : vector<2000x128xf32>, vector<128x128xf32>, vector<2000x128xf32> -> vector<2000x128xf32>
    %swap3A_151 = arith.constant 3 : index
    %swap3A_152 = arith.constant 0 : index
    %swap3A_153 = arith.constant 0 : index
    %swap3A_154 = vector.load %arg4[%swap3A_151, %swap3A_152, %swap3A_153] : memref<8x2000x128xf32, #tpu.memory_space<vmem>>, vector<1x2000x128xf32>
    %swap3A_155 = vector.shape_cast %swap3A_154 : vector<1x2000x128xf32> to vector<2000x128xf32>
    %swap3A_156 = vector.shape_cast %dot_general3A_150 : vector<2000x128xf32> to vector<1x2000x128xf32>
    tpu.vector_store %arg4[%swap3A_151, %swap3A_152, %swap3A_153], %swap3A_156 {strides = array<i32>} : memref<8x2000x128xf32, #tpu.memory_space<vmem>>, vector<1x2000x128xf32>,
    %get3A_157 = arith.constant 4 : index
    %get3A_158 = arith.constant 0 : index
    %get3A_159 = arith.constant 0 : index
    %get3A_160 = arith.constant 0 : index
    %get3A_161 = vector.load %arg3[%get3A_157, %get3A_158, %get3A_159, %get3A_160] : memref<8x4x32x32xf32, #tpu.memory_space<vmem>>, vector<1x1x32x32xf32>
    %get3A_162 = vector.shape_cast %get3A_161 : vector<1x1x32x32xf32> to vector<32x32xf32>
    %concatenate3A_163 = tpu.concatenate %get3A_162, %broadcast_in_dim3A_0, %broadcast_in_dim3A_0, %broadcast_in_dim3A_0 in 1 : vector<32x32xf32>, vector<32x32xf32>, vector<32x32xf32>, vector<32x32xf32> -> vector<32x128xf32>
    %get3A_164 = arith.constant 4 : index
    %get3A_165 = arith.constant 1 : index
    %get3A_166 = arith.constant 0 : index
    %get3A_167 = arith.constant 0 : index
    %get3A_168 = vector.load %arg3[%get3A_164, %get3A_165, %get3A_166, %get3A_167] : memref<8x4x32x32xf32, #tpu.memory_space<vmem>>, vector<1x1x32x32xf32>
    %get3A_169 = vector.shape_cast %get3A_168 : vector<1x1x32x32xf32> to vector<32x32xf32>
    %concatenate3A_170 = tpu.concatenate %broadcast_in_dim3A_0, %get3A_169, %broadcast_in_dim3A_0, %broadcast_in_dim3A_0 in 1 : vector<32x32xf32>, vector<32x32xf32>, vector<32x32xf32>, vector<32x32xf32> -> vector<32x128xf32>
    %get3A_171 = arith.constant 4 : index
    %get3A_172 = arith.constant 2 : index
    %get3A_173 = arith.constant 0 : index
    %get3A_174 = arith.constant 0 : index
    %get3A_175 = vector.load %arg3[%get3A_171, %get3A_172, %get3A_173, %get3A_174] : memref<8x4x32x32xf32, #tpu.memory_space<vmem>>, vector<1x1x32x32xf32>
    %get3A_176 = vector.shape_cast %get3A_175 : vector<1x1x32x32xf32> to vector<32x32xf32>
    %concatenate3A_177 = tpu.concatenate %broadcast_in_dim3A_0, %broadcast_in_dim3A_0, %get3A_176, %broadcast_in_dim3A_0 in 1 : vector<32x32xf32>, vector<32x32xf32>, vector<32x32xf32>, vector<32x32xf32> -> vector<32x128xf32>
    %get3A_178 = arith.constant 4 : index
    %get3A_179 = arith.constant 3 : index
    %get3A_180 = arith.constant 0 : index
    %get3A_181 = arith.constant 0 : index
    %get3A_182 = vector.load %arg3[%get3A_178, %get3A_179, %get3A_180, %get3A_181] : memref<8x4x32x32xf32, #tpu.memory_space<vmem>>, vector<1x1x32x32xf32>
    %get3A_183 = vector.shape_cast %get3A_182 : vector<1x1x32x32xf32> to vector<32x32xf32>
    %concatenate3A_184 = tpu.concatenate %broadcast_in_dim3A_0, %broadcast_in_dim3A_0, %broadcast_in_dim3A_0, %get3A_183 in 1 : vector<32x32xf32>, vector<32x32xf32>, vector<32x32xf32>, vector<32x32xf32> -> vector<32x128xf32>
    %concatenate3A_185 = tpu.concatenate %concatenate3A_163, %concatenate3A_170, %concatenate3A_177, %concatenate3A_184 in 0 : vector<32x128xf32>, vector<32x128xf32>, vector<32x128xf32>, vector<32x128xf32> -> vector<128x128xf32>
    %get3A_186 = arith.constant 0 : index
    %get3A_187 = arith.constant 0 : index
    %get3A_188 = vector.load %arg2[%get3A_186, %get3A_187] : memref<2000x128xf32, #tpu.memory_space<vmem>>, vector<2000x128xf32>
    %dot_general3A_189 = arith.constant dense<0.000000e+00> : vector<2000x128xf32>
    %dot_general3A_190 = tpu.matmul %get3A_188, %concatenate3A_185, %dot_general3A_189 {dimension_numbers = #tpu.dot_dimension_numbers<[1], [0], [0], [1], [0, 0, 1, 1], [], []>, transpose_lhs_hint = false} : vector<2000x128xf32>, vector<128x128xf32>, vector<2000x128xf32> -> vector<2000x128xf32>
    %swap3A_191 = arith.constant 4 : index
    %swap3A_192 = arith.constant 0 : index
    %swap3A_193 = arith.constant 0 : index
    %swap3A_194 = vector.load %arg4[%swap3A_191, %swap3A_192, %swap3A_193] : memref<8x2000x128xf32, #tpu.memory_space<vmem>>, vector<1x2000x128xf32>
    %swap3A_195 = vector.shape_cast %swap3A_194 : vector<1x2000x128xf32> to vector<2000x128xf32>
    %swap3A_196 = vector.shape_cast %dot_general3A_190 : vector<2000x128xf32> to vector<1x2000x128xf32>
    tpu.vector_store %arg4[%swap3A_191, %swap3A_192, %swap3A_193], %swap3A_196 {strides = array<i32>} : memref<8x2000x128xf32, #tpu.memory_space<vmem>>, vector<1x2000x128xf32>,
    %get3A_197 = arith.constant 5 : index
    %get3A_198 = arith.constant 0 : index
    %get3A_199 = arith.constant 0 : index
    %get3A_200 = arith.constant 0 : index
    %get3A_201 = vector.load %arg3[%get3A_197, %get3A_198, %get3A_199, %get3A_200] : memref<8x4x32x32xf32, #tpu.memory_space<vmem>>, vector<1x1x32x32xf32>
    %get3A_202 = vector.shape_cast %get3A_201 : vector<1x1x32x32xf32> to vector<32x32xf32>
    %concatenate3A_203 = tpu.concatenate %get3A_202, %broadcast_in_dim3A_0, %broadcast_in_dim3A_0, %broadcast_in_dim3A_0 in 1 : vector<32x32xf32>, vector<32x32xf32>, vector<32x32xf32>, vector<32x32xf32> -> vector<32x128xf32>
    %get3A_204 = arith.constant 5 : index
    %get3A_205 = arith.constant 1 : index
    %get3A_206 = arith.constant 0 : index
    %get3A_207 = arith.constant 0 : index
    %get3A_208 = vector.load %arg3[%get3A_204, %get3A_205, %get3A_206, %get3A_207] : memref<8x4x32x32xf32, #tpu.memory_space<vmem>>, vector<1x1x32x32xf32>
    %get3A_209 = vector.shape_cast %get3A_208 : vector<1x1x32x32xf32> to vector<32x32xf32>
    %concatenate3A_210 = tpu.concatenate %broadcast_in_dim3A_0, %get3A_209, %broadcast_in_dim3A_0, %broadcast_in_dim3A_0 in 1 : vector<32x32xf32>, vector<32x32xf32>, vector<32x32xf32>, vector<32x32xf32> -> vector<32x128xf32>
    %get3A_211 = arith.constant 5 : index
    %get3A_212 = arith.constant 2 : index
    %get3A_213 = arith.constant 0 : index
    %get3A_214 = arith.constant 0 : index
    %get3A_215 = vector.load %arg3[%get3A_211, %get3A_212, %get3A_213, %get3A_214] : memref<8x4x32x32xf32, #tpu.memory_space<vmem>>, vector<1x1x32x32xf32>
    %get3A_216 = vector.shape_cast %get3A_215 : vector<1x1x32x32xf32> to vector<32x32xf32>
    %concatenate3A_217 = tpu.concatenate %broadcast_in_dim3A_0, %broadcast_in_dim3A_0, %get3A_216, %broadcast_in_dim3A_0 in 1 : vector<32x32xf32>, vector<32x32xf32>, vector<32x32xf32>, vector<32x32xf32> -> vector<32x128xf32>
    %get3A_218 = arith.constant 5 : index
    %get3A_219 = arith.constant 3 : index
    %get3A_220 = arith.constant 0 : index
    %get3A_221 = arith.constant 0 : index
    %get3A_222 = vector.load %arg3[%get3A_218, %get3A_219, %get3A_220, %get3A_221] : memref<8x4x32x32xf32, #tpu.memory_space<vmem>>, vector<1x1x32x32xf32>
    %get3A_223 = vector.shape_cast %get3A_222 : vector<1x1x32x32xf32> to vector<32x32xf32>
    %concatenate3A_224 = tpu.concatenate %broadcast_in_dim3A_0, %broadcast_in_dim3A_0, %broadcast_in_dim3A_0, %get3A_223 in 1 : vector<32x32xf32>, vector<32x32xf32>, vector<32x32xf32>, vector<32x32xf32> -> vector<32x128xf32>
    %concatenate3A_225 = tpu.concatenate %concatenate3A_203, %concatenate3A_210, %concatenate3A_217, %concatenate3A_224 in 0 : vector<32x128xf32>, vector<32x128xf32>, vector<32x128xf32>, vector<32x128xf32> -> vector<128x128xf32>
    %get3A_226 = arith.constant 0 : index
    %get3A_227 = arith.constant 0 : index
    %get3A_228 = vector.load %arg2[%get3A_226, %get3A_227] : memref<2000x128xf32, #tpu.memory_space<vmem>>, vector<2000x128xf32>
    %dot_general3A_229 = arith.constant dense<0.000000e+00> : vector<2000x128xf32>
    %dot_general3A_230 = tpu.matmul %get3A_228, %concatenate3A_225, %dot_general3A_229 {dimension_numbers = #tpu.dot_dimension_numbers<[1], [0], [0], [1], [0, 0, 1, 1], [], []>, transpose_lhs_hint = false} : vector<2000x128xf32>, vector<128x128xf32>, vector<2000x128xf32> -> vector<2000x128xf32>
    %swap3A_231 = arith.constant 5 : index
    %swap3A_232 = arith.constant 0 : index
    %swap3A_233 = arith.constant 0 : index
    %swap3A_234 = vector.load %arg4[%swap3A_231, %swap3A_232, %swap3A_233] : memref<8x2000x128xf32, #tpu.memory_space<vmem>>, vector<1x2000x128xf32>
    %swap3A_235 = vector.shape_cast %swap3A_234 : vector<1x2000x128xf32> to vector<2000x128xf32>
    %swap3A_236 = vector.shape_cast %dot_general3A_230 : vector<2000x128xf32> to vector<1x2000x128xf32>
    tpu.vector_store %arg4[%swap3A_231, %swap3A_232, %swap3A_233], %swap3A_236 {strides = array<i32>} : memref<8x2000x128xf32, #tpu.memory_space<vmem>>, vector<1x2000x128xf32>,
    %get3A_237 = arith.constant 6 : index
    %get3A_238 = arith.constant 0 : index
    %get3A_239 = arith.constant 0 : index
    %get3A_240 = arith.constant 0 : index
    %get3A_241 = vector.load %arg3[%get3A_237, %get3A_238, %get3A_239, %get3A_240] : memref<8x4x32x32xf32, #tpu.memory_space<vmem>>, vector<1x1x32x32xf32>
    %get3A_242 = vector.shape_cast %get3A_241 : vector<1x1x32x32xf32> to vector<32x32xf32>
    %concatenate3A_243 = tpu.concatenate %get3A_242, %broadcast_in_dim3A_0, %broadcast_in_dim3A_0, %broadcast_in_dim3A_0 in 1 : vector<32x32xf32>, vector<32x32xf32>, vector<32x32xf32>, vector<32x32xf32> -> vector<32x128xf32>
    %get3A_244 = arith.constant 6 : index
    %get3A_245 = arith.constant 1 : index
    %get3A_246 = arith.constant 0 : index
    %get3A_247 = arith.constant 0 : index
    %get3A_248 = vector.load %arg3[%get3A_244, %get3A_245, %get3A_246, %get3A_247] : memref<8x4x32x32xf32, #tpu.memory_space<vmem>>, vector<1x1x32x32xf32>
    %get3A_249 = vector.shape_cast %get3A_248 : vector<1x1x32x32xf32> to vector<32x32xf32>
    %concatenate3A_250 = tpu.concatenate %broadcast_in_dim3A_0, %get3A_249, %broadcast_in_dim3A_0, %broadcast_in_dim3A_0 in 1 : vector<32x32xf32>, vector<32x32xf32>, vector<32x32xf32>, vector<32x32xf32> -> vector<32x128xf32>
    %get3A_251 = arith.constant 6 : index
    %get3A_252 = arith.constant 2 : index
    %get3A_253 = arith.constant 0 : index
    %get3A_254 = arith.constant 0 : index
    %get3A_255 = vector.load %arg3[%get3A_251, %get3A_252, %get3A_253, %get3A_254] : memref<8x4x32x32xf32, #tpu.memory_space<vmem>>, vector<1x1x32x32xf32>
    %get3A_256 = vector.shape_cast %get3A_255 : vector<1x1x32x32xf32> to vector<32x32xf32>
    %concatenate3A_257 = tpu.concatenate %broadcast_in_dim3A_0, %broadcast_in_dim3A_0, %get3A_256, %broadcast_in_dim3A_0 in 1 : vector<32x32xf32>, vector<32x32xf32>, vector<32x32xf32>, vector<32x32xf32> -> vector<32x128xf32>
    %get3A_258 = arith.constant 6 : index
    %get3A_259 = arith.constant 3 : index
    %get3A_260 = arith.constant 0 : index
    %get3A_261 = arith.constant 0 : index
    %get3A_262 = vector.load %arg3[%get3A_258, %get3A_259, %get3A_260, %get3A_261] : memref<8x4x32x32xf32, #tpu.memory_space<vmem>>, vector<1x1x32x32xf32>
    %get3A_263 = vector.shape_cast %get3A_262 : vector<1x1x32x32xf32> to vector<32x32xf32>
    %concatenate3A_264 = tpu.concatenate %broadcast_in_dim3A_0, %broadcast_in_dim3A_0, %broadcast_in_dim3A_0, %get3A_263 in 1 : vector<32x32xf32>, vector<32x32xf32>, vector<32x32xf32>, vector<32x32xf32> -> vector<32x128xf32>
    %concatenate3A_265 = tpu.concatenate %concatenate3A_243, %concatenate3A_250, %concatenate3A_257, %concatenate3A_264 in 0 : vector<32x128xf32>, vector<32x128xf32>, vector<32x128xf32>, vector<32x128xf32> -> vector<128x128xf32>
    %get3A_266 = arith.constant 0 : index
    %get3A_267 = arith.constant 0 : index
    %get3A_268 = vector.load %arg2[%get3A_266, %get3A_267] : memref<2000x128xf32, #tpu.memory_space<vmem>>, vector<2000x128xf32>
    %dot_general3A_269 = arith.constant dense<0.000000e+00> : vector<2000x128xf32>
    %dot_general3A_270 = tpu.matmul %get3A_268, %concatenate3A_265, %dot_general3A_269 {dimension_numbers = #tpu.dot_dimension_numbers<[1], [0], [0], [1], [0, 0, 1, 1], [], []>, transpose_lhs_hint = false} : vector<2000x128xf32>, vector<128x128xf32>, vector<2000x128xf32> -> vector<2000x128xf32>
    %swap3A_271 = arith.constant 6 : index
    %swap3A_272 = arith.constant 0 : index
    %swap3A_273 = arith.constant 0 : index
    %swap3A_274 = vector.load %arg4[%swap3A_271, %swap3A_272, %swap3A_273] : memref<8x2000x128xf32, #tpu.memory_space<vmem>>, vector<1x2000x128xf32>
    %swap3A_275 = vector.shape_cast %swap3A_274 : vector<1x2000x128xf32> to vector<2000x128xf32>
    %swap3A_276 = vector.shape_cast %dot_general3A_270 : vector<2000x128xf32> to vector<1x2000x128xf32>
    tpu.vector_store %arg4[%swap3A_271, %swap3A_272, %swap3A_273], %swap3A_276 {strides = array<i32>} : memref<8x2000x128xf32, #tpu.memory_space<vmem>>, vector<1x2000x128xf32>,
    %get3A_277 = arith.constant 7 : index
    %get3A_278 = arith.constant 0 : index
    %get3A_279 = arith.constant 0 : index
    %get3A_280 = arith.constant 0 : index
    %get3A_281 = vector.load %arg3[%get3A_277, %get3A_278, %get3A_279, %get3A_280] : memref<8x4x32x32xf32, #tpu.memory_space<vmem>>, vector<1x1x32x32xf32>
    %get3A_282 = vector.shape_cast %get3A_281 : vector<1x1x32x32xf32> to vector<32x32xf32>
    %concatenate3A_283 = tpu.concatenate %get3A_282, %broadcast_in_dim3A_0, %broadcast_in_dim3A_0, %broadcast_in_dim3A_0 in 1 : vector<32x32xf32>, vector<32x32xf32>, vector<32x32xf32>, vector<32x32xf32> -> vector<32x128xf32>
    %get3A_284 = arith.constant 7 : index
    %get3A_285 = arith.constant 1 : index
    %get3A_286 = arith.constant 0 : index
    %get3A_287 = arith.constant 0 : index
    %get3A_288 = vector.load %arg3[%get3A_284, %get3A_285, %get3A_286, %get3A_287] : memref<8x4x32x32xf32, #tpu.memory_space<vmem>>, vector<1x1x32x32xf32>
    %get3A_289 = vector.shape_cast %get3A_288 : vector<1x1x32x32xf32> to vector<32x32xf32>
    %concatenate3A_290 = tpu.concatenate %broadcast_in_dim3A_0, %get3A_289, %broadcast_in_dim3A_0, %broadcast_in_dim3A_0 in 1 : vector<32x32xf32>, vector<32x32xf32>, vector<32x32xf32>, vector<32x32xf32> -> vector<32x128xf32>
    %get3A_291 = arith.constant 7 : index
    %get3A_292 = arith.constant 2 : index
    %get3A_293 = arith.constant 0 : index
    %get3A_294 = arith.constant 0 : index
    %get3A_295 = vector.load %arg3[%get3A_291, %get3A_292, %get3A_293, %get3A_294] : memref<8x4x32x32xf32, #tpu.memory_space<vmem>>, vector<1x1x32x32xf32>
    %get3A_296 = vector.shape_cast %get3A_295 : vector<1x1x32x32xf32> to vector<32x32xf32>
    %concatenate3A_297 = tpu.concatenate %broadcast_in_dim3A_0, %broadcast_in_dim3A_0, %get3A_296, %broadcast_in_dim3A_0 in 1 : vector<32x32xf32>, vector<32x32xf32>, vector<32x32xf32>, vector<32x32xf32> -> vector<32x128xf32>
    %get3A_298 = arith.constant 7 : index
    %get3A_299 = arith.constant 3 : index
    %get3A_300 = arith.constant 0 : index
    %get3A_301 = arith.constant 0 : index
    %get3A_302 = vector.load %arg3[%get3A_298, %get3A_299, %get3A_300, %get3A_301] : memref<8x4x32x32xf32, #tpu.memory_space<vmem>>, vector<1x1x32x32xf32>
    %get3A_303 = vector.shape_cast %get3A_302 : vector<1x1x32x32xf32> to vector<32x32xf32>
    %concatenate3A_304 = tpu.concatenate %broadcast_in_dim3A_0, %broadcast_in_dim3A_0, %broadcast_in_dim3A_0, %get3A_303 in 1 : vector<32x32xf32>, vector<32x32xf32>, vector<32x32xf32>, vector<32x32xf32> -> vector<32x128xf32>
    %concatenate3A_305 = tpu.concatenate %concatenate3A_283, %concatenate3A_290, %concatenate3A_297, %concatenate3A_304 in 0 : vector<32x128xf32>, vector<32x128xf32>, vector<32x128xf32>, vector<32x128xf32> -> vector<128x128xf32>
    %get3A_306 = arith.constant 0 : index
    %get3A_307 = arith.constant 0 : index
    %get3A_308 = vector.load %arg2[%get3A_306, %get3A_307] : memref<2000x128xf32, #tpu.memory_space<vmem>>, vector<2000x128xf32>
    %dot_general3A_309 = arith.constant dense<0.000000e+00> : vector<2000x128xf32>
    %dot_general3A_310 = tpu.matmul %get3A_308, %concatenate3A_305, %dot_general3A_309 {dimension_numbers = #tpu.dot_dimension_numbers<[1], [0], [0], [1], [0, 0, 1, 1], [], []>, transpose_lhs_hint = false} : vector<2000x128xf32>, vector<128x128xf32>, vector<2000x128xf32> -> vector<2000x128xf32>
    %swap3A_311 = arith.constant 7 : index
    %swap3A_312 = arith.constant 0 : index
    %swap3A_313 = arith.constant 0 : index
    %swap3A_314 = vector.load %arg4[%swap3A_311, %swap3A_312, %swap3A_313] : memref<8x2000x128xf32, #tpu.memory_space<vmem>>, vector<1x2000x128xf32>
    %swap3A_315 = vector.shape_cast %swap3A_314 : vector<1x2000x128xf32> to vector<2000x128xf32>
    %swap3A_316 = vector.shape_cast %dot_general3A_310 : vector<2000x128xf32> to vector<1x2000x128xf32>
    tpu.vector_store %arg4[%swap3A_311, %swap3A_312, %swap3A_313], %swap3A_316 {strides = array<i32>} : memref<8x2000x128xf32, #tpu.memory_space<vmem>>, vector<1x2000x128xf32>,
    return
  }
  func.func @transform_0(%arg0: i32, %arg1: i32) -> (i32, i32) {
    %c0_i32 = arith.constant 0 : i32
    %c0_i32_0 = arith.constant 0 : i32
    return %arg0, %c0_i32 : i32, i32
  }
  func.func @transform_1(%arg0: i32, %arg1: i32) -> (i32, i32, i32, i32) {
    %c0_i32 = arith.constant 0 : i32
    %c0_i32_0 = arith.constant 0 : i32
    %c0_i32_1 = arith.constant 0 : i32
    %c0_i32_2 = arith.constant 0 : i32
    return %arg1, %c0_i32, %c0_i32_0, %c0_i32_1 : i32, i32, i32, i32
  }
  func.func @transform_2(%arg0: i32, %arg1: i32) -> (i32, i32, i32) {
    %c0_i32 = arith.constant 0 : i32
    %c0_i32_0 = arith.constant 0 : i32
    return %arg1, %arg0, %c0_i32 : i32, i32, i32
  }
}

module attributes {stable_mosaic.version = 14 : i64} {
  func.func @_combine_body(%arg0: i32, %arg1: memref<2x1000x128xf32, #tpu.memory_space<vmem>>, %arg2: memref<2x2000x16xf32, #tpu.memory_space<vmem>>, %arg3: memref<2000x128xf32, #tpu.memory_space<vmem>>, %arg4: memref<128x128xf32, #tpu.memory_space<vmem>>, %arg5: memref<1x128xf32, #tpu.memory_space<vmem>>, %arg6: memref<2000x128xf32, #tpu.memory_space<vmem>>) attributes {dimension_semantics = [#tpu.dimension_semantics<arbitrary>], iteration_bounds = array<i64: 5>, scalar_prefetch = 0 : i64, scratch_operands = 0 : i64, tpu.core_type = #tpu.core_type<tc>, window_params = [{transform_indices = @transform_0, window_bounds = array<i64: 2, 1000, 128>}, {transform_indices = @transform_1, window_bounds = array<i64: 2, 2000, 16>}, {transform_indices = @transform_2, window_bounds = array<i64: 2000, 128>}, {pipeline_mode = #tpu.pipeline_mode<synchronous>, transform_indices = @transform_3, window_bounds = array<i64: 128, 128>}, {pipeline_mode = #tpu.pipeline_mode<synchronous>, transform_indices = @transform_4, window_bounds = array<i64: 1, 128>}, {transform_indices = @transform_5, window_bounds = array<i64: 2000, 128>}]} {
    %get3A = arith.constant 0 : index
    %get3A_0 = arith.constant 0 : index
    %get3A_1 = arith.constant 0 : index
    %get3A_2 = vector.load %arg1[%get3A, %get3A_0, %get3A_1] : memref<2x1000x128xf32, #tpu.memory_space<vmem>>, vector<1x1000x128xf32>
    %get3A_3 = vector.shape_cast %get3A_2 : vector<1x1000x128xf32> to vector<1000x128xf32>
    %get3A_4 = arith.constant 1 : index
    %get3A_5 = arith.constant 0 : index
    %get3A_6 = arith.constant 0 : index
    %get3A_7 = vector.load %arg1[%get3A_4, %get3A_5, %get3A_6] : memref<2x1000x128xf32, #tpu.memory_space<vmem>>, vector<1x1000x128xf32>
    %get3A_8 = vector.shape_cast %get3A_7 : vector<1x1000x128xf32> to vector<1000x128xf32>
    %slice3A = vector.extract_strided_slice %get3A_3 {offsets = [0, 0], sizes = [1000, 64], strides = [1, 1]} : vector<1000x128xf32> to vector<1000x64xf32>
    %slice3A_9 = vector.extract_strided_slice %get3A_8 {offsets = [0, 0], sizes = [1000, 64], strides = [1, 1]} : vector<1000x128xf32> to vector<1000x64xf32>
    %concatenate3A = tpu.concatenate %slice3A, %slice3A_9 in 1 : vector<1000x64xf32>, vector<1000x64xf32> -> vector<1000x128xf32>
    %slice3A_10 = vector.extract_strided_slice %get3A_3 {offsets = [0, 64], sizes = [1000, 64], strides = [1, 1]} : vector<1000x128xf32> to vector<1000x64xf32>
    %slice3A_11 = vector.extract_strided_slice %get3A_8 {offsets = [0, 64], sizes = [1000, 64], strides = [1, 1]} : vector<1000x128xf32> to vector<1000x64xf32>
    %concatenate3A_12 = tpu.concatenate %slice3A_10, %slice3A_11 in 1 : vector<1000x64xf32>, vector<1000x64xf32> -> vector<1000x128xf32>
    %stack3A = vector.shape_cast %concatenate3A : vector<1000x128xf32> to vector<1000x1x128xf32>
    %stack3A_13 = vector.shape_cast %concatenate3A_12 : vector<1000x128xf32> to vector<1000x1x128xf32>
    %stack3A_14 = tpu.concatenate %stack3A, %stack3A_13 in 1 : vector<1000x1x128xf32>, vector<1000x1x128xf32> -> vector<1000x2x128xf32>
    %reshape3A = vector.shape_cast %stack3A_14 : vector<1000x2x128xf32> to vector<2000x128xf32>
    %get3A_15 = arith.constant 0 : index
    %get3A_16 = arith.constant 0 : index
    %get3A_17 = arith.constant 0 : index
    %get3A_18 = vector.load %arg2[%get3A_15, %get3A_16, %get3A_17] : memref<2x2000x16xf32, #tpu.memory_space<vmem>>, vector<1x2000x1xf32>
    %get3A_19 = vector.shape_cast %get3A_18 : vector<1x2000x1xf32> to vector<2000x1xf32>
    %get3A_20 = arith.constant 1 : index
    %get3A_21 = arith.constant 0 : index
    %get3A_22 = arith.constant 0 : index
    %get3A_23 = vector.load %arg2[%get3A_20, %get3A_21, %get3A_22] : memref<2x2000x16xf32, #tpu.memory_space<vmem>>, vector<1x2000x1xf32>
    %get3A_24 = vector.shape_cast %get3A_23 : vector<1x2000x1xf32> to vector<2000x1xf32>
    %add3A = arith.addf %get3A_19, %get3A_24 : vector<2000x1xf32>
    %get3A_25 = arith.constant 0 : index
    %get3A_26 = arith.constant 0 : index
    %get3A_27 = vector.load %arg3[%get3A_25, %get3A_26] : memref<2000x128xf32, #tpu.memory_space<vmem>>, vector<2000x128xf32>
    %get3A_28 = arith.constant 0 : index
    %get3A_29 = arith.constant 0 : index
    %get3A_30 = vector.load %arg4[%get3A_28, %get3A_29] : memref<128x128xf32, #tpu.memory_space<vmem>>, vector<128x128xf32>
    %dot_general3A = arith.constant dense<0.000000e+00> : vector<2000x128xf32>
    %dot_general3A_31 = tpu.matmul %get3A_27, %get3A_30, %dot_general3A {dimension_numbers = #tpu.dot_dimension_numbers<[1], [0], [0], [1], [0, 0, 1, 1], [], []>, transpose_lhs_hint = false} : vector<2000x128xf32>, vector<128x128xf32>, vector<2000x128xf32> -> vector<2000x128xf32>
    %max3A = arith.constant 1.000000e+00 : f32
    %max3A_32 = vector.broadcast %max3A : f32 to vector<2000x1xf32>
    %max3A_33 = arith.maximumf %add3A, %max3A_32 : vector<2000x1xf32>
    %div3A = vector.broadcast %max3A_33 : vector<2000x1xf32> to vector<2000x128xf32>
    %div3A_34 = arith.divf %reshape3A, %div3A : vector<2000x128xf32>
    %add3A_35 = arith.addf %div3A_34, %dot_general3A_31 : vector<2000x128xf32>
    %get3A_36 = arith.constant 0 : index
    %get3A_37 = arith.constant 0 : index
    %get3A_38 = vector.load %arg5[%get3A_36, %get3A_37] : memref<1x128xf32, #tpu.memory_space<vmem>>, vector<1x128xf32>
    %add3A_39 = vector.broadcast %get3A_38 : vector<1x128xf32> to vector<2000x128xf32>
    %add3A_40 = arith.addf %add3A_35, %add3A_39 : vector<2000x128xf32>
    %max3A_41 = arith.constant 0.000000e+00 : f32
    %max3A_42 = vector.broadcast %max3A_41 : f32 to vector<2000x128xf32>
    %max3A_43 = arith.maximumf %add3A_40, %max3A_42 : vector<2000x128xf32>
    %swap3A = arith.constant 0 : index
    %swap3A_44 = arith.constant 0 : index
    %swap3A_45 = vector.load %arg6[%swap3A, %swap3A_44] : memref<2000x128xf32, #tpu.memory_space<vmem>>, vector<2000x128xf32>
    tpu.vector_store %arg6[%swap3A, %swap3A_44], %max3A_43 {strides = array<i32>} : memref<2000x128xf32, #tpu.memory_space<vmem>>, vector<2000x128xf32>,
    return
  }
  func.func @transform_0(%arg0: i32) -> (i32, i32, i32) {
    %c0_i32 = arith.constant 0 : i32
    %c0_i32_0 = arith.constant 0 : i32
    %c0_i32_1 = arith.constant 0 : i32
    return %c0_i32, %arg0, %c0_i32_0 : i32, i32, i32
  }
  func.func @transform_1(%arg0: i32) -> (i32, i32, i32) {
    %c0_i32 = arith.constant 0 : i32
    %c0_i32_0 = arith.constant 0 : i32
    %c0_i32_1 = arith.constant 0 : i32
    return %c0_i32, %arg0, %c0_i32_0 : i32, i32, i32
  }
  func.func @transform_2(%arg0: i32) -> (i32, i32) {
    %c0_i32 = arith.constant 0 : i32
    %c0_i32_0 = arith.constant 0 : i32
    return %arg0, %c0_i32 : i32, i32
  }
  func.func @transform_3(%arg0: i32) -> (i32, i32) {
    %c0_i32 = arith.constant 0 : i32
    %c0_i32_0 = arith.constant 0 : i32
    %c0_i32_1 = arith.constant 0 : i32
    return %c0_i32, %c0_i32_0 : i32, i32
  }
  func.func @transform_4(%arg0: i32) -> (i32, i32) {
    %c0_i32 = arith.constant 0 : i32
    %c0_i32_0 = arith.constant 0 : i32
    %c0_i32_1 = arith.constant 0 : i32
    return %c0_i32, %c0_i32_0 : i32, i32
  }
  func.func @transform_5(%arg0: i32) -> (i32, i32) {
    %c0_i32 = arith.constant 0 : i32
    %c0_i32_0 = arith.constant 0 : i32
    return %arg0, %c0_i32 : i32, i32
  }
}

module attributes {stable_mosaic.version = 14 : i64} {
  func.func @_combine_body(%arg0: i32, %arg1: memref<2x1000x128xf32, #tpu.memory_space<vmem>>, %arg2: memref<2x2000x16xf32, #tpu.memory_space<vmem>>, %arg3: memref<2000x128xf32, #tpu.memory_space<vmem>>, %arg4: memref<128x128xf32, #tpu.memory_space<vmem>>, %arg5: memref<1x128xf32, #tpu.memory_space<vmem>>, %arg6: memref<2000x128xf32, #tpu.memory_space<vmem>>) attributes {dimension_semantics = [#tpu.dimension_semantics<arbitrary>], iteration_bounds = array<i64: 5>, scalar_prefetch = 0 : i64, scratch_operands = 0 : i64, tpu.core_type = #tpu.core_type<tc>, window_params = [{transform_indices = @transform_0, window_bounds = array<i64: 2, 1000, 128>}, {transform_indices = @transform_1, window_bounds = array<i64: 2, 2000, 16>}, {transform_indices = @transform_2, window_bounds = array<i64: 2000, 128>}, {pipeline_mode = #tpu.pipeline_mode<synchronous>, transform_indices = @transform_3, window_bounds = array<i64: 128, 128>}, {pipeline_mode = #tpu.pipeline_mode<synchronous>, transform_indices = @transform_4, window_bounds = array<i64: 1, 128>}, {transform_indices = @transform_5, window_bounds = array<i64: 2000, 128>}]} {
    %get3A = arith.constant 0 : index
    %get3A_0 = arith.constant 0 : index
    %get3A_1 = arith.constant 0 : index
    %get3A_2 = vector.load %arg1[%get3A, %get3A_0, %get3A_1] : memref<2x1000x128xf32, #tpu.memory_space<vmem>>, vector<1x1000x128xf32>
    %get3A_3 = vector.shape_cast %get3A_2 : vector<1x1000x128xf32> to vector<1000x128xf32>
    %get3A_4 = arith.constant 1 : index
    %get3A_5 = arith.constant 0 : index
    %get3A_6 = arith.constant 0 : index
    %get3A_7 = vector.load %arg1[%get3A_4, %get3A_5, %get3A_6] : memref<2x1000x128xf32, #tpu.memory_space<vmem>>, vector<1x1000x128xf32>
    %get3A_8 = vector.shape_cast %get3A_7 : vector<1x1000x128xf32> to vector<1000x128xf32>
    %slice3A = vector.extract_strided_slice %get3A_3 {offsets = [0, 0], sizes = [1000, 64], strides = [1, 1]} : vector<1000x128xf32> to vector<1000x64xf32>
    %slice3A_9 = vector.extract_strided_slice %get3A_8 {offsets = [0, 0], sizes = [1000, 64], strides = [1, 1]} : vector<1000x128xf32> to vector<1000x64xf32>
    %concatenate3A = tpu.concatenate %slice3A, %slice3A_9 in 1 : vector<1000x64xf32>, vector<1000x64xf32> -> vector<1000x128xf32>
    %slice3A_10 = vector.extract_strided_slice %get3A_3 {offsets = [0, 64], sizes = [1000, 64], strides = [1, 1]} : vector<1000x128xf32> to vector<1000x64xf32>
    %slice3A_11 = vector.extract_strided_slice %get3A_8 {offsets = [0, 64], sizes = [1000, 64], strides = [1, 1]} : vector<1000x128xf32> to vector<1000x64xf32>
    %concatenate3A_12 = tpu.concatenate %slice3A_10, %slice3A_11 in 1 : vector<1000x64xf32>, vector<1000x64xf32> -> vector<1000x128xf32>
    %stack3A = vector.shape_cast %concatenate3A : vector<1000x128xf32> to vector<1000x1x128xf32>
    %stack3A_13 = vector.shape_cast %concatenate3A_12 : vector<1000x128xf32> to vector<1000x1x128xf32>
    %stack3A_14 = tpu.concatenate %stack3A, %stack3A_13 in 1 : vector<1000x1x128xf32>, vector<1000x1x128xf32> -> vector<1000x2x128xf32>
    %reshape3A = vector.shape_cast %stack3A_14 : vector<1000x2x128xf32> to vector<2000x128xf32>
    %get3A_15 = arith.constant 0 : index
    %get3A_16 = arith.constant 0 : index
    %get3A_17 = arith.constant 0 : index
    %get3A_18 = vector.load %arg2[%get3A_15, %get3A_16, %get3A_17] : memref<2x2000x16xf32, #tpu.memory_space<vmem>>, vector<1x2000x1xf32>
    %get3A_19 = vector.shape_cast %get3A_18 : vector<1x2000x1xf32> to vector<2000x1xf32>
    %get3A_20 = arith.constant 1 : index
    %get3A_21 = arith.constant 0 : index
    %get3A_22 = arith.constant 0 : index
    %get3A_23 = vector.load %arg2[%get3A_20, %get3A_21, %get3A_22] : memref<2x2000x16xf32, #tpu.memory_space<vmem>>, vector<1x2000x1xf32>
    %get3A_24 = vector.shape_cast %get3A_23 : vector<1x2000x1xf32> to vector<2000x1xf32>
    %add3A = arith.addf %get3A_19, %get3A_24 : vector<2000x1xf32>
    %get3A_25 = arith.constant 0 : index
    %get3A_26 = arith.constant 0 : index
    %get3A_27 = vector.load %arg3[%get3A_25, %get3A_26] : memref<2000x128xf32, #tpu.memory_space<vmem>>, vector<2000x128xf32>
    %get3A_28 = arith.constant 0 : index
    %get3A_29 = arith.constant 0 : index
    %get3A_30 = vector.load %arg4[%get3A_28, %get3A_29] : memref<128x128xf32, #tpu.memory_space<vmem>>, vector<128x128xf32>
    %dot_general3A = arith.constant dense<0.000000e+00> : vector<2000x128xf32>
    %dot_general3A_31 = tpu.matmul %get3A_27, %get3A_30, %dot_general3A {dimension_numbers = #tpu.dot_dimension_numbers<[1], [0], [0], [1], [0, 0, 1, 1], [], []>, transpose_lhs_hint = false} : vector<2000x128xf32>, vector<128x128xf32>, vector<2000x128xf32> -> vector<2000x128xf32>
    %max3A = arith.constant 1.000000e+00 : f32
    %max3A_32 = vector.broadcast %max3A : f32 to vector<2000x1xf32>
    %max3A_33 = arith.maximumf %add3A, %max3A_32 : vector<2000x1xf32>
    %div3A = vector.broadcast %max3A_33 : vector<2000x1xf32> to vector<2000x128xf32>
    %div3A_34 = arith.divf %reshape3A, %div3A : vector<2000x128xf32>
    %add3A_35 = arith.addf %div3A_34, %dot_general3A_31 : vector<2000x128xf32>
    %get3A_36 = arith.constant 0 : index
    %get3A_37 = arith.constant 0 : index
    %get3A_38 = vector.load %arg5[%get3A_36, %get3A_37] : memref<1x128xf32, #tpu.memory_space<vmem>>, vector<1x128xf32>
    %add3A_39 = vector.broadcast %get3A_38 : vector<1x128xf32> to vector<2000x128xf32>
    %add3A_40 = arith.addf %add3A_35, %add3A_39 : vector<2000x128xf32>
    %swap3A = arith.constant 0 : index
    %swap3A_41 = arith.constant 0 : index
    %swap3A_42 = vector.load %arg6[%swap3A, %swap3A_41] : memref<2000x128xf32, #tpu.memory_space<vmem>>, vector<2000x128xf32>
    tpu.vector_store %arg6[%swap3A, %swap3A_41], %add3A_40 {strides = array<i32>} : memref<2000x128xf32, #tpu.memory_space<vmem>>, vector<2000x128xf32>,
    return
  }
  func.func @transform_0(%arg0: i32) -> (i32, i32, i32) {
    %c0_i32 = arith.constant 0 : i32
    %c0_i32_0 = arith.constant 0 : i32
    %c0_i32_1 = arith.constant 0 : i32
    return %c0_i32, %arg0, %c0_i32_0 : i32, i32, i32
  }
  func.func @transform_1(%arg0: i32) -> (i32, i32, i32) {
    %c0_i32 = arith.constant 0 : i32
    %c0_i32_0 = arith.constant 0 : i32
    %c0_i32_1 = arith.constant 0 : i32
    return %c0_i32, %arg0, %c0_i32_0 : i32, i32, i32
  }
  func.func @transform_2(%arg0: i32) -> (i32, i32) {
    %c0_i32 = arith.constant 0 : i32
    %c0_i32_0 = arith.constant 0 : i32
    return %arg0, %c0_i32 : i32, i32
  }
  func.func @transform_3(%arg0: i32) -> (i32, i32) {
    %c0_i32 = arith.constant 0 : i32
    %c0_i32_0 = arith.constant 0 : i32
    %c0_i32_1 = arith.constant 0 : i32
    return %c0_i32, %c0_i32_0 : i32, i32
  }
  func.func @transform_4(%arg0: i32) -> (i32, i32) {
    %c0_i32 = arith.constant 0 : i32
    %c0_i32_0 = arith.constant 0 : i32
    %c0_i32_1 = arith.constant 0 : i32
    return %c0_i32, %c0_i32_0 : i32, i32
  }
  func.func @transform_5(%arg0: i32) -> (i32, i32) {
    %c0_i32 = arith.constant 0 : i32
    %c0_i32_0 = arith.constant 0 : i32
    return %arg0, %c0_i32 : i32, i32
  }
}

</mosaic_0001>

<sc_bundles>
// kernel: kernel.12.cloned.1.call-start
scs
__scs_entry_jumppad:
0x0: {  	(pc) =	sbr.rel $0x88, $3  }
0x1: {  	(tag) =	ssettag $0x0;
	lr =	simm.s32 $0x1  }
0x2: {  	[smem:$0x3F98] =	sst lr;
	_ =	strace $0xD0000000  }
0x3: {  	_ = 	snop  }
0x4: {  	_ = 	snop  }
0x5: {  	_ = 	snop  }
0x6: {  	_ = 	snop  }
0x7: {  	_ = 	snop  }
__scs_overlays_trampoline_lowered:
0x8: {  	[smem:$0x3FA7] =	sst s0  }
0x9: {  	[smem:$0x3FA8] =	sst s1  }
0xa: {  	[smem:$0x3FA9] =	sst s2  }
0xb: {  	[smem:$0x3FAA] =	sst s3  }
0xc: {  	[smem:$0x3FAB] =	sst s4  }
0xd: {  	[smem:$0x3FAC] =	sst s5  }
0xe: {  	[smem:$0x3FAD] =	sst s6  }
0xf: {  	[smem:$0x3FAE] =	sst s7  }
0x10: {  	[smem:$0x3FAF] =	sst s8  }
0x11: {  	[smem:$0x3FB0] =	sst s9;
	s0 =	simm.s32 @!p0 $0x0  }
0x12: {  	s1 =	sld [smem:$0x3F96];
	s0 =	simm.s32 @p0 $0x1  }
0x13: {  	[smem:$0x3FB1] =	sst s0;
	s0 =	simm.s32 @!p1 $0x0  }
0x14: {  	s2 =	sld [smem:$0x3F95];
	s0 =	simm.s32 @p1 $0x1  }
0x15: {  	[smem:$0x3FB2] =	sst s0;
	s0 =	simm.s32 @!p2 $0x0  }
0x16: {  	s3 =	sld [smem:$0x3FDB];
	s0 =	simm.s32 @p2 $0x1  }
0x17: {  	s4 =	simm.s32 $0x1BF5;
	[smem:$0x3FB4] =	sst s0  }
0x18: {  	s0 =	sld [smem:$0x3F97];
	_ =	swait.ge [sflag:s4], $0x0  }
0x19: {  	s7 =	sld [smem:$0x3F98]  }
0x1a: {  	s8 =	sadd.s32 $0xFFFFE003, lr  }
0x1b: {  	s9 =	sadd.s32 $0xFFFFFEF7, lr;
	s5 =	simm.s32 $0xFFFFFFFF;
	p2 =	slt.u32 s8, $0xFFFFF086  }
0x1c: {  	p1 =	slt.u32 s9, $0xF7A;
	s5 =	simm.s32 @!p2 $0x0  }
0x1d: {  	s5 =	simm.s32 @p1 $0x1;
	p0 =	seq.s32 s7, s2  }
0x1e: {  	s7 =	smul.u32 @!p0 $0xF7A, s2;
	p2 =	seq.s32 @!p0 s5, $0x0  }
0x1f: {  	s9 =	smul.u32 $0xF7A, s1;
	s8 =	simm.s32 @!p0 $0x1BF5;
	p2 =	por !p2, p0  }
0x20: {  	[sflag:s8] =	ssyncset.s32 @!p0 $0xFFFFF086;
	s6 =	sadd.s32 @!p0 s3, s7;
	s7 =	simm.s32 @!p0 $0x108  }
0x21: {  	s3 =	sadd.s32 s3, s9;
	s6 =	sadd.s32 @!p0 $0x88, s6;
	s7 =	simm.s32 @p2 $0x1082  }
0x22: {  	[simem:s7], [sflag:s8] =	dma.local @!p0 [hbm:s6], $0xF7A  }
0x23: {  	s9 =	sor.u32 $0xD0000000, s2;
	s6 =	simm.s32 $0x108;
	_ =	swait.ge @!p0 [sflag:s8], $0x0  }
0x24: {  	s3 =	sadd.s32 $0x88, s3;
	s6 =	simm.s32 @!p1 $0x1082;
	[sflag:s4] =	ssyncset.s32 $0xFFFFF086  }
0x25: {  	[simem:s6], [sflag:s4] =	dma.local [hbm:s3], $0xF7A  }
0x26: {  	[smem:$0x3F98] =	sst s1;
	(tag) =	ssettag s2;
	_ =	strace s9  }
0x27: {  	s1 =	sld [smem:$0x3FA8]  }
0x28: {  	s2 =	sld [smem:$0x3FA9]  }
0x29: {  	s4 =	sld [smem:$0x3FAB]  }
0x2a: {  	p0 =	seq.s32 s5, $0x0;
	s5 =	sld [smem:$0x3FAC]  }
0x2b: {  	s6 =	sld [smem:$0x3FAD]  }
0x2c: {  	s7 =	sld [smem:$0x3FAE]  }
0x2d: {  	s3 =	simm.s32 $0x108;
	s8 =	sld [smem:$0x3FAF]  }
0x2e: {  	s3 =	simm.s32 @!p0 $0x1082;
	s9 =	sld [smem:$0x3FB0]  }
0x2f: {  	lr =	sadd.s32 s0, s3;
	s0 =	sld [smem:$0x3FA7]  }
0x30: {  	s3 =	sld [smem:$0x3FAA]  }
0x31: {  	[smem:$0x3FB3] =	sst s10  }
0x32: {  	s10 =	sld [smem:$0x3FB1];
	_ =	sdelay $0x3  }
0x33: {  	p0 =	seq.s32 s10, $0x1;
	s10 =	sld [smem:$0x3FB3];
	_ =	sdelay $0x3  }
0x34: {  	[smem:$0x3FB3] =	sst s10  }
0x35: {  	s10 =	sld [smem:$0x3FB2];
	_ =	sdelay $0x3  }
0x36: {  	p1 =	seq.s32 s10, $0x1;
	s10 =	sld [smem:$0x3FB3];
	_ =	sdelay $0x3  }
0x37: {  	[smem:$0x3FB3] =	sst s10  }
0x38: {  	s10 =	sld [smem:$0x3FB4]  }
0x39: {  	_ = 	snop;
	(pc) =	sbr.ind lr, $3  }
0x3a: {  	_ = 	snop  }
0x3b: {  	_ = 	snop  }
0x3c: {  	p2 =	seq.s32 s10, $0x1;
	s10 =	sld [smem:$0x3FB3]  }
0x3d: {  	_ =	shalt  }
0x3e: {  	_ =	shalt  }
0x3f: {  	_ =	shalt  }
0x40: {  	_ =	shalt  }
0x41: {  	_ =	shalt  }
0x42: {  	_ =	shalt  }
0x43: {  	_ =	shalt  }
0x44: {  	_ =	shalt  }
0x45: {  	_ =	shalt  }
0x46: {  	_ =	shalt  }
0x47: {  	_ =	shalt  }
0x48: {  	_ =	shalt  }
0x49: {  	_ =	shalt  }
0x4a: {  	_ =	shalt  }
0x4b: {  	_ =	shalt  }
0x4c: {  	_ =	shalt  }
0x4d: {  	_ =	shalt  }
0x4e: {  	_ =	shalt  }
0x4f: {  	_ =	shalt  }
0x50: {  	_ =	shalt  }
0x51: {  	_ =	shalt  }
0x52: {  	_ =	shalt  }
0x53: {  	_ =	shalt  }
0x54: {  	_ =	shalt  }
0x55: {  	_ =	shalt  }
0x56: {  	_ =	shalt  }
0x57: {  	_ =	shalt  }
0x58: {  	_ =	shalt  }
0x59: {  	_ =	shalt  }
0x5a: {  	_ =	shalt  }
0x5b: {  	_ =	shalt  }
0x5c: {  	_ =	shalt  }
0x5d: {  	_ =	shalt  }
0x5e: {  	_ =	shalt  }
0x5f: {  	_ =	shalt  }
0x60: {  	_ =	shalt  }
0x61: {  	_ =	shalt  }
0x62: {  	_ =	shalt  }
0x63: {  	_ =	shalt  }
0x64: {  	_ =	shalt  }
0x65: {  	_ =	shalt  }
0x66: {  	_ =	shalt  }
0x67: {  	_ =	shalt  }
0x68: {  	_ =	shalt  }
0x69: {  	_ =	shalt  }
0x6a: {  	_ =	shalt  }
0x6b: {  	_ =	shalt  }
0x6c: {  	_ =	shalt  }
0x6d: {  	_ =	shalt  }
0x6e: {  	_ =	shalt  }
0x6f: {  	_ =	shalt  }
0x70: {  	_ =	shalt  }
0x71: {  	_ =	shalt  }
0x72: {  	_ =	shalt  }
0x73: {  	_ =	shalt  }
0x74: {  	_ =	shalt  }
0x75: {  	_ =	shalt  }
0x76: {  	_ =	shalt  }
0x77: {  	_ =	shalt  }
0x78: {  	_ =	shalt  }
0x79: {  	_ =	shalt  }
0x7a: {  	_ =	shalt  }
0x7b: {  	_ =	shalt  }
0x7c: {  	_ =	shalt  }
0x7d: {  	_ =	shalt  }
0x7e: {  	_ =	shalt  }
0x7f: {  	_ =	shalt  }
0x80: {  	_ =	shalt  }
0x81: {  	_ =	shalt  }
0x82: {  	_ =	shalt  }
0x83: {  	_ =	shalt  }
0x84: {  	_ =	shalt  }
0x85: {  	_ =	shalt  }
0x86: {  	_ =	shalt  }
0x87: {  	_ =	shalt  }
.Lfunc_end0:
.L_simem_size_0:
called_computation.1_lowered:
.L_overlay_start_0:
0x88: {  	s2 =	sld [smem:$0x3FD9]  }
0x89: {  	s3 =	sld [smem:$0x3FFE];
	_ =	sdelay $0x1  }
0x8a: {  	s1 =	srdreg.scid  }
0x8b: {  	s0 =	sand.u32 $0x1, s1  }
0x8c: {  	s17 =	sshll.u32 s0, $0xA;
	s2 =	sadd.s32 s3, s2  }
0x8d: {  	s2 =	sadd.s32 s2, s17  }
0x8e: {  	[smem:$0x3FBF] =	sst s2  }
0x8f: {  	_ = 	snop  }
0x90: {  	s2 =	sld [smem:$0x3FC8]  }
0x91: {  	s18 =	sld [smem:$0x3FD0];
	(tm) =	ssettm $0x1  }
0x92: {  	s4 =	sld [smem:$0x3FFB];
	_ =	sdelay $0x3  }
0x93: {  	_ =	strace s4  }
0x94: {  	s4 =	sld [smem:$0x3FFC];
	_ =	sdelay $0x3  }
0x95: {  	_ =	strace s4  }
0x96: {  	s4 =	sld [smem:$0x3FFD];
	_ =	sdelay $0x3  }
0x97: {  	_ =	strace s4  }
0x98: {  	_ =	strace $0x8FFFFFFF  }
0x99: {  	s19 =	sld [smem:$0x3FDB];
	_ =	sdelay $0x1  }
0x9a: {  	s5 =	simm.s32 $_scs_section_size  }
0x9b: {  	s6 =	simm.s32 $_size__tile_overlayer_lowered;
	s7 =	simm.s32 $_tile_overlayer_lowered  }
0x9c: {  	s22 =	simm.s32 $0x1BFF;
	s21 =	sshll.u32 s7, $0x1;
	s4 =	sadd.s32 s5, s19  }
0x9d: {  	s8 =	simm.s32 $0x0;
	s20 =	sshll.u32 s6, $0x1;
	s6 =	sadd.s32 s21, s4  }
0x9e: {  	[timem:s8], [sflag:s22] =	dma.local [hbm:s6], s20  }
0x9f: {  	_ =	swait.ge [sflag:s22], s20  }
0xa0: {  	s5 =	ssub.s32 $0x0, s20;
	[sflag:s22] =	ssyncset.done $0x0  }
0xa1: {  	[sflag:s22] =	ssyncadd.s32 s5;
	_ =	sdelay $0x1  }
0xa2: {  	s23 =	simm.s32 $0x1B8B  }
0xa3: {  	_ =	swait.ge [sflag:s23], $0x1  }
0xa4: {  	[sflag:s23] =	ssyncset.done $0x0  }
0xa5: {  	s25 =	simm.s32 $0x1B8E;
	s24 =	sld [smem:$0x3FFE];
	[sflag:s23] =	ssyncadd.s32 $0xFFFFFFFF  }
0xa6: {  	s26 =	simm.s32 $execute0_lowered;
	[smem:$0x3FD2] =	sst s25  }
0xa7: {  	s6 =	sshll.u32 s26, $0x1;
	_ =	strace $0x80000049;
	[dreg:$0x1] =	wrdreg $0xFFFFFFFF  }
0xa8: {  	s28 =	simm.s32 $_size_execute0_lowered;
	s4 =	sadd.s32 s4, s6;
	[dreg:$0x0] =	wrdreg $0x0  }
0xa9: {  	s6 =	sshll.u32 s28, $0x1;
	[dreg:$0x2] =	wrdreg s4  }
0xaa: {  	[dreg:$0x3] =	wrdreg s6  }
0xab: {  	[dreg:$0x4] =	wrdreg $0xC0  }
0xac: {  	_ =	task [dreg:s8], $0x5FFFF  }
0xad: {  	[dreg:$0x1] =	wrdreg $0xFFFFFFFF  }
0xae: {  	[dreg:$0x0] =	wrdreg $0x60  }
0xaf: {  	[dreg:$0x2] =	wrdreg s24  }
0xb0: {  	[dreg:$0x3] =	wrdreg s2  }
0xb1: {  	[dreg:$0x4] =	wrdreg s18  }
0xb2: {  	[dreg:$0x5] =	wrdreg $0x13A600  }
0xb3: {  	[dreg:$0x6] =	wrdreg $0x9  }
0xb4: {  	_ =	task.clear_ibuf [dreg:s8], $0x7FFFF;
	_ =	strace $0x90000049  }
0xb5: {  	s29 =	simm.s32 $0x9;
	_ =	strace $0x8000004B  }
0xb6: {  	_ =	swait.ge [sflag:s29], $0x1  }
0xb7: {  	[sflag:s29] =	ssyncadd.s32 $0xFFFFFFFF  }
0xb8: {  	_ =	strace $0x9000004B  }
0xb9: {  	_ =	sfence  }
0xba: {  	s30 =	sld [smem:$0x0];
	_ =	sdelay $0x2  }
0xbb: {  	s31 =	sshll.u32 s1, $0xD;
	s1 =	sshrl.u32 s1, $0x2  }
0xbc: {  	s3 =	sand.u32 $0x4000, s31;
	s1 =	sadd.s32 s1, s30  }
0xbd: {  	s0 =	sor.u32 s3, s0;
	s1 =	sshll.u32 s1, $0x11  }
0xbe: {  	s0 =	sor.u32 s1, s0  }
0xbf: {  	s0 =	sadd.s32 $0x8F2B, s0  }
0xc0: {  	[sflag:s0] =	ssyncadd.remote.s32 $0x1  }
0xc1: {  	_ =	sfence.sel $0xFFFF  }
0xc2: {  	[dreg:$0x0] =	wrdreg $0xFFFFFFFF;
	(pc) =	sbr.abs _section_cstart, $3  }
0xc3: {  	[dreg:$0x1] =	wrdreg $0xFFFFFFFF  }
0xc4: {  	_ =	task.clear_ibuf [dreg:s8], $0x2FFFF;
	_ =	strace $0x9FFFFFFF  }
0xc5: {  	(tm) =	ssettm $0x7FFFFFFF  }
tec
execute0_lowered:
.L_overlay_start_1:
0x0: {  	(tag) =	ssettag $0x1  }
0x1: {  	s0 =	rddreg [dreg:$0x0]  }
0x2: {  	s1 =	rddreg [dreg:$0x1]  }
0x3: {  	s5 =	rddreg [dreg:$0x2]  }
0x4: {  	s12 =	stileid.u32;
	s3 =	srdreg.scid  }
0x5: {  	s2 =	rddreg [dreg:$0x3];
	s13 =	simm.s32 $0x2;
	s14 =	simm.s32 $0x4E20  }
0x6: {  	s16 =	simm.s32 $0x50;
	s17 =	simm.s32 $0xEA60;
	s19 =	simm.s32 $0xFE60  }
0x7: {  	s21 =	simm.s32 $0x11260;
	s22 =	simm.s32 $0x12660;
	s28 =	simm.s32 $0xE920  }
0x8: {  	s29 =	simm.s32 $0xE970;
	s30 =	simm.s32 $0x9BA0;
	s6 =	smul.u32 $0xA000, s12  }
0x9: {  	s31 =	simm.s32 $0x9BF0;
	s15 =	sand.u32 $0x1, s3;
	s8 =	smul.u32 $0x9C4, s12  }
0xa: {  	s3 =	simm.s32 $0x0;
	s25 =	sshll.u32 s12, $0x6;
	s4 =	smul.u32 $0xA0000, s15  }
0xb: {  	[smem:$0x7FF] =	sst s3;
	s9 =	ssub.s32 $0x2, s15;
	v0 =	vmov s15;
	s15 =	simm.s32 $0x0  }
0xc: {  	_ =	strace $0x8000004A;
	s10 =	sadd.s32 s8, s0;
	s23 =	sshrl.u32 s9, $0x1  }
0xd: {  	s24 =	sshrl.u32 s6, $0x3;
	s26 =	sadd.s32 s6, s2;
	s8 =	sadd.s32 s1, s8  }
0xe: {  	s1 =	simm.s32 $0xE9C0;
	s7 =	sadd.s32 s6, s4;
	s4 =	sadd.s32 $0x1BE00, s0  }
0xf: {  	s11 =	ssub.s32 s9, s23;
	s5 =	sadd.s32 s5, s24;
	s6 =	sor.u32 $0x1C02, s25  }
0x10: {  	s9 =	sadd.s32 $0x3200, s10;
	s12 =	sshrl.u32 s26, $0x3;
	s7 =	sshrl.u32 s7, $0x3  }
0x11: {  	s23 =	simm.s32 $0x1;
	s11 =	smax.u32 s11, $0x1;
	s0 =	sadd.s32 s7, s0  }
0x12: {  	s7 =	sadd.s32 $0xD000, s10;
	s10 =	sadd.s32 $0x54DE00, s0;
	s0 =	simm.s32 $0xEA10  }
.LBB2_1:
0x13: {  	[spmem:s12], [sflag:s6] =	dma.local [hbm:s5], $0x1400  }
0x14: {  	_ =	swait.ge [sflag:s13], $0x1400  }
0x15: {  	[sflag:s13] =	ssyncset.done $0x0  }
0x16: {  	[sflag:s13] =	ssyncadd.s32 $0xFFFFEC00  }
0x17: {  	[tilespmem:s3], [sflag:$0x2] =	stream.linear.gather [hbm4b:s7+s3], $0x4E20, $0x38;
	[tilespmem:$0x1DA60] =	vst v63  }
0x18: {  	_ =	swait.ge [sflag:s13], $0x4E20  }
0x19: {  	[sflag:s13] =	ssyncset.done $0x0  }
0x1a: {  	[sflag:s13] =	ssyncadd.s32 $0xFFFFB1E0  }
0x1b: {  	[tilespmem:s14], [sflag:$0x2] =	stream.linear.gather [hbm4b:s8+s3], $0x4E20, $0x38;
	[tilespmem:$0x1DA60] =	vst v63  }
0x1c: {  	_ =	swait.ge [sflag:s13], $0x4E20  }
0x1d: {  	[sflag:s13] =	ssyncset.done $0x0  }
0x1e: {  	s18 =	simm.s32 $0x9C40;
	[sflag:s13] =	ssyncadd.s32 $0xFFFFB1E0  }
0x1f: {  	[tilespmem:s18], [sflag:$0x2] =	stream.linear.gather [hbm4b:s9+s3], $0x4E20, $0x38;
	[tilespmem:$0x1DA60] =	vst v63  }
0x20: {  	_ =	swait.ge [sflag:s13], $0x4E20  }
0x21: {  	[sflag:s13] =	ssyncset.done $0x0  }
0x22: {  	s18 =	simm.s32 $0x0;
	[sflag:s13] =	ssyncadd.s32 $0xFFFFB1E0  }
0x23: {  	v2 =	vld [tilespmem:s18+$0x0]  }
0x24: {  	v3 =	vld [tilespmem:s18+$0x4E20]  }
0x25: {  	v4 =	vld [tilespmem:s18+$0x4E30]  }
0x26: {  	v6 =	vld [tilespmem:s18+$0x4E40]  }
0x27: {  	v7 =	vld [tilespmem:s18+$0x10]  }
0x28: {  	v1 =	vld [tilespmem:s18+$0x20]  }
0x29: {  	v5 =	vld [tilespmem:s18+$0x4E50];
	v3 =	vmul.u32 $0x2710, v3  }
0x2a: {  	v9 =	vmul.u32 $0x2710, v4;
	v4 =	vld [tilespmem:s18+$0x4E60]  }
0x2b: {  	v6 =	vmul.u32 $0x2710, v6;
	v3 =	vadd.s32 v2, v3;
	v2 =	vld [tilespmem:s18+$0x30]  }
0x2c: {  	s20 =	simm.s32 $0x140;
	v7 =	vadd.s32 v7, v9;
	v8 =	vshll.u32 v3, $0x1;
	v3 =	vld [tilespmem:s18+$0x40]  }
.LBB2_2:
0x2d: {  	s24 =	sshra.s32 s20, $0x2;
	p0 =	sne.s32 s20, $0x13740;
	s20 =	sadd.s32 $0x140, s20;
	v8 =	vor.u32 v0, v8;
	v7 =	vshll.u32 v7, $0x1;
	v1 =	vadd.s32 v1, v6  }
0x2e: {  	v6 =	vld [tilespmem:s24+$0x0];
	[tilespmem:s18+$0x4E20] =	vst v8;
	v7 =	vor.u32 v0, v7;
	v1 =	vshll.u32 v1, $0x1;
	v5 =	vmul.u32 $0x2710, v5  }
0x2f: {  	v8 =	vld [tilespmem:s24+$0x4E20];
	[tilespmem:s18+$0x4E30] =	vst v7;
	v1 =	vor.u32 v0, v1;
	v4 =	vmul.u32 $0x2710, v4  }
0x30: {  	v7 =	vld [tilespmem:s24+$0x4E30];
	[tilespmem:s18+$0x4E40] =	vst v1;
	v1 =	vadd.s32 v2, v5  }
0x31: {  	v2 =	vld [tilespmem:s24+$0x4E40];
	v1 =	vshll.u32 v1, $0x1;
	v3 =	vadd.s32 v3, v4  }
0x32: {  	v9 =	vld [tilespmem:s24+$0x10];
	v4 =	vor.u32 v0, v1;
	v3 =	vshll.u32 v3, $0x1  }
.Ltmp0:
0x33: {  	v1 =	vld [tilespmem:s24+$0x20];
	[tilespmem:s18+$0x4E50] =	vst v4;
	v3 =	vor.u32 v0, v3;
	(pc) =	sbr.rel @p0 .LBB2_2-.Ltmp0, $4  }
0x34: {  	v8 =	vmul.u32 $0x2710, v8;
	v5 =	vld [tilespmem:s24+$0x4E50];
	[tilespmem:s18+$0x4E60] =	vst v3;
	s18 =	smov.u32 s24  }
0x35: {  	v3 =	vmul.u32 $0x2710, v7;
	v4 =	vld [tilespmem:s18+$0x4E60]  }
0x36: {  	v7 =	vadd.s32 v6, v8;
	v6 =	vmul.u32 $0x2710, v2;
	v2 =	vld [tilespmem:s18+$0x30]  }
0x37: {  	v8 =	vshll.u32 v7, $0x1;
	v7 =	vadd.s32 v9, v3;
	v3 =	vld [tilespmem:s18+$0x40]  }
0x38: {  	_ = 	snop  }
0x39: {  	v8 =	vor.u32 v0, v8;
	v5 =	vmul.u32 $0x2710, v5  }
0x3a: {  	v7 =	vshll.u32 v7, $0x1;
	v1 =	vadd.s32 v1, v6;
	v4 =	vmul.u32 $0x2710, v4  }
0x3b: {  	[tilespmem:s18+$0x4E20] =	vst v8;
	v63 =	vor.u32 v0, v7;
	v1 =	vshll.u32 v1, $0x1;
	v2 =	vadd.s32 v2, v5  }
0x3c: {  	[tilespmem:s18+$0x4E30] =	vst v63;
	v1 =	vor.u32 v0, v1;
	v2 =	vshll.u32 v2, $0x1;
	v3 =	vadd.s32 v3, v4  }
0x3d: {  	[tilespmem:s18+$0x4E40] =	vst v1;
	v1 =	vor.u32 v0, v2;
	v2 =	vshll.u32 v3, $0x1  }
0x3e: {  	[tilespmem:s18+$0x4E50] =	vst v1;
	v1 =	vor.u32 v0, v2  }
0x3f: {  	[tilespmem:s18+$0x4E60] =	vst v1  }
0x40: {  	[bflag:$0x0] =	sbarrier.arrive $0xFFFF  }
0x41: {  	[tilespmem:s17], [sflag:$0x1] =	stream.indirect.gather [hbm4b:s4+s16], $0x40, s14, s16, $0xb8;
	[tilespmem:$0x1DA60] =	vst v63  }
0x42: {  	s25 =	simm.s32 $0x4E70  }
0x43: {  	[tilespmem:s19], [sflag:$0x1] =	stream.indirect.gather [hbm4b:s4+s16], $0x40, s25, s16, $0xb8;
	[tilespmem:$0x1DA60] =	vst v63  }
0x44: {  	s26 =	simm.s32 $0x4EC0  }
0x45: {  	[tilespmem:s21], [sflag:$0x1] =	stream.indirect.gather [hbm4b:s4+s16], $0x40, s26, s16, $0xb8;
	[tilespmem:$0x1DA60] =	vst v63  }
0x46: {  	s20 =	simm.s32 $0x4F10  }
0x47: {  	[tilespmem:s22], [sflag:$0x1] =	stream.indirect.gather [hbm4b:s4+s16], $0x40, s20, s16, $0xb8;
	[tilespmem:$0x1DA60] =	vst v63  }
0x48: {  	_ =	swait.ge [sflag:s23], $0x1400  }
0x49: {  	[sflag:s23] =	ssyncset.done $0x0  }
0x4a: {  	s24 =	simm.s32 $0x9C40;
	[sflag:s23] =	ssyncadd.s32 $0xFFFFEC00  }
0x4b: {  	[spmem:s2] =	stream.indirect.scatter.add.f32 [tilespmem:s17], [sflag:$0x2], $0x40, s24, s16, $0xb8;
	[tilespmem:$0x1DA60] =	vst v63  }
0x4c: {  	_ =	swait.ge [sflag:s13], $0x1400  }
0x4d: {  	[sflag:s13] =	ssyncset.done $0x0  }
0x4e: {  	s25 =	simm.s32 $0x4F60;
	[sflag:s13] =	ssyncadd.s32 $0xFFFFEC00  }
0x4f: {  	[tilespmem:s17], [sflag:$0x1] =	stream.indirect.gather [hbm4b:s4+s16], $0x40, s25, s16, $0xb8;
	[tilespmem:$0x1DA60] =	vst v63  }
0x50: {  	_ =	swait.ge [sflag:s23], $0x1400  }
0x51: {  	[sflag:s23] =	ssyncset.done $0x0  }
0x52: {  	s26 =	simm.s32 $0x9C90;
	[sflag:s23] =	ssyncadd.s32 $0xFFFFEC00  }
0x53: {  	[spmem:s2] =	stream.indirect.scatter.add.f32 [tilespmem:s19], [sflag:$0x2], $0x40, s26, s16, $0xb8;
	[tilespmem:$0x1DA60] =	vst v63  }
0x54: {  	_ =	swait.ge [sflag:s13], $0x1400  }
0x55: {  	[sflag:s13] =	ssyncset.done $0x0  }
0x56: {  	s20 =	simm.s32 $0x4FB0;
	[sflag:s13] =	ssyncadd.s32 $0xFFFFEC00  }
0x57: {  	[tilespmem:s19], [sflag:$0x1] =	stream.indirect.gather [hbm4b:s4+s16], $0x40, s20, s16, $0xb8;
	[tilespmem:$0x1DA60] =	vst v63  }
0x58: {  	_ =	swait.ge [sflag:s23], $0x1400  }
0x59: {  	[sflag:s23] =	ssyncset.done $0x0  }
0x5a: {  	s24 =	simm.s32 $0x9CE0;
	[sflag:s23] =	ssyncadd.s32 $0xFFFFEC00  }
0x5b: {  	[spmem:s2] =	stream.indirect.scatter.add.f32 [tilespmem:s21], [sflag:$0x2], $0x40, s24, s16, $0xb8;
	[tilespmem:$0x1DA60] =	vst v63  }
0x5c: {  	_ =	swait.ge [sflag:s13], $0x1400  }
0x5d: {  	[sflag:s13] =	ssyncset.done $0x0  }
0x5e: {  	s25 =	simm.s32 $0x5000;
	[sflag:s13] =	ssyncadd.s32 $0xFFFFEC00  }
0x5f: {  	[tilespmem:s21], [sflag:$0x1] =	stream.indirect.gather [hbm4b:s4+s16], $0x40, s25, s16, $0xb8;
	[tilespmem:$0x1DA60] =	vst v63  }
0x60: {  	_ =	swait.ge [sflag:s23], $0x1400  }
0x61: {  	[sflag:s23] =	ssyncset.done $0x0  }
0x62: {  	s26 =	simm.s32 $0x9D30;
	[sflag:s23] =	ssyncadd.s32 $0xFFFFEC00  }
0x63: {  	[spmem:s2] =	stream.indirect.scatter.add.f32 [tilespmem:s22], [sflag:$0x2], $0x40, s26, s16, $0xb8;
	[tilespmem:$0x1DA60] =	vst v63  }
0x64: {  	_ =	swait.ge [sflag:s13], $0x1400  }
0x65: {  	s18 =	simm.s32 $0x140;
	s20 =	simm.s32 $0xA00;
	[sflag:s13] =	ssyncset.done $0x0  }
.LBB2_4:
0x66: {  	s26 =	sadd.s32 $0x4F10, s18  }
0x67: {  	[sflag:s13] =	ssyncadd.s32 $0xFFFFEC00;
	s24 =	smov.u32 s20;
	s25 =	sadd.s32 $0x500, s20  }
0x68: {  	[tilespmem:s22], [sflag:$0x1] =	stream.indirect.gather [hbm4b:s4+s16], $0x40, s26, s16, $0xb8;
	[tilespmem:$0x1DA60] =	vst v63  }
0x69: {  	p0 =	sne.s32 s20, $0x12C00;
	_ =	swait.ge [sflag:s23], $0x1400  }
0x6a: {  	[sflag:s23] =	ssyncset.done $0x0  }
0x6b: {  	s20 =	sadd.s32 $0x9C40, s18;
	[sflag:s23] =	ssyncadd.s32 $0xFFFFEC00  }
0x6c: {  	[spmem:s2] =	stream.indirect.scatter.add.f32 [tilespmem:s17], [sflag:$0x2], $0x40, s20, s16, $0xb8;
	[tilespmem:$0x1DA60] =	vst v63  }
0x6d: {  	_ =	swait.ge [sflag:s13], $0x1400  }
0x6e: {  	[sflag:s13] =	ssyncset.done $0x0  }
0x6f: {  	s20 =	sadd.s32 $0x4F60, s18;
	[sflag:s13] =	ssyncadd.s32 $0xFFFFEC00  }
0x70: {  	[tilespmem:s17], [sflag:$0x1] =	stream.indirect.gather [hbm4b:s4+s16], $0x40, s20, s16, $0xb8;
	[tilespmem:$0x1DA60] =	vst v63  }
0x71: {  	_ =	swait.ge [sflag:s23], $0x1400  }
0x72: {  	[sflag:s23] =	ssyncset.done $0x0  }
0x73: {  	s20 =	sadd.s32 $0x9C90, s18;
	[sflag:s23] =	ssyncadd.s32 $0xFFFFEC00  }
0x74: {  	[spmem:s2] =	stream.indirect.scatter.add.f32 [tilespmem:s19], [sflag:$0x2], $0x40, s20, s16, $0xb8;
	[tilespmem:$0x1DA60] =	vst v63  }
0x75: {  	_ =	swait.ge [sflag:s13], $0x1400  }
0x76: {  	[sflag:s13] =	ssyncset.done $0x0  }
0x77: {  	s20 =	sadd.s32 $0x4FB0, s18;
	[sflag:s13] =	ssyncadd.s32 $0xFFFFEC00  }
0x78: {  	[tilespmem:s19], [sflag:$0x1] =	stream.indirect.gather [hbm4b:s4+s16], $0x40, s20, s16, $0xb8;
	[tilespmem:$0x1DA60] =	vst v63  }
0x79: {  	_ =	swait.ge [sflag:s23], $0x1400  }
0x7a: {  	[sflag:s23] =	ssyncset.done $0x0  }
0x7b: {  	s20 =	sadd.s32 $0x9CE0, s18;
	[sflag:s23] =	ssyncadd.s32 $0xFFFFEC00  }
0x7c: {  	[spmem:s2] =	stream.indirect.scatter.add.f32 [tilespmem:s21], [sflag:$0x2], $0x40, s20, s16, $0xb8;
	[tilespmem:$0x1DA60] =	vst v63  }
0x7d: {  	_ =	swait.ge [sflag:s13], $0x1400  }
0x7e: {  	[sflag:s13] =	ssyncset.done $0x0  }
0x7f: {  	s20 =	sadd.s32 $0x5000, s18;
	[sflag:s13] =	ssyncadd.s32 $0xFFFFEC00  }
0x80: {  	[tilespmem:s21], [sflag:$0x1] =	stream.indirect.gather [hbm4b:s4+s16], $0x40, s20, s16, $0xb8;
	[tilespmem:$0x1DA60] =	vst v63  }
0x81: {  	_ =	swait.ge [sflag:s23], $0x1400  }
.Ltmp1:
0x82: {  	[sflag:s23] =	ssyncset.done $0x0;
	(pc) =	sbr.rel @p0 .LBB2_4-.Ltmp1, $4  }
0x83: {  	s18 =	sadd.s32 $0x9D30, s18;
	[sflag:s23] =	ssyncadd.s32 $0xFFFFEC00  }
0x84: {  	[spmem:s2] =	stream.indirect.scatter.add.f32 [tilespmem:s22], [sflag:$0x2], $0x40, s18, s16, $0xb8;
	[tilespmem:$0x1DA60] =	vst v63  }
0x85: {  	_ =	swait.ge [sflag:s13], $0x1400  }
0x86: {  	s20 =	smov.u32 s25;
	s18 =	sshra.s32 s24, $0x2;
	[sflag:s13] =	ssyncset.done $0x0  }
0x87: {  	s20 =	sadd.s32 $0x4F10, s18;
	[sflag:s13] =	ssyncadd.s32 $0xFFFFEC00  }
0x88: {  	[tilespmem:s22], [sflag:$0x1] =	stream.indirect.gather [hbm4b:s4+s16], $0x40, s20, s16, $0xb8;
	[tilespmem:$0x1DA60] =	vst v63  }
0x89: {  	_ =	swait.ge [sflag:s23], $0x1400  }
0x8a: {  	[sflag:s23] =	ssyncset.done $0x0  }
0x8b: {  	s24 =	sadd.s32 $0x9C40, s18;
	[sflag:s23] =	ssyncadd.s32 $0xFFFFEC00  }
0x8c: {  	[spmem:s2] =	stream.indirect.scatter.add.f32 [tilespmem:s17], [sflag:$0x2], $0x40, s24, s16, $0xb8;
	[tilespmem:$0x1DA60] =	vst v63  }
0x8d: {  	_ =	swait.ge [sflag:s13], $0x1400  }
0x8e: {  	[sflag:s13] =	ssyncset.done $0x0  }
0x8f: {  	s25 =	sadd.s32 $0x4F60, s18;
	[sflag:s13] =	ssyncadd.s32 $0xFFFFEC00  }
0x90: {  	[tilespmem:s17], [sflag:$0x1] =	stream.indirect.gather [hbm4b:s4+s16], $0x40, s25, s16, $0xb8;
	[tilespmem:$0x1DA60] =	vst v63  }
0x91: {  	_ =	swait.ge [sflag:s23], $0x1400  }
0x92: {  	[sflag:s23] =	ssyncset.done $0x0  }
0x93: {  	s26 =	sadd.s32 $0x9C90, s18;
	[sflag:s23] =	ssyncadd.s32 $0xFFFFEC00  }
0x94: {  	[spmem:s2] =	stream.indirect.scatter.add.f32 [tilespmem:s19], [sflag:$0x2], $0x40, s26, s16, $0xb8;
	[tilespmem:$0x1DA60] =	vst v63  }
0x95: {  	_ =	swait.ge [sflag:s13], $0x1400  }
0x96: {  	[sflag:s13] =	ssyncset.done $0x0  }
0x97: {  	s24 =	sadd.s32 $0x4FB0, s18;
	[sflag:s13] =	ssyncadd.s32 $0xFFFFEC00  }
0x98: {  	[tilespmem:s19], [sflag:$0x1] =	stream.indirect.gather [hbm4b:s4+s16], $0x40, s24, s16, $0xb8;
	[tilespmem:$0x1DA60] =	vst v63  }
0x99: {  	_ =	swait.ge [sflag:s23], $0x1400  }
0x9a: {  	[sflag:s23] =	ssyncset.done $0x0  }
0x9b: {  	s25 =	sadd.s32 $0x9CE0, s18;
	[sflag:s23] =	ssyncadd.s32 $0xFFFFEC00  }
0x9c: {  	[spmem:s2] =	stream.indirect.scatter.add.f32 [tilespmem:s21], [sflag:$0x2], $0x40, s25, s16, $0xb8;
	[tilespmem:$0x1DA60] =	vst v63  }
0x9d: {  	_ =	swait.ge [sflag:s13], $0x1400  }
0x9e: {  	[sflag:s13] =	ssyncset.done $0x0  }
0x9f: {  	s26 =	sadd.s32 $0x5000, s18;
	[sflag:s13] =	ssyncadd.s32 $0xFFFFEC00  }
0xa0: {  	[tilespmem:s21], [sflag:$0x1] =	stream.indirect.gather [hbm4b:s4+s16], $0x40, s26, s16, $0xb8;
	[tilespmem:$0x1DA60] =	vst v63  }
0xa1: {  	_ =	swait.ge [sflag:s23], $0x1400  }
0xa2: {  	[sflag:s23] =	ssyncset.done $0x0  }
0xa3: {  	s20 =	sadd.s32 $0x9D30, s18;
	[sflag:s23] =	ssyncadd.s32 $0xFFFFEC00  }
0xa4: {  	[spmem:s2] =	stream.indirect.scatter.add.f32 [tilespmem:s22], [sflag:$0x2], $0x40, s20, s16, $0xb8;
	[tilespmem:$0x1DA60] =	vst v63  }
0xa5: {  	_ =	swait.ge [sflag:s13], $0x1400  }
0xa6: {  	[sflag:s13] =	ssyncset.done $0x0  }
0xa7: {  	s24 =	simm.s32 $0x9B50;
	[sflag:s13] =	ssyncadd.s32 $0xFFFFEC00  }
0xa8: {  	[tilespmem:s22], [sflag:$0x1] =	stream.indirect.gather [hbm4b:s4+s16], $0x40, s24, s16, $0xb8;
	[tilespmem:$0x1DA60] =	vst v63  }
0xa9: {  	_ =	swait.ge [sflag:s23], $0x1400  }
0xaa: {  	[sflag:s23] =	ssyncset.done $0x0  }
0xab: {  	s25 =	simm.s32 $0xE880;
	[sflag:s23] =	ssyncadd.s32 $0xFFFFEC00  }
0xac: {  	[spmem:s2] =	stream.indirect.scatter.add.f32 [tilespmem:s17], [sflag:$0x2], $0x40, s25, s16, $0xb8;
	[tilespmem:$0x1DA60] =	vst v63  }
0xad: {  	_ =	swait.ge [sflag:s13], $0x1400  }
0xae: {  	[sflag:s13] =	ssyncset.done $0x0  }
0xaf: {  	[sflag:s13] =	ssyncadd.s32 $0xFFFFEC00  }
0xb0: {  	_ =	swait.ge [sflag:s23], $0x1400  }
0xb1: {  	[sflag:s23] =	ssyncset.done $0x0  }
0xb2: {  	s26 =	simm.s32 $0xE8D0;
	[sflag:s23] =	ssyncadd.s32 $0xFFFFEC00  }
0xb3: {  	[spmem:s2] =	stream.indirect.scatter.add.f32 [tilespmem:s19], [sflag:$0x2], $0x40, s26, s16, $0xb8;
	[tilespmem:$0x1DA60] =	vst v63  }
0xb4: {  	_ =	swait.ge [sflag:s13], $0x1400  }
0xb5: {  	[sflag:s13] =	ssyncset.done $0x0  }
0xb6: {  	[sflag:s13] =	ssyncadd.s32 $0xFFFFEC00  }
0xb7: {  	_ =	swait.ge [sflag:s23], $0x1400  }
0xb8: {  	[sflag:s23] =	ssyncset.done $0x0  }
0xb9: {  	[sflag:s23] =	ssyncadd.s32 $0xFFFFEC00  }
0xba: {  	[spmem:s2] =	stream.indirect.scatter.add.f32 [tilespmem:s21], [sflag:$0x2], $0x40, s28, s16, $0xb8;
	[tilespmem:$0x1DA60] =	vst v63  }
0xbb: {  	_ =	swait.ge [sflag:s13], $0x1400  }
0xbc: {  	[sflag:s13] =	ssyncset.done $0x0  }
0xbd: {  	[sflag:s13] =	ssyncadd.s32 $0xFFFFEC00  }
0xbe: {  	_ =	swait.ge [sflag:s23], $0x1400  }
0xbf: {  	[sflag:s23] =	ssyncset.done $0x0  }
0xc0: {  	[sflag:s23] =	ssyncadd.s32 $0xFFFFEC00  }
0xc1: {  	[spmem:s2] =	stream.indirect.scatter.add.f32 [tilespmem:s22], [sflag:$0x2], $0x40, s29, s16, $0xb8;
	[tilespmem:$0x1DA60] =	vst v63  }
0xc2: {  	_ =	swait.ge [sflag:s13], $0x1400  }
0xc3: {  	[sflag:s13] =	ssyncset.done $0x0  }
0xc4: {  	[sflag:s13] =	ssyncadd.s32 $0xFFFFEC00  }
0xc5: {  	[tilespmem:s17], [sflag:$0x1] =	stream.indirect.gather [hbm4b:s4+s16], $0x40, s30, s16, $0xb8;
	[tilespmem:$0x1DA60] =	vst v63  }
0xc6: {  	_ = 	snop  }
0xc7: {  	[tilespmem:s19], [sflag:$0x1] =	stream.indirect.gather [hbm4b:s4+s16], $0x40, s31, s16, $0xb8;
	[tilespmem:$0x1DA60] =	vst v63  }
0xc8: {  	_ =	swait.ge [sflag:s23], $0x1400  }
0xc9: {  	[sflag:s23] =	ssyncset.done $0x0  }
0xca: {  	[sflag:s23] =	ssyncadd.s32 $0xFFFFEC00  }
0xcb: {  	[spmem:s2] =	stream.indirect.scatter.add.f32 [tilespmem:s17], [sflag:$0x2], $0x40, s1, s16, $0xb8;
	[tilespmem:$0x1DA60] =	vst v63  }
0xcc: {  	_ =	swait.ge [sflag:s13], $0x1400  }
0xcd: {  	[sflag:s13] =	ssyncset.done $0x0  }
0xce: {  	[sflag:s13] =	ssyncadd.s32 $0xFFFFEC00  }
0xcf: {  	_ =	swait.ge [sflag:s23], $0x1400  }
0xd0: {  	[sflag:s23] =	ssyncset.done $0x0  }
0xd1: {  	[sflag:s23] =	ssyncadd.s32 $0xFFFFEC00  }
0xd2: {  	[spmem:s2] =	stream.indirect.scatter.add.f32 [tilespmem:s19], [sflag:$0x2], $0x40, s0, s16, $0xb8;
	[tilespmem:$0x1DA60] =	vst v63  }
0xd3: {  	_ =	swait.ge [sflag:s13], $0x1400  }
0xd4: {  	s15 =	sadd.s32 $0x1, s15;
	[sflag:s13] =	ssyncset.done $0x0  }
0xd5: {  	p0 =	sne.s32 s15, s11;
	[sflag:s13] =	ssyncadd.s32 $0xFFFFEC00  }
.Ltmp2:
0xd6: {  	[bflag:$0x0] =	sbarrier.arrive $0xFFFF;
	(pc) =	sbr.rel @p0 .LBB2_1-.Ltmp2, $4  }
0xd7: {  	[hbm:s10], [sflag:s6] =	dma.local [spmem:s12], $0x1400  }
0xd8: {  	_ =	swait.ge [sflag:s13], $0x1400  }
0xd9: {  	[sflag:s13] =	ssyncset.done $0x0  }
0xda: {  	[sflag:s13] =	ssyncadd.s32 $0xFFFFEC00  }
0xdb: {  	_ =	sfence.sel $0x180000  }
0xdc: {  	[bflag:$0x0] =	sbarrier.arrive $0xFFFF  }
0xdd: {  	_ =	strace $0x9000004A  }
0xde: {  	s0 =	stileid.u32;
	[bflag:$0x2] =	sbarrier.arrive $0xFFFF  }
0xdf: {  	p0 =	sne.s32 s0, $0x0;
	s0 =	rddreg [dreg:$0x4]  }
0xe0: {  	s0 =	sadd.s32 @!p0 $0x100000, s0  }
0xe1: {  	[sflag:s0] =	ssyncadd.tile.s32 @!p0 $0x1;
	_ =	shalt  }
.Lfunc_end2:
_tile_overlayer_lowered:
.L_overlay_start_2:
0xe2: {  	(tag) =	ssettag $0x2  }
0xe3: {  	s0 =	rddreg [dreg:$0x0];
	s2 =	stileid.u32  }
0xe4: {  	s1 =	rddreg [dreg:$0x1];
	p0 =	sne.s32 s2, $0x0  }
0xe5: {  	s3 =	rddreg [dreg:$0x2];
	[bflag:$0x3] =	sbarrier.arrive $0xFFFF;
	s2 =	simm.s32 @!p0 $0x1C02  }
0xe6: {  	[timem:s3], [sflag:s2] =	dma.local @!p0 [hbm:s0], s1  }
0xe7: {  	s0 =	simm.s32 @!p0 $0x2  }
0xe8: {  	_ =	swait.ge @!p0 [sflag:s0], s1  }
0xe9: {  	s1 =	ssub.s32 @!p0 $0x0, s1;
	[sflag:s0] =	ssyncset.done @!p0 $0x0  }
0xea: {  	[sflag:s0] =	ssyncadd.s32 @!p0 s1  }
0xeb: {  	[bflag:$0x3] =	sbarrier.arrive $0xFFFF  }
0xec: {  	_ =	shalt  }

// kernel: kernel.15.cloned.1.call-start
scs
__scs_entry_jumppad:
0x0: {  	(pc) =	sbr.rel $0x88, $3  }
0x1: {  	(tag) =	ssettag $0x0;
	lr =	simm.s32 $0x1  }
0x2: {  	[smem:$0x3F98] =	sst lr;
	_ =	strace $0xD0000000  }
0x3: {  	_ = 	snop  }
0x4: {  	_ = 	snop  }
0x5: {  	_ = 	snop  }
0x6: {  	_ = 	snop  }
0x7: {  	_ = 	snop  }
__scs_overlays_trampoline_lowered:
0x8: {  	[smem:$0x3FA7] =	sst s0  }
0x9: {  	[smem:$0x3FA8] =	sst s1  }
0xa: {  	[smem:$0x3FA9] =	sst s2  }
0xb: {  	[smem:$0x3FAA] =	sst s3  }
0xc: {  	[smem:$0x3FAB] =	sst s4  }
0xd: {  	[smem:$0x3FAC] =	sst s5  }
0xe: {  	[smem:$0x3FAD] =	sst s6  }
0xf: {  	[smem:$0x3FAE] =	sst s7  }
0x10: {  	[smem:$0x3FAF] =	sst s8  }
0x11: {  	[smem:$0x3FB0] =	sst s9;
	s0 =	simm.s32 @!p0 $0x0  }
0x12: {  	s1 =	sld [smem:$0x3F96];
	s0 =	simm.s32 @p0 $0x1  }
0x13: {  	[smem:$0x3FB1] =	sst s0;
	s0 =	simm.s32 @!p1 $0x0  }
0x14: {  	s2 =	sld [smem:$0x3F95];
	s0 =	simm.s32 @p1 $0x1  }
0x15: {  	[smem:$0x3FB2] =	sst s0;
	s0 =	simm.s32 @!p2 $0x0  }
0x16: {  	s3 =	sld [smem:$0x3FDB];
	s0 =	simm.s32 @p2 $0x1  }
0x17: {  	s4 =	simm.s32 $0x1BF5;
	[smem:$0x3FB4] =	sst s0  }
0x18: {  	s0 =	sld [smem:$0x3F97];
	_ =	swait.ge [sflag:s4], $0x0  }
0x19: {  	s7 =	sld [smem:$0x3F98]  }
0x1a: {  	s8 =	sadd.s32 $0xFFFFE003, lr  }
0x1b: {  	s9 =	sadd.s32 $0xFFFFFEF7, lr;
	s5 =	simm.s32 $0xFFFFFFFF;
	p2 =	slt.u32 s8, $0xFFFFF086  }
0x1c: {  	p1 =	slt.u32 s9, $0xF7A;
	s5 =	simm.s32 @!p2 $0x0  }
0x1d: {  	s5 =	simm.s32 @p1 $0x1;
	p0 =	seq.s32 s7, s2  }
0x1e: {  	s7 =	smul.u32 @!p0 $0xF7A, s2;
	p2 =	seq.s32 @!p0 s5, $0x0  }
0x1f: {  	s9 =	smul.u32 $0xF7A, s1;
	s8 =	simm.s32 @!p0 $0x1BF5;
	p2 =	por !p2, p0  }
0x20: {  	[sflag:s8] =	ssyncset.s32 @!p0 $0xFFFFF086;
	s6 =	sadd.s32 @!p0 s3, s7;
	s7 =	simm.s32 @!p0 $0x108  }
0x21: {  	s3 =	sadd.s32 s3, s9;
	s6 =	sadd.s32 @!p0 $0x88, s6;
	s7 =	simm.s32 @p2 $0x1082  }
0x22: {  	[simem:s7], [sflag:s8] =	dma.local @!p0 [hbm:s6], $0xF7A  }
0x23: {  	s9 =	sor.u32 $0xD0000000, s2;
	s6 =	simm.s32 $0x108;
	_ =	swait.ge @!p0 [sflag:s8], $0x0  }
0x24: {  	s3 =	sadd.s32 $0x88, s3;
	s6 =	simm.s32 @!p1 $0x1082;
	[sflag:s4] =	ssyncset.s32 $0xFFFFF086  }
0x25: {  	[simem:s6], [sflag:s4] =	dma.local [hbm:s3], $0xF7A  }
0x26: {  	[smem:$0x3F98] =	sst s1;
	(tag) =	ssettag s2;
	_ =	strace s9  }
0x27: {  	s1 =	sld [smem:$0x3FA8]  }
0x28: {  	s2 =	sld [smem:$0x3FA9]  }
0x29: {  	s4 =	sld [smem:$0x3FAB]  }
0x2a: {  	p0 =	seq.s32 s5, $0x0;
	s5 =	sld [smem:$0x3FAC]  }
0x2b: {  	s6 =	sld [smem:$0x3FAD]  }
0x2c: {  	s7 =	sld [smem:$0x3FAE]  }
0x2d: {  	s3 =	simm.s32 $0x108;
	s8 =	sld [smem:$0x3FAF]  }
0x2e: {  	s3 =	simm.s32 @!p0 $0x1082;
	s9 =	sld [smem:$0x3FB0]  }
0x2f: {  	lr =	sadd.s32 s0, s3;
	s0 =	sld [smem:$0x3FA7]  }
0x30: {  	s3 =	sld [smem:$0x3FAA]  }
0x31: {  	[smem:$0x3FB3] =	sst s10  }
0x32: {  	s10 =	sld [smem:$0x3FB1];
	_ =	sdelay $0x3  }
0x33: {  	p0 =	seq.s32 s10, $0x1;
	s10 =	sld [smem:$0x3FB3];
	_ =	sdelay $0x3  }
0x34: {  	[smem:$0x3FB3] =	sst s10  }
0x35: {  	s10 =	sld [smem:$0x3FB2];
	_ =	sdelay $0x3  }
0x36: {  	p1 =	seq.s32 s10, $0x1;
	s10 =	sld [smem:$0x3FB3];
	_ =	sdelay $0x3  }
0x37: {  	[smem:$0x3FB3] =	sst s10  }
0x38: {  	s10 =	sld [smem:$0x3FB4]  }
0x39: {  	_ = 	snop;
	(pc) =	sbr.ind lr, $3  }
0x3a: {  	_ = 	snop  }
0x3b: {  	_ = 	snop  }
0x3c: {  	p2 =	seq.s32 s10, $0x1;
	s10 =	sld [smem:$0x3FB3]  }
0x3d: {  	_ =	shalt  }
0x3e: {  	_ =	shalt  }
0x3f: {  	_ =	shalt  }
0x40: {  	_ =	shalt  }
0x41: {  	_ =	shalt  }
0x42: {  	_ =	shalt  }
0x43: {  	_ =	shalt  }
0x44: {  	_ =	shalt  }
0x45: {  	_ =	shalt  }
0x46: {  	_ =	shalt  }
0x47: {  	_ =	shalt  }
0x48: {  	_ =	shalt  }
0x49: {  	_ =	shalt  }
0x4a: {  	_ =	shalt  }
0x4b: {  	_ =	shalt  }
0x4c: {  	_ =	shalt  }
0x4d: {  	_ =	shalt  }
0x4e: {  	_ =	shalt  }
0x4f: {  	_ =	shalt  }
0x50: {  	_ =	shalt  }
0x51: {  	_ =	shalt  }
0x52: {  	_ =	shalt  }
0x53: {  	_ =	shalt  }
0x54: {  	_ =	shalt  }
0x55: {  	_ =	shalt  }
0x56: {  	_ =	shalt  }
0x57: {  	_ =	shalt  }
0x58: {  	_ =	shalt  }
0x59: {  	_ =	shalt  }
0x5a: {  	_ =	shalt  }
0x5b: {  	_ =	shalt  }
0x5c: {  	_ =	shalt  }
0x5d: {  	_ =	shalt  }
0x5e: {  	_ =	shalt  }
0x5f: {  	_ =	shalt  }
0x60: {  	_ =	shalt  }
0x61: {  	_ =	shalt  }
0x62: {  	_ =	shalt  }
0x63: {  	_ =	shalt  }
0x64: {  	_ =	shalt  }
0x65: {  	_ =	shalt  }
0x66: {  	_ =	shalt  }
0x67: {  	_ =	shalt  }
0x68: {  	_ =	shalt  }
0x69: {  	_ =	shalt  }
0x6a: {  	_ =	shalt  }
0x6b: {  	_ =	shalt  }
0x6c: {  	_ =	shalt  }
0x6d: {  	_ =	shalt  }
0x6e: {  	_ =	shalt  }
0x6f: {  	_ =	shalt  }
0x70: {  	_ =	shalt  }
0x71: {  	_ =	shalt  }
0x72: {  	_ =	shalt  }
0x73: {  	_ =	shalt  }
0x74: {  	_ =	shalt  }
0x75: {  	_ =	shalt  }
0x76: {  	_ =	shalt  }
0x77: {  	_ =	shalt  }
0x78: {  	_ =	shalt  }
0x79: {  	_ =	shalt  }
0x7a: {  	_ =	shalt  }
0x7b: {  	_ =	shalt  }
0x7c: {  	_ =	shalt  }
0x7d: {  	_ =	shalt  }
0x7e: {  	_ =	shalt  }
0x7f: {  	_ =	shalt  }
0x80: {  	_ =	shalt  }
0x81: {  	_ =	shalt  }
0x82: {  	_ =	shalt  }
0x83: {  	_ =	shalt  }
0x84: {  	_ =	shalt  }
0x85: {  	_ =	shalt  }
0x86: {  	_ =	shalt  }
0x87: {  	_ =	shalt  }
.Lfunc_end0:
.L_simem_size_0:
called_computation.2_lowered:
.L_overlay_start_0:
0x88: {  	s2 =	sld [smem:$0x3FD9]  }
0x89: {  	s3 =	sld [smem:$0x3FFE];
	_ =	sdelay $0x1  }
0x8a: {  	s1 =	srdreg.scid  }
0x8b: {  	s0 =	sand.u32 $0x1, s1  }
0x8c: {  	s17 =	sshll.u32 s0, $0xA;
	s2 =	sadd.s32 s3, s2  }
0x8d: {  	s2 =	sadd.s32 s2, s17  }
0x8e: {  	[smem:$0x3FBF] =	sst s2  }
0x8f: {  	_ = 	snop  }
0x90: {  	s2 =	sld [smem:$0x3FC8]  }
0x91: {  	s18 =	sld [smem:$0x3FD0];
	(tm) =	ssettm $0x1  }
0x92: {  	s4 =	sld [smem:$0x3FFB];
	_ =	sdelay $0x3  }
0x93: {  	_ =	strace s4  }
0x94: {  	s4 =	sld [smem:$0x3FFC];
	_ =	sdelay $0x3  }
0x95: {  	_ =	strace s4  }
0x96: {  	s4 =	sld [smem:$0x3FFD];
	_ =	sdelay $0x3  }
0x97: {  	_ =	strace s4  }
0x98: {  	_ =	strace $0x8FFFFFFF  }
0x99: {  	s19 =	sld [smem:$0x3FDB];
	_ =	sdelay $0x1  }
0x9a: {  	s5 =	simm.s32 $_scs_section_size  }
0x9b: {  	s6 =	simm.s32 $_size__tile_overlayer_lowered;
	s7 =	simm.s32 $_tile_overlayer_lowered  }
0x9c: {  	s22 =	simm.s32 $0x1BFF;
	s21 =	sshll.u32 s7, $0x1;
	s4 =	sadd.s32 s5, s19  }
0x9d: {  	s8 =	simm.s32 $0x0;
	s20 =	sshll.u32 s6, $0x1;
	s6 =	sadd.s32 s21, s4  }
0x9e: {  	[timem:s8], [sflag:s22] =	dma.local [hbm:s6], s20  }
0x9f: {  	_ =	swait.ge [sflag:s22], s20  }
0xa0: {  	s5 =	ssub.s32 $0x0, s20;
	[sflag:s22] =	ssyncset.done $0x0  }
0xa1: {  	[sflag:s22] =	ssyncadd.s32 s5;
	_ =	sdelay $0x1  }
0xa2: {  	s23 =	simm.s32 $0x1B8B  }
0xa3: {  	_ =	swait.ge [sflag:s23], $0x1  }
0xa4: {  	[sflag:s23] =	ssyncset.done $0x0  }
0xa5: {  	s25 =	simm.s32 $0x1B8E;
	s24 =	sld [smem:$0x3FFE];
	[sflag:s23] =	ssyncadd.s32 $0xFFFFFFFF  }
0xa6: {  	s26 =	simm.s32 $execute0_lowered;
	[smem:$0x3FD2] =	sst s25  }
0xa7: {  	s6 =	sshll.u32 s26, $0x1;
	_ =	strace $0x8000004C;
	[dreg:$0x1] =	wrdreg $0xFFFFFFFF  }
0xa8: {  	s28 =	simm.s32 $_size_execute0_lowered;
	s4 =	sadd.s32 s4, s6;
	[dreg:$0x0] =	wrdreg $0x0  }
0xa9: {  	s6 =	sshll.u32 s28, $0x1;
	[dreg:$0x2] =	wrdreg s4  }
0xaa: {  	[dreg:$0x3] =	wrdreg s6  }
0xab: {  	[dreg:$0x4] =	wrdreg $0xC0  }
0xac: {  	_ =	task [dreg:s8], $0x5FFFF  }
0xad: {  	[dreg:$0x1] =	wrdreg $0xFFFFFFFF  }
0xae: {  	[dreg:$0x0] =	wrdreg $0x60  }
0xaf: {  	[dreg:$0x2] =	wrdreg s24  }
0xb0: {  	[dreg:$0x3] =	wrdreg s2  }
0xb1: {  	[dreg:$0x4] =	wrdreg s18  }
0xb2: {  	[dreg:$0x5] =	wrdreg $0x13A600  }
0xb3: {  	[dreg:$0x6] =	wrdreg $0x9  }
0xb4: {  	_ =	task.clear_ibuf [dreg:s8], $0x7FFFF;
	_ =	strace $0x9000004C  }
0xb5: {  	s29 =	simm.s32 $0x9;
	_ =	strace $0x8000004E  }
0xb6: {  	_ =	swait.ge [sflag:s29], $0x1  }
0xb7: {  	[sflag:s29] =	ssyncadd.s32 $0xFFFFFFFF  }
0xb8: {  	_ =	strace $0x9000004E  }
0xb9: {  	_ =	sfence  }
0xba: {  	s30 =	sld [smem:$0x0];
	_ =	sdelay $0x2  }
0xbb: {  	s31 =	sshll.u32 s1, $0xD;
	s1 =	sshrl.u32 s1, $0x2  }
0xbc: {  	s3 =	sand.u32 $0x4000, s31;
	s1 =	sadd.s32 s1, s30  }
0xbd: {  	s0 =	sor.u32 s3, s0;
	s1 =	sshll.u32 s1, $0x11  }
0xbe: {  	s0 =	sor.u32 s1, s0  }
0xbf: {  	s0 =	sadd.s32 $0x8F2B, s0  }
0xc0: {  	[sflag:s0] =	ssyncadd.remote.s32 $0x1  }
0xc1: {  	_ =	sfence.sel $0xFFFF  }
0xc2: {  	[dreg:$0x0] =	wrdreg $0xFFFFFFFF;
	(pc) =	sbr.abs _section_cstart, $3  }
0xc3: {  	[dreg:$0x1] =	wrdreg $0xFFFFFFFF  }
0xc4: {  	_ =	task.clear_ibuf [dreg:s8], $0x2FFFF;
	_ =	strace $0x9FFFFFFF  }
0xc5: {  	(tm) =	ssettm $0x7FFFFFFF  }
tec
execute0_lowered:
.L_overlay_start_1:
0x0: {  	(tag) =	ssettag $0x1  }
0x1: {  	s0 =	rddreg [dreg:$0x0]  }
0x2: {  	s1 =	rddreg [dreg:$0x1]  }
0x3: {  	s5 =	rddreg [dreg:$0x2]  }
0x4: {  	s12 =	stileid.u32;
	s3 =	srdreg.scid  }
0x5: {  	s2 =	rddreg [dreg:$0x3];
	s13 =	simm.s32 $0x2;
	s14 =	simm.s32 $0x4E20  }
0x6: {  	s16 =	simm.s32 $0x50;
	s17 =	simm.s32 $0xEA60;
	s19 =	simm.s32 $0xFE60  }
0x7: {  	s21 =	simm.s32 $0x11260;
	s22 =	simm.s32 $0x12660;
	s28 =	simm.s32 $0xE920  }
0x8: {  	s29 =	simm.s32 $0xE970;
	s30 =	simm.s32 $0x9BA0;
	s6 =	smul.u32 $0xA000, s12  }
0x9: {  	s31 =	simm.s32 $0x9BF0;
	s15 =	sand.u32 $0x1, s3;
	s8 =	smul.u32 $0x9C4, s12  }
0xa: {  	s3 =	simm.s32 $0x0;
	s25 =	sshll.u32 s12, $0x6;
	s4 =	smul.u32 $0xA0000, s15  }
0xb: {  	[smem:$0x7FF] =	sst s3;
	s9 =	ssub.s32 $0x2, s15;
	v0 =	vmov s15;
	s15 =	simm.s32 $0x0  }
0xc: {  	_ =	strace $0x8000004D;
	s10 =	sadd.s32 s8, s0;
	s23 =	sshrl.u32 s9, $0x1  }
0xd: {  	s24 =	sshrl.u32 s6, $0x3;
	s26 =	sadd.s32 s6, s2;
	s8 =	sadd.s32 s1, s8  }
0xe: {  	s1 =	simm.s32 $0xE9C0;
	s7 =	sadd.s32 s6, s4;
	s4 =	sadd.s32 $0x17000, s0  }
0xf: {  	s11 =	ssub.s32 s9, s23;
	s5 =	sadd.s32 s5, s24;
	s6 =	sor.u32 $0x1C02, s25  }
0x10: {  	s9 =	sadd.s32 $0x3200, s10;
	s12 =	sshrl.u32 s26, $0x3;
	s7 =	sshrl.u32 s7, $0x3  }
0x11: {  	s23 =	simm.s32 $0x1;
	s11 =	smax.u32 s11, $0x1;
	s0 =	sadd.s32 s7, s0  }
0x12: {  	s7 =	sadd.s32 $0xD000, s10;
	s10 =	sadd.s32 $0x54DE00, s0;
	s0 =	simm.s32 $0xEA10  }
.LBB2_1:
0x13: {  	[spmem:s12], [sflag:s6] =	dma.local [hbm:s5], $0x1400  }
0x14: {  	_ =	swait.ge [sflag:s13], $0x1400  }
0x15: {  	[sflag:s13] =	ssyncset.done $0x0  }
0x16: {  	[sflag:s13] =	ssyncadd.s32 $0xFFFFEC00  }
0x17: {  	[tilespmem:s3], [sflag:$0x2] =	stream.linear.gather [hbm4b:s7+s3], $0x4E20, $0x38;
	[tilespmem:$0x1DA60] =	vst v63  }
0x18: {  	_ =	swait.ge [sflag:s13], $0x4E20  }
0x19: {  	[sflag:s13] =	ssyncset.done $0x0  }
0x1a: {  	[sflag:s13] =	ssyncadd.s32 $0xFFFFB1E0  }
0x1b: {  	[tilespmem:s14], [sflag:$0x2] =	stream.linear.gather [hbm4b:s8+s3], $0x4E20, $0x38;
	[tilespmem:$0x1DA60] =	vst v63  }
0x1c: {  	_ =	swait.ge [sflag:s13], $0x4E20  }
0x1d: {  	[sflag:s13] =	ssyncset.done $0x0  }
0x1e: {  	s18 =	simm.s32 $0x9C40;
	[sflag:s13] =	ssyncadd.s32 $0xFFFFB1E0  }
0x1f: {  	[tilespmem:s18], [sflag:$0x2] =	stream.linear.gather [hbm4b:s9+s3], $0x4E20, $0x38;
	[tilespmem:$0x1DA60] =	vst v63  }
0x20: {  	_ =	swait.ge [sflag:s13], $0x4E20  }
0x21: {  	[sflag:s13] =	ssyncset.done $0x0  }
0x22: {  	s18 =	simm.s32 $0x0;
	[sflag:s13] =	ssyncadd.s32 $0xFFFFB1E0  }
0x23: {  	v2 =	vld [tilespmem:s18+$0x0]  }
0x24: {  	v3 =	vld [tilespmem:s18+$0x4E20]  }
0x25: {  	v4 =	vld [tilespmem:s18+$0x4E30]  }
0x26: {  	v6 =	vld [tilespmem:s18+$0x4E40]  }
0x27: {  	v7 =	vld [tilespmem:s18+$0x10]  }
0x28: {  	v1 =	vld [tilespmem:s18+$0x20]  }
0x29: {  	v5 =	vld [tilespmem:s18+$0x4E50];
	v3 =	vmul.u32 $0x2710, v3  }
0x2a: {  	v9 =	vmul.u32 $0x2710, v4;
	v4 =	vld [tilespmem:s18+$0x4E60]  }
0x2b: {  	v6 =	vmul.u32 $0x2710, v6;
	v3 =	vadd.s32 v2, v3;
	v2 =	vld [tilespmem:s18+$0x30]  }
0x2c: {  	s20 =	simm.s32 $0x140;
	v7 =	vadd.s32 v7, v9;
	v8 =	vshll.u32 v3, $0x1;
	v3 =	vld [tilespmem:s18+$0x40]  }
.LBB2_2:
0x2d: {  	s24 =	sshra.s32 s20, $0x2;
	p0 =	sne.s32 s20, $0x13740;
	s20 =	sadd.s32 $0x140, s20;
	v8 =	vor.u32 v0, v8;
	v7 =	vshll.u32 v7, $0x1;
	v1 =	vadd.s32 v1, v6  }
0x2e: {  	v6 =	vld [tilespmem:s24+$0x0];
	[tilespmem:s18+$0x4E20] =	vst v8;
	v7 =	vor.u32 v0, v7;
	v1 =	vshll.u32 v1, $0x1;
	v5 =	vmul.u32 $0x2710, v5  }
0x2f: {  	v8 =	vld [tilespmem:s24+$0x4E20];
	[tilespmem:s18+$0x4E30] =	vst v7;
	v1 =	vor.u32 v0, v1;
	v4 =	vmul.u32 $0x2710, v4  }
0x30: {  	v7 =	vld [tilespmem:s24+$0x4E30];
	[tilespmem:s18+$0x4E40] =	vst v1;
	v1 =	vadd.s32 v2, v5  }
0x31: {  	v2 =	vld [tilespmem:s24+$0x4E40];
	v1 =	vshll.u32 v1, $0x1;
	v3 =	vadd.s32 v3, v4  }
0x32: {  	v9 =	vld [tilespmem:s24+$0x10];
	v4 =	vor.u32 v0, v1;
	v3 =	vshll.u32 v3, $0x1  }
.Ltmp0:
0x33: {  	v1 =	vld [tilespmem:s24+$0x20];
	[tilespmem:s18+$0x4E50] =	vst v4;
	v3 =	vor.u32 v0, v3;
	(pc) =	sbr.rel @p0 .LBB2_2-.Ltmp0, $4  }
0x34: {  	v8 =	vmul.u32 $0x2710, v8;
	v5 =	vld [tilespmem:s24+$0x4E50];
	[tilespmem:s18+$0x4E60] =	vst v3;
	s18 =	smov.u32 s24  }
0x35: {  	v3 =	vmul.u32 $0x2710, v7;
	v4 =	vld [tilespmem:s18+$0x4E60]  }
0x36: {  	v7 =	vadd.s32 v6, v8;
	v6 =	vmul.u32 $0x2710, v2;
	v2 =	vld [tilespmem:s18+$0x30]  }
0x37: {  	v8 =	vshll.u32 v7, $0x1;
	v7 =	vadd.s32 v9, v3;
	v3 =	vld [tilespmem:s18+$0x40]  }
0x38: {  	_ = 	snop  }
0x39: {  	v8 =	vor.u32 v0, v8;
	v5 =	vmul.u32 $0x2710, v5  }
0x3a: {  	v7 =	vshll.u32 v7, $0x1;
	v1 =	vadd.s32 v1, v6;
	v4 =	vmul.u32 $0x2710, v4  }
0x3b: {  	[tilespmem:s18+$0x4E20] =	vst v8;
	v63 =	vor.u32 v0, v7;
	v1 =	vshll.u32 v1, $0x1;
	v2 =	vadd.s32 v2, v5  }
0x3c: {  	[tilespmem:s18+$0x4E30] =	vst v63;
	v1 =	vor.u32 v0, v1;
	v2 =	vshll.u32 v2, $0x1;
	v3 =	vadd.s32 v3, v4  }
0x3d: {  	[tilespmem:s18+$0x4E40] =	vst v1;
	v1 =	vor.u32 v0, v2;
	v2 =	vshll.u32 v3, $0x1  }
0x3e: {  	[tilespmem:s18+$0x4E50] =	vst v1;
	v1 =	vor.u32 v0, v2  }
0x3f: {  	[tilespmem:s18+$0x4E60] =	vst v1  }
0x40: {  	[bflag:$0x0] =	sbarrier.arrive $0xFFFF  }
0x41: {  	[tilespmem:s17], [sflag:$0x1] =	stream.indirect.gather [hbm4b:s4+s16], $0x40, s14, s16, $0xb8;
	[tilespmem:$0x1DA60] =	vst v63  }
0x42: {  	s25 =	simm.s32 $0x4E70  }
0x43: {  	[tilespmem:s19], [sflag:$0x1] =	stream.indirect.gather [hbm4b:s4+s16], $0x40, s25, s16, $0xb8;
	[tilespmem:$0x1DA60] =	vst v63  }
0x44: {  	s26 =	simm.s32 $0x4EC0  }
0x45: {  	[tilespmem:s21], [sflag:$0x1] =	stream.indirect.gather [hbm4b:s4+s16], $0x40, s26, s16, $0xb8;
	[tilespmem:$0x1DA60] =	vst v63  }
0x46: {  	s20 =	simm.s32 $0x4F10  }
0x47: {  	[tilespmem:s22], [sflag:$0x1] =	stream.indirect.gather [hbm4b:s4+s16], $0x40, s20, s16, $0xb8;
	[tilespmem:$0x1DA60] =	vst v63  }
0x48: {  	_ =	swait.ge [sflag:s23], $0x1400  }
0x49: {  	[sflag:s23] =	ssyncset.done $0x0  }
0x4a: {  	s24 =	simm.s32 $0x9C40;
	[sflag:s23] =	ssyncadd.s32 $0xFFFFEC00  }
0x4b: {  	[spmem:s2] =	stream.indirect.scatter.add.f32 [tilespmem:s17], [sflag:$0x2], $0x40, s24, s16, $0xb8;
	[tilespmem:$0x1DA60] =	vst v63  }
0x4c: {  	_ =	swait.ge [sflag:s13], $0x1400  }
0x4d: {  	[sflag:s13] =	ssyncset.done $0x0  }
0x4e: {  	s25 =	simm.s32 $0x4F60;
	[sflag:s13] =	ssyncadd.s32 $0xFFFFEC00  }
0x4f: {  	[tilespmem:s17], [sflag:$0x1] =	stream.indirect.gather [hbm4b:s4+s16], $0x40, s25, s16, $0xb8;
	[tilespmem:$0x1DA60] =	vst v63  }
0x50: {  	_ =	swait.ge [sflag:s23], $0x1400  }
0x51: {  	[sflag:s23] =	ssyncset.done $0x0  }
0x52: {  	s26 =	simm.s32 $0x9C90;
	[sflag:s23] =	ssyncadd.s32 $0xFFFFEC00  }
0x53: {  	[spmem:s2] =	stream.indirect.scatter.add.f32 [tilespmem:s19], [sflag:$0x2], $0x40, s26, s16, $0xb8;
	[tilespmem:$0x1DA60] =	vst v63  }
0x54: {  	_ =	swait.ge [sflag:s13], $0x1400  }
0x55: {  	[sflag:s13] =	ssyncset.done $0x0  }
0x56: {  	s20 =	simm.s32 $0x4FB0;
	[sflag:s13] =	ssyncadd.s32 $0xFFFFEC00  }
0x57: {  	[tilespmem:s19], [sflag:$0x1] =	stream.indirect.gather [hbm4b:s4+s16], $0x40, s20, s16, $0xb8;
	[tilespmem:$0x1DA60] =	vst v63  }
0x58: {  	_ =	swait.ge [sflag:s23], $0x1400  }
0x59: {  	[sflag:s23] =	ssyncset.done $0x0  }
0x5a: {  	s24 =	simm.s32 $0x9CE0;
	[sflag:s23] =	ssyncadd.s32 $0xFFFFEC00  }
0x5b: {  	[spmem:s2] =	stream.indirect.scatter.add.f32 [tilespmem:s21], [sflag:$0x2], $0x40, s24, s16, $0xb8;
	[tilespmem:$0x1DA60] =	vst v63  }
0x5c: {  	_ =	swait.ge [sflag:s13], $0x1400  }
0x5d: {  	[sflag:s13] =	ssyncset.done $0x0  }
0x5e: {  	s25 =	simm.s32 $0x5000;
	[sflag:s13] =	ssyncadd.s32 $0xFFFFEC00  }
0x5f: {  	[tilespmem:s21], [sflag:$0x1] =	stream.indirect.gather [hbm4b:s4+s16], $0x40, s25, s16, $0xb8;
	[tilespmem:$0x1DA60] =	vst v63  }
0x60: {  	_ =	swait.ge [sflag:s23], $0x1400  }
0x61: {  	[sflag:s23] =	ssyncset.done $0x0  }
0x62: {  	s26 =	simm.s32 $0x9D30;
	[sflag:s23] =	ssyncadd.s32 $0xFFFFEC00  }
0x63: {  	[spmem:s2] =	stream.indirect.scatter.add.f32 [tilespmem:s22], [sflag:$0x2], $0x40, s26, s16, $0xb8;
	[tilespmem:$0x1DA60] =	vst v63  }
0x64: {  	_ =	swait.ge [sflag:s13], $0x1400  }
0x65: {  	s18 =	simm.s32 $0x140;
	s20 =	simm.s32 $0xA00;
	[sflag:s13] =	ssyncset.done $0x0  }
.LBB2_4:
0x66: {  	s26 =	sadd.s32 $0x4F10, s18  }
0x67: {  	[sflag:s13] =	ssyncadd.s32 $0xFFFFEC00;
	s24 =	smov.u32 s20;
	s25 =	sadd.s32 $0x500, s20  }
0x68: {  	[tilespmem:s22], [sflag:$0x1] =	stream.indirect.gather [hbm4b:s4+s16], $0x40, s26, s16, $0xb8;
	[tilespmem:$0x1DA60] =	vst v63  }
0x69: {  	p0 =	sne.s32 s20, $0x12C00;
	_ =	swait.ge [sflag:s23], $0x1400  }
0x6a: {  	[sflag:s23] =	ssyncset.done $0x0  }
0x6b: {  	s20 =	sadd.s32 $0x9C40, s18;
	[sflag:s23] =	ssyncadd.s32 $0xFFFFEC00  }
0x6c: {  	[spmem:s2] =	stream.indirect.scatter.add.f32 [tilespmem:s17], [sflag:$0x2], $0x40, s20, s16, $0xb8;
	[tilespmem:$0x1DA60] =	vst v63  }
0x6d: {  	_ =	swait.ge [sflag:s13], $0x1400  }
0x6e: {  	[sflag:s13] =	ssyncset.done $0x0  }
0x6f: {  	s20 =	sadd.s32 $0x4F60, s18;
	[sflag:s13] =	ssyncadd.s32 $0xFFFFEC00  }
0x70: {  	[tilespmem:s17], [sflag:$0x1] =	stream.indirect.gather [hbm4b:s4+s16], $0x40, s20, s16, $0xb8;
	[tilespmem:$0x1DA60] =	vst v63  }
0x71: {  	_ =	swait.ge [sflag:s23], $0x1400  }
0x72: {  	[sflag:s23] =	ssyncset.done $0x0  }
0x73: {  	s20 =	sadd.s32 $0x9C90, s18;
	[sflag:s23] =	ssyncadd.s32 $0xFFFFEC00  }
0x74: {  	[spmem:s2] =	stream.indirect.scatter.add.f32 [tilespmem:s19], [sflag:$0x2], $0x40, s20, s16, $0xb8;
	[tilespmem:$0x1DA60] =	vst v63  }
0x75: {  	_ =	swait.ge [sflag:s13], $0x1400  }
0x76: {  	[sflag:s13] =	ssyncset.done $0x0  }
0x77: {  	s20 =	sadd.s32 $0x4FB0, s18;
	[sflag:s13] =	ssyncadd.s32 $0xFFFFEC00  }
0x78: {  	[tilespmem:s19], [sflag:$0x1] =	stream.indirect.gather [hbm4b:s4+s16], $0x40, s20, s16, $0xb8;
	[tilespmem:$0x1DA60] =	vst v63  }
0x79: {  	_ =	swait.ge [sflag:s23], $0x1400  }
0x7a: {  	[sflag:s23] =	ssyncset.done $0x0  }
0x7b: {  	s20 =	sadd.s32 $0x9CE0, s18;
	[sflag:s23] =	ssyncadd.s32 $0xFFFFEC00  }
0x7c: {  	[spmem:s2] =	stream.indirect.scatter.add.f32 [tilespmem:s21], [sflag:$0x2], $0x40, s20, s16, $0xb8;
	[tilespmem:$0x1DA60] =	vst v63  }
0x7d: {  	_ =	swait.ge [sflag:s13], $0x1400  }
0x7e: {  	[sflag:s13] =	ssyncset.done $0x0  }
0x7f: {  	s20 =	sadd.s32 $0x5000, s18;
	[sflag:s13] =	ssyncadd.s32 $0xFFFFEC00  }
0x80: {  	[tilespmem:s21], [sflag:$0x1] =	stream.indirect.gather [hbm4b:s4+s16], $0x40, s20, s16, $0xb8;
	[tilespmem:$0x1DA60] =	vst v63  }
0x81: {  	_ =	swait.ge [sflag:s23], $0x1400  }
.Ltmp1:
0x82: {  	[sflag:s23] =	ssyncset.done $0x0;
	(pc) =	sbr.rel @p0 .LBB2_4-.Ltmp1, $4  }
0x83: {  	s18 =	sadd.s32 $0x9D30, s18;
	[sflag:s23] =	ssyncadd.s32 $0xFFFFEC00  }
0x84: {  	[spmem:s2] =	stream.indirect.scatter.add.f32 [tilespmem:s22], [sflag:$0x2], $0x40, s18, s16, $0xb8;
	[tilespmem:$0x1DA60] =	vst v63  }
0x85: {  	_ =	swait.ge [sflag:s13], $0x1400  }
0x86: {  	s20 =	smov.u32 s25;
	s18 =	sshra.s32 s24, $0x2;
	[sflag:s13] =	ssyncset.done $0x0  }
0x87: {  	s20 =	sadd.s32 $0x4F10, s18;
	[sflag:s13] =	ssyncadd.s32 $0xFFFFEC00  }
0x88: {  	[tilespmem:s22], [sflag:$0x1] =	stream.indirect.gather [hbm4b:s4+s16], $0x40, s20, s16, $0xb8;
	[tilespmem:$0x1DA60] =	vst v63  }
0x89: {  	_ =	swait.ge [sflag:s23], $0x1400  }
0x8a: {  	[sflag:s23] =	ssyncset.done $0x0  }
0x8b: {  	s24 =	sadd.s32 $0x9C40, s18;
	[sflag:s23] =	ssyncadd.s32 $0xFFFFEC00  }
0x8c: {  	[spmem:s2] =	stream.indirect.scatter.add.f32 [tilespmem:s17], [sflag:$0x2], $0x40, s24, s16, $0xb8;
	[tilespmem:$0x1DA60] =	vst v63  }
0x8d: {  	_ =	swait.ge [sflag:s13], $0x1400  }
0x8e: {  	[sflag:s13] =	ssyncset.done $0x0  }
0x8f: {  	s25 =	sadd.s32 $0x4F60, s18;
	[sflag:s13] =	ssyncadd.s32 $0xFFFFEC00  }
0x90: {  	[tilespmem:s17], [sflag:$0x1] =	stream.indirect.gather [hbm4b:s4+s16], $0x40, s25, s16, $0xb8;
	[tilespmem:$0x1DA60] =	vst v63  }
0x91: {  	_ =	swait.ge [sflag:s23], $0x1400  }
0x92: {  	[sflag:s23] =	ssyncset.done $0x0  }
0x93: {  	s26 =	sadd.s32 $0x9C90, s18;
	[sflag:s23] =	ssyncadd.s32 $0xFFFFEC00  }
0x94: {  	[spmem:s2] =	stream.indirect.scatter.add.f32 [tilespmem:s19], [sflag:$0x2], $0x40, s26, s16, $0xb8;
	[tilespmem:$0x1DA60] =	vst v63  }
0x95: {  	_ =	swait.ge [sflag:s13], $0x1400  }
0x96: {  	[sflag:s13] =	ssyncset.done $0x0  }
0x97: {  	s24 =	sadd.s32 $0x4FB0, s18;
	[sflag:s13] =	ssyncadd.s32 $0xFFFFEC00  }
0x98: {  	[tilespmem:s19], [sflag:$0x1] =	stream.indirect.gather [hbm4b:s4+s16], $0x40, s24, s16, $0xb8;
	[tilespmem:$0x1DA60] =	vst v63  }
0x99: {  	_ =	swait.ge [sflag:s23], $0x1400  }
0x9a: {  	[sflag:s23] =	ssyncset.done $0x0  }
0x9b: {  	s25 =	sadd.s32 $0x9CE0, s18;
	[sflag:s23] =	ssyncadd.s32 $0xFFFFEC00  }
0x9c: {  	[spmem:s2] =	stream.indirect.scatter.add.f32 [tilespmem:s21], [sflag:$0x2], $0x40, s25, s16, $0xb8;
	[tilespmem:$0x1DA60] =	vst v63  }
0x9d: {  	_ =	swait.ge [sflag:s13], $0x1400  }
0x9e: {  	[sflag:s13] =	ssyncset.done $0x0  }
0x9f: {  	s26 =	sadd.s32 $0x5000, s18;
	[sflag:s13] =	ssyncadd.s32 $0xFFFFEC00  }
0xa0: {  	[tilespmem:s21], [sflag:$0x1] =	stream.indirect.gather [hbm4b:s4+s16], $0x40, s26, s16, $0xb8;
	[tilespmem:$0x1DA60] =	vst v63  }
0xa1: {  	_ =	swait.ge [sflag:s23], $0x1400  }
0xa2: {  	[sflag:s23] =	ssyncset.done $0x0  }
0xa3: {  	s20 =	sadd.s32 $0x9D30, s18;
	[sflag:s23] =	ssyncadd.s32 $0xFFFFEC00  }
0xa4: {  	[spmem:s2] =	stream.indirect.scatter.add.f32 [tilespmem:s22], [sflag:$0x2], $0x40, s20, s16, $0xb8;
	[tilespmem:$0x1DA60] =	vst v63  }
0xa5: {  	_ =	swait.ge [sflag:s13], $0x1400  }
0xa6: {  	[sflag:s13] =	ssyncset.done $0x0  }
0xa7: {  	s24 =	simm.s32 $0x9B50;
	[sflag:s13] =	ssyncadd.s32 $0xFFFFEC00  }
0xa8: {  	[tilespmem:s22], [sflag:$0x1] =	stream.indirect.gather [hbm4b:s4+s16], $0x40, s24, s16, $0xb8;
	[tilespmem:$0x1DA60] =	vst v63  }
0xa9: {  	_ =	swait.ge [sflag:s23], $0x1400  }
0xaa: {  	[sflag:s23] =	ssyncset.done $0x0  }
0xab: {  	s25 =	simm.s32 $0xE880;
	[sflag:s23] =	ssyncadd.s32 $0xFFFFEC00  }
0xac: {  	[spmem:s2] =	stream.indirect.scatter.add.f32 [tilespmem:s17], [sflag:$0x2], $0x40, s25, s16, $0xb8;
	[tilespmem:$0x1DA60] =	vst v63  }
0xad: {  	_ =	swait.ge [sflag:s13], $0x1400  }
0xae: {  	[sflag:s13] =	ssyncset.done $0x0  }
0xaf: {  	[sflag:s13] =	ssyncadd.s32 $0xFFFFEC00  }
0xb0: {  	_ =	swait.ge [sflag:s23], $0x1400  }
0xb1: {  	[sflag:s23] =	ssyncset.done $0x0  }
0xb2: {  	s26 =	simm.s32 $0xE8D0;
	[sflag:s23] =	ssyncadd.s32 $0xFFFFEC00  }
0xb3: {  	[spmem:s2] =	stream.indirect.scatter.add.f32 [tilespmem:s19], [sflag:$0x2], $0x40, s26, s16, $0xb8;
	[tilespmem:$0x1DA60] =	vst v63  }
0xb4: {  	_ =	swait.ge [sflag:s13], $0x1400  }
0xb5: {  	[sflag:s13] =	ssyncset.done $0x0  }
0xb6: {  	[sflag:s13] =	ssyncadd.s32 $0xFFFFEC00  }
0xb7: {  	_ =	swait.ge [sflag:s23], $0x1400  }
0xb8: {  	[sflag:s23] =	ssyncset.done $0x0  }
0xb9: {  	[sflag:s23] =	ssyncadd.s32 $0xFFFFEC00  }
0xba: {  	[spmem:s2] =	stream.indirect.scatter.add.f32 [tilespmem:s21], [sflag:$0x2], $0x40, s28, s16, $0xb8;
	[tilespmem:$0x1DA60] =	vst v63  }
0xbb: {  	_ =	swait.ge [sflag:s13], $0x1400  }
0xbc: {  	[sflag:s13] =	ssyncset.done $0x0  }
0xbd: {  	[sflag:s13] =	ssyncadd.s32 $0xFFFFEC00  }
0xbe: {  	_ =	swait.ge [sflag:s23], $0x1400  }
0xbf: {  	[sflag:s23] =	ssyncset.done $0x0  }
0xc0: {  	[sflag:s23] =	ssyncadd.s32 $0xFFFFEC00  }
0xc1: {  	[spmem:s2] =	stream.indirect.scatter.add.f32 [tilespmem:s22], [sflag:$0x2], $0x40, s29, s16, $0xb8;
	[tilespmem:$0x1DA60] =	vst v63  }
0xc2: {  	_ =	swait.ge [sflag:s13], $0x1400  }
0xc3: {  	[sflag:s13] =	ssyncset.done $0x0  }
0xc4: {  	[sflag:s13] =	ssyncadd.s32 $0xFFFFEC00  }
0xc5: {  	[tilespmem:s17], [sflag:$0x1] =	stream.indirect.gather [hbm4b:s4+s16], $0x40, s30, s16, $0xb8;
	[tilespmem:$0x1DA60] =	vst v63  }
0xc6: {  	_ = 	snop  }
0xc7: {  	[tilespmem:s19], [sflag:$0x1] =	stream.indirect.gather [hbm4b:s4+s16], $0x40, s31, s16, $0xb8;
	[tilespmem:$0x1DA60] =	vst v63  }
0xc8: {  	_ =	swait.ge [sflag:s23], $0x1400  }
0xc9: {  	[sflag:s23] =	ssyncset.done $0x0  }
0xca: {  	[sflag:s23] =	ssyncadd.s32 $0xFFFFEC00  }
0xcb: {  	[spmem:s2] =	stream.indirect.scatter.add.f32 [tilespmem:s17], [sflag:$0x2], $0x40, s1, s16, $0xb8;
	[tilespmem:$0x1DA60] =	vst v63  }
0xcc: {  	_ =	swait.ge [sflag:s13], $0x1400  }
0xcd: {  	[sflag:s13] =	ssyncset.done $0x0  }
0xce: {  	[sflag:s13] =	ssyncadd.s32 $0xFFFFEC00  }
0xcf: {  	_ =	swait.ge [sflag:s23], $0x1400  }
0xd0: {  	[sflag:s23] =	ssyncset.done $0x0  }
0xd1: {  	[sflag:s23] =	ssyncadd.s32 $0xFFFFEC00  }
0xd2: {  	[spmem:s2] =	stream.indirect.scatter.add.f32 [tilespmem:s19], [sflag:$0x2], $0x40, s0, s16, $0xb8;
	[tilespmem:$0x1DA60] =	vst v63  }
0xd3: {  	_ =	swait.ge [sflag:s13], $0x1400  }
0xd4: {  	s15 =	sadd.s32 $0x1, s15;
	[sflag:s13] =	ssyncset.done $0x0  }
0xd5: {  	p0 =	sne.s32 s15, s11;
	[sflag:s13] =	ssyncadd.s32 $0xFFFFEC00  }
.Ltmp2:
0xd6: {  	[bflag:$0x0] =	sbarrier.arrive $0xFFFF;
	(pc) =	sbr.rel @p0 .LBB2_1-.Ltmp2, $4  }
0xd7: {  	[hbm:s10], [sflag:s6] =	dma.local [spmem:s12], $0x1400  }
0xd8: {  	_ =	swait.ge [sflag:s13], $0x1400  }
0xd9: {  	[sflag:s13] =	ssyncset.done $0x0  }
0xda: {  	[sflag:s13] =	ssyncadd.s32 $0xFFFFEC00  }
0xdb: {  	_ =	sfence.sel $0x180000  }
0xdc: {  	[bflag:$0x0] =	sbarrier.arrive $0xFFFF  }
0xdd: {  	_ =	strace $0x9000004D  }
0xde: {  	s0 =	stileid.u32;
	[bflag:$0x2] =	sbarrier.arrive $0xFFFF  }
0xdf: {  	p0 =	sne.s32 s0, $0x0;
	s0 =	rddreg [dreg:$0x4]  }
0xe0: {  	s0 =	sadd.s32 @!p0 $0x100000, s0  }
0xe1: {  	[sflag:s0] =	ssyncadd.tile.s32 @!p0 $0x1;
	_ =	shalt  }
.Lfunc_end2:
_tile_overlayer_lowered:
.L_overlay_start_2:
0xe2: {  	(tag) =	ssettag $0x2  }
0xe3: {  	s0 =	rddreg [dreg:$0x0];
	s2 =	stileid.u32  }
0xe4: {  	s1 =	rddreg [dreg:$0x1];
	p0 =	sne.s32 s2, $0x0  }
0xe5: {  	s3 =	rddreg [dreg:$0x2];
	[bflag:$0x3] =	sbarrier.arrive $0xFFFF;
	s2 =	simm.s32 @!p0 $0x1C02  }
0xe6: {  	[timem:s3], [sflag:s2] =	dma.local @!p0 [hbm:s0], s1  }
0xe7: {  	s0 =	simm.s32 @!p0 $0x2  }
0xe8: {  	_ =	swait.ge @!p0 [sflag:s0], s1  }
0xe9: {  	s1 =	ssub.s32 @!p0 $0x0, s1;
	[sflag:s0] =	ssyncset.done @!p0 $0x0  }
0xea: {  	[sflag:s0] =	ssyncadd.s32 @!p0 s1  }
0xeb: {  	[bflag:$0x3] =	sbarrier.arrive $0xFFFF  }
0xec: {  	_ =	shalt  }

// kernel: kernel.9.cloned.1.call-start
scs
__scs_entry_jumppad:
0x0: {  	(pc) =	sbr.rel $0x88, $3  }
0x1: {  	(tag) =	ssettag $0x0;
	lr =	simm.s32 $0x1  }
0x2: {  	[smem:$0x3F98] =	sst lr;
	_ =	strace $0xD0000000  }
0x3: {  	_ = 	snop  }
0x4: {  	_ = 	snop  }
0x5: {  	_ = 	snop  }
0x6: {  	_ = 	snop  }
0x7: {  	_ = 	snop  }
__scs_overlays_trampoline_lowered:
0x8: {  	[smem:$0x3FA7] =	sst s0  }
0x9: {  	[smem:$0x3FA8] =	sst s1  }
0xa: {  	[smem:$0x3FA9] =	sst s2  }
0xb: {  	[smem:$0x3FAA] =	sst s3  }
0xc: {  	[smem:$0x3FAB] =	sst s4  }
0xd: {  	[smem:$0x3FAC] =	sst s5  }
0xe: {  	[smem:$0x3FAD] =	sst s6  }
0xf: {  	[smem:$0x3FAE] =	sst s7  }
0x10: {  	[smem:$0x3FAF] =	sst s8  }
0x11: {  	[smem:$0x3FB0] =	sst s9;
	s0 =	simm.s32 @!p0 $0x0  }
0x12: {  	s1 =	sld [smem:$0x3F96];
	s0 =	simm.s32 @p0 $0x1  }
0x13: {  	[smem:$0x3FB1] =	sst s0;
	s0 =	simm.s32 @!p1 $0x0  }
0x14: {  	s2 =	sld [smem:$0x3F95];
	s0 =	simm.s32 @p1 $0x1  }
0x15: {  	[smem:$0x3FB2] =	sst s0;
	s0 =	simm.s32 @!p2 $0x0  }
0x16: {  	s3 =	sld [smem:$0x3FDB];
	s0 =	simm.s32 @p2 $0x1  }
0x17: {  	s4 =	simm.s32 $0x1BF5;
	[smem:$0x3FB4] =	sst s0  }
0x18: {  	s0 =	sld [smem:$0x3F97];
	_ =	swait.ge [sflag:s4], $0x0  }
0x19: {  	s7 =	sld [smem:$0x3F98]  }
0x1a: {  	s8 =	sadd.s32 $0xFFFFE003, lr  }
0x1b: {  	s9 =	sadd.s32 $0xFFFFFEF7, lr;
	s5 =	simm.s32 $0xFFFFFFFF;
	p2 =	slt.u32 s8, $0xFFFFF086  }
0x1c: {  	p1 =	slt.u32 s9, $0xF7A;
	s5 =	simm.s32 @!p2 $0x0  }
0x1d: {  	s5 =	simm.s32 @p1 $0x1;
	p0 =	seq.s32 s7, s2  }
0x1e: {  	s7 =	smul.u32 @!p0 $0xF7A, s2;
	p2 =	seq.s32 @!p0 s5, $0x0  }
0x1f: {  	s9 =	smul.u32 $0xF7A, s1;
	s8 =	simm.s32 @!p0 $0x1BF5;
	p2 =	por !p2, p0  }
0x20: {  	[sflag:s8] =	ssyncset.s32 @!p0 $0xFFFFF086;
	s6 =	sadd.s32 @!p0 s3, s7;
	s7 =	simm.s32 @!p0 $0x108  }
0x21: {  	s3 =	sadd.s32 s3, s9;
	s6 =	sadd.s32 @!p0 $0x88, s6;
	s7 =	simm.s32 @p2 $0x1082  }
0x22: {  	[simem:s7], [sflag:s8] =	dma.local @!p0 [hbm:s6], $0xF7A  }
0x23: {  	s9 =	sor.u32 $0xD0000000, s2;
	s6 =	simm.s32 $0x108;
	_ =	swait.ge @!p0 [sflag:s8], $0x0  }
0x24: {  	s3 =	sadd.s32 $0x88, s3;
	s6 =	simm.s32 @!p1 $0x1082;
	[sflag:s4] =	ssyncset.s32 $0xFFFFF086  }
0x25: {  	[simem:s6], [sflag:s4] =	dma.local [hbm:s3], $0xF7A  }
0x26: {  	[smem:$0x3F98] =	sst s1;
	(tag) =	ssettag s2;
	_ =	strace s9  }
0x27: {  	s1 =	sld [smem:$0x3FA8]  }
0x28: {  	s2 =	sld [smem:$0x3FA9]  }
0x29: {  	s4 =	sld [smem:$0x3FAB]  }
0x2a: {  	p0 =	seq.s32 s5, $0x0;
	s5 =	sld [smem:$0x3FAC]  }
0x2b: {  	s6 =	sld [smem:$0x3FAD]  }
0x2c: {  	s7 =	sld [smem:$0x3FAE]  }
0x2d: {  	s3 =	simm.s32 $0x108;
	s8 =	sld [smem:$0x3FAF]  }
0x2e: {  	s3 =	simm.s32 @!p0 $0x1082;
	s9 =	sld [smem:$0x3FB0]  }
0x2f: {  	lr =	sadd.s32 s0, s3;
	s0 =	sld [smem:$0x3FA7]  }
0x30: {  	s3 =	sld [smem:$0x3FAA]  }
0x31: {  	[smem:$0x3FB3] =	sst s10  }
0x32: {  	s10 =	sld [smem:$0x3FB1];
	_ =	sdelay $0x3  }
0x33: {  	p0 =	seq.s32 s10, $0x1;
	s10 =	sld [smem:$0x3FB3];
	_ =	sdelay $0x3  }
0x34: {  	[smem:$0x3FB3] =	sst s10  }
0x35: {  	s10 =	sld [smem:$0x3FB2];
	_ =	sdelay $0x3  }
0x36: {  	p1 =	seq.s32 s10, $0x1;
	s10 =	sld [smem:$0x3FB3];
	_ =	sdelay $0x3  }
0x37: {  	[smem:$0x3FB3] =	sst s10  }
0x38: {  	s10 =	sld [smem:$0x3FB4]  }
0x39: {  	_ = 	snop;
	(pc) =	sbr.ind lr, $3  }
0x3a: {  	_ = 	snop  }
0x3b: {  	_ = 	snop  }
0x3c: {  	p2 =	seq.s32 s10, $0x1;
	s10 =	sld [smem:$0x3FB3]  }
0x3d: {  	_ =	shalt  }
0x3e: {  	_ =	shalt  }
0x3f: {  	_ =	shalt  }
0x40: {  	_ =	shalt  }
0x41: {  	_ =	shalt  }
0x42: {  	_ =	shalt  }
0x43: {  	_ =	shalt  }
0x44: {  	_ =	shalt  }
0x45: {  	_ =	shalt  }
0x46: {  	_ =	shalt  }
0x47: {  	_ =	shalt  }
0x48: {  	_ =	shalt  }
0x49: {  	_ =	shalt  }
0x4a: {  	_ =	shalt  }
0x4b: {  	_ =	shalt  }
0x4c: {  	_ =	shalt  }
0x4d: {  	_ =	shalt  }
0x4e: {  	_ =	shalt  }
0x4f: {  	_ =	shalt  }
0x50: {  	_ =	shalt  }
0x51: {  	_ =	shalt  }
0x52: {  	_ =	shalt  }
0x53: {  	_ =	shalt  }
0x54: {  	_ =	shalt  }
0x55: {  	_ =	shalt  }
0x56: {  	_ =	shalt  }
0x57: {  	_ =	shalt  }
0x58: {  	_ =	shalt  }
0x59: {  	_ =	shalt  }
0x5a: {  	_ =	shalt  }
0x5b: {  	_ =	shalt  }
0x5c: {  	_ =	shalt  }
0x5d: {  	_ =	shalt  }
0x5e: {  	_ =	shalt  }
0x5f: {  	_ =	shalt  }
0x60: {  	_ =	shalt  }
0x61: {  	_ =	shalt  }
0x62: {  	_ =	shalt  }
0x63: {  	_ =	shalt  }
0x64: {  	_ =	shalt  }
0x65: {  	_ =	shalt  }
0x66: {  	_ =	shalt  }
0x67: {  	_ =	shalt  }
0x68: {  	_ =	shalt  }
0x69: {  	_ =	shalt  }
0x6a: {  	_ =	shalt  }
0x6b: {  	_ =	shalt  }
0x6c: {  	_ =	shalt  }
0x6d: {  	_ =	shalt  }
0x6e: {  	_ =	shalt  }
0x6f: {  	_ =	shalt  }
0x70: {  	_ =	shalt  }
0x71: {  	_ =	shalt  }
0x72: {  	_ =	shalt  }
0x73: {  	_ =	shalt  }
0x74: {  	_ =	shalt  }
0x75: {  	_ =	shalt  }
0x76: {  	_ =	shalt  }
0x77: {  	_ =	shalt  }
0x78: {  	_ =	shalt  }
0x79: {  	_ =	shalt  }
0x7a: {  	_ =	shalt  }
0x7b: {  	_ =	shalt  }
0x7c: {  	_ =	shalt  }
0x7d: {  	_ =	shalt  }
0x7e: {  	_ =	shalt  }
0x7f: {  	_ =	shalt  }
0x80: {  	_ =	shalt  }
0x81: {  	_ =	shalt  }
0x82: {  	_ =	shalt  }
0x83: {  	_ =	shalt  }
0x84: {  	_ =	shalt  }
0x85: {  	_ =	shalt  }
0x86: {  	_ =	shalt  }
0x87: {  	_ =	shalt  }
.Lfunc_end0:
.L_simem_size_0:
called_computation_lowered:
.L_overlay_start_0:
0x88: {  	s2 =	sld [smem:$0x3FD9]  }
0x89: {  	s3 =	sld [smem:$0x3FFE];
	_ =	sdelay $0x1  }
0x8a: {  	s1 =	srdreg.scid  }
0x8b: {  	s0 =	sand.u32 $0x1, s1  }
0x8c: {  	s17 =	sshll.u32 s0, $0xA;
	s2 =	sadd.s32 s3, s2  }
0x8d: {  	s2 =	sadd.s32 s2, s17  }
0x8e: {  	[smem:$0x3FBF] =	sst s2  }
0x8f: {  	_ = 	snop  }
0x90: {  	s2 =	sld [smem:$0x3FD0];
	(tm) =	ssettm $0x1  }
0x91: {  	s18 =	sld [smem:$0x3FFB];
	_ =	sdelay $0x3  }
0x92: {  	_ =	strace s18  }
0x93: {  	s3 =	sld [smem:$0x3FFC];
	_ =	sdelay $0x3  }
0x94: {  	_ =	strace s3  }
0x95: {  	s3 =	sld [smem:$0x3FFD];
	_ =	sdelay $0x3  }
0x96: {  	_ =	strace s3  }
0x97: {  	_ =	strace $0x8FFFFFFF  }
0x98: {  	s19 =	sld [smem:$0x3FDB];
	_ =	sdelay $0x1  }
0x99: {  	s4 =	simm.s32 $_scs_section_size  }
0x9a: {  	s5 =	simm.s32 $_size__tile_overlayer_lowered;
	s6 =	simm.s32 $_tile_overlayer_lowered  }
0x9b: {  	s22 =	simm.s32 $0x1BFF;
	s21 =	sshll.u32 s6, $0x1;
	s3 =	sadd.s32 s4, s19  }
0x9c: {  	s7 =	simm.s32 $0x0;
	s20 =	sshll.u32 s5, $0x1;
	s5 =	sadd.s32 s21, s3  }
0x9d: {  	[timem:s7], [sflag:s22] =	dma.local [hbm:s5], s20  }
0x9e: {  	_ =	swait.ge [sflag:s22], s20  }
0x9f: {  	s4 =	ssub.s32 $0x0, s20;
	[sflag:s22] =	ssyncset.done $0x0  }
0xa0: {  	[sflag:s22] =	ssyncadd.s32 s4;
	_ =	sdelay $0x1  }
0xa1: {  	s23 =	simm.s32 $0x1B8B  }
0xa2: {  	_ =	swait.ge [sflag:s23], $0x1  }
0xa3: {  	[sflag:s23] =	ssyncset.done $0x0  }
0xa4: {  	s25 =	simm.s32 $0x1B8E;
	s24 =	sld [smem:$0x3FFE];
	[sflag:s23] =	ssyncadd.s32 $0xFFFFFFFF  }
0xa5: {  	s26 =	simm.s32 $execute0_lowered;
	[smem:$0x3FD2] =	sst s25  }
0xa6: {  	s5 =	sshll.u32 s26, $0x1;
	_ =	strace $0x80000046;
	[dreg:$0x1] =	wrdreg $0xFFFFFFFF  }
0xa7: {  	s28 =	simm.s32 $_size_execute0_lowered;
	s3 =	sadd.s32 s3, s5;
	[dreg:$0x0] =	wrdreg $0x0  }
0xa8: {  	s5 =	sshll.u32 s28, $0x1;
	[dreg:$0x2] =	wrdreg s3  }
0xa9: {  	[dreg:$0x3] =	wrdreg s5  }
0xaa: {  	[dreg:$0x4] =	wrdreg $0xC0  }
0xab: {  	_ =	task [dreg:s7], $0x5FFFF  }
0xac: {  	[dreg:$0x1] =	wrdreg $0xFFFFFFFF  }
0xad: {  	[dreg:$0x0] =	wrdreg $0x60  }
0xae: {  	[dreg:$0x2] =	wrdreg s24  }
0xaf: {  	[dreg:$0x3] =	wrdreg s2  }
0xb0: {  	[dreg:$0x4] =	wrdreg $0x53200  }
0xb1: {  	[dreg:$0x5] =	wrdreg $0x9  }
0xb2: {  	_ =	task.clear_ibuf [dreg:s7], $0x6FFFF;
	_ =	strace $0x90000046  }
0xb3: {  	s29 =	simm.s32 $0x9;
	_ =	strace $0x80000048  }
0xb4: {  	_ =	swait.ge [sflag:s29], $0x1  }
0xb5: {  	[sflag:s29] =	ssyncadd.s32 $0xFFFFFFFF  }
0xb6: {  	_ =	strace $0x90000048  }
0xb7: {  	_ =	sfence  }
0xb8: {  	s30 =	sld [smem:$0x0];
	_ =	sdelay $0x2  }
0xb9: {  	s31 =	sshll.u32 s1, $0xD;
	s1 =	sshrl.u32 s1, $0x2  }
0xba: {  	s3 =	sand.u32 $0x4000, s31;
	s1 =	sadd.s32 s1, s30  }
0xbb: {  	s0 =	sor.u32 s3, s0;
	s1 =	sshll.u32 s1, $0x11  }
0xbc: {  	s0 =	sor.u32 s1, s0  }
0xbd: {  	s0 =	sadd.s32 $0x8F2B, s0  }
0xbe: {  	[sflag:s0] =	ssyncadd.remote.s32 $0x1  }
0xbf: {  	_ =	sfence.sel $0xFFFF  }
0xc0: {  	[dreg:$0x0] =	wrdreg $0xFFFFFFFF;
	(pc) =	sbr.abs _section_cstart, $3  }
0xc1: {  	[dreg:$0x1] =	wrdreg $0xFFFFFFFF  }
0xc2: {  	_ =	task.clear_ibuf [dreg:s7], $0x2FFFF;
	_ =	strace $0x9FFFFFFF  }
0xc3: {  	(tm) =	ssettm $0x7FFFFFFF  }
tec
execute0_lowered:
.L_overlay_start_1:
0x0: {  	(tag) =	ssettag $0x1  }
0x1: {  	s4 =	rddreg [dreg:$0x0]  }
0x2: {  	s7 =	rddreg [dreg:$0x1]  }
0x3: {  	s2 =	rddreg [dreg:$0x2]  }
0x4: {  	s0 =	rddreg [dreg:$0x3];
	s1 =	stileid.u32  }
0x5: {  	s3 =	simm.s32 $0x0;
	s6 =	srdreg.scid;
	s13 =	simm.s32 $0x4E20  }
0x6: {  	s14 =	simm.s32 $0x0;
	s5 =	smul.u32 $0x9C4, s1;
	[smem:$0x7FF] =	sst s3  }
0x7: {  	s8 =	smul.u32 $0x2800, s1;
	s6 =	sand.u32 $0x1, s6;
	s30 =	sshll.u32 s1, $0x6  }
0x8: {  	_ =	strace $0x80000047;
	s26 =	ssub.s32 $0x2, s6;
	s12 =	smul.u32 $0x28000, s6  }
0x9: {  	s31 =	smul.u32 $0x9C40, s6;
	s9 =	sadd.s32 s5, s4;
	s10 =	sshrl.u32 s8, $0x3  }
0xa: {  	s11 =	sshrl.u32 s26, $0x1;
	s29 =	sadd.s32 s8, s2;
	s5 =	sor.u32 $0x1C01, s30  }
0xb: {  	s4 =	sadd.s32 s10, s4;
	s28 =	ssub.s32 s26, s11;
	s8 =	sadd.s32 s8, s12  }
0xc: {  	s6 =	sadd.s32 $0x3200, s9;
	s9 =	sshrl.u32 s31, $0x2;
	s10 =	sshrl.u32 s29, $0x3  }
0xd: {  	s11 =	simm.s32 $0x1;
	s12 =	simm.s32 $0x50;
	s8 =	sshrl.u32 s8, $0x3  }
0xe: {  	v0 =	vimm.f32 $1.000000000e+00;
	s4 =	sadd.s32 $0x16E00, s4;
	s7 =	sadd.s32 s7, s8;
	s8 =	smax.u32 s28, $0x1  }
.LBB2_1:
0xf: {  	[spmem:s10], [sflag:s5] =	dma.local [hbm:s4], $0x500  }
0x10: {  	_ =	swait.ge [sflag:s11], $0x500  }
0x11: {  	[sflag:s11] =	ssyncset.done $0x0  }
0x12: {  	[sflag:s11] =	ssyncadd.s32 $0xFFFFFB00  }
0x13: {  	[tilespmem:s3], [sflag:$0x1] =	stream.linear.gather [hbm4b:s6+s3], $0x4E20, $0x38;
	[tilespmem:$0x7B20] =	vst v63  }
0x14: {  	_ =	swait.ge [sflag:s11], $0x4E20  }
0x15: {  	[sflag:s11] =	ssyncset.done $0x0  }
0x16: {  	s15 =	simm.s32 $0x40;
	s16 =	simm.s32 $0x0;
	[sflag:s11] =	ssyncadd.s32 $0xFFFFB1E0  }
.LBB2_2:
0x17: {  	p0 =	sne.s32 s15, $0x13C0;
	[tilespmem:s16+$0x4E20] =	vst v0;
	s16 =	smov.u32 s15;
	s15 =	sadd.s32 $0x40, s15  }
.Ltmp0:
0x18: {  	(pc) =	sbr.rel @p0 .LBB2_2-.Ltmp0, $2  }
0x19: {  	_ =	sdelay $0x2  }
0x1a: {  	s16 =	sshra.s32 s16, $0x2  }
0x1b: {  	[tilespmem:s16+$0x4E20] =	vst v0  }
0x1c: {  	s15 =	sadd.s32 $0x0, s9;
	[bflag:$0x0] =	sbarrier.arrive $0xFFFF  }
0x1d: {  	[spmem:s2] =	stream.indirect.scatter.add.f32 [tilespmem:s13], [sflag:$0x1], $0x10, s15, s12, $0xb8;
	[tilespmem:$0x7B20] =	vst v63  }
0x1e: {  	s15 =	simm.s32 $0x140;
	_ =	swait.ge [sflag:s11], $0x500  }
.LBB2_4:
0x1f: {  	s16 =	sshra.s32 s15, $0x2;
	[sflag:s11] =	ssyncset.done $0x0;
	p0 =	sne.s32 s15, $0x9B00  }
.Ltmp1:
0x20: {  	s16 =	sadd.s32 s16, s9;
	[sflag:s11] =	ssyncadd.s32 $0xFFFFFB00;
	(pc) =	sbr.rel @p0 .LBB2_4-.Ltmp1, $3  }
0x21: {  	[spmem:s2] =	stream.indirect.scatter.add.f32 [tilespmem:s13], [sflag:$0x1], $0x10, s16, s12, $0xb8;
	[tilespmem:$0x7B20] =	vst v63  }
0x22: {  	s15 =	sadd.s32 $0x140, s15;
	_ =	sdelay $0x1  }
0x23: {  	_ =	swait.ge [sflag:s11], $0x500  }
0x24: {  	[sflag:s11] =	ssyncset.done $0x0;
	s14 =	sadd.s32 $0x1, s14  }
0x25: {  	[sflag:s11] =	ssyncadd.s32 $0xFFFFFB00;
	p0 =	sne.s32 s14, s8  }
.Ltmp2:
0x26: {  	[bflag:$0x0] =	sbarrier.arrive $0xFFFF;
	(pc) =	sbr.rel @p0 .LBB2_1-.Ltmp2, $4  }
0x27: {  	[hbm:s7], [sflag:s5] =	dma.local [spmem:s10], $0x500  }
0x28: {  	_ =	swait.ge [sflag:s11], $0x500  }
0x29: {  	[sflag:s11] =	ssyncset.done $0x0  }
0x2a: {  	[sflag:s11] =	ssyncadd.s32 $0xFFFFFB00  }
0x2b: {  	_ =	sfence.sel $0x180000  }
0x2c: {  	[bflag:$0x0] =	sbarrier.arrive $0xFFFF  }
0x2d: {  	p0 =	sne.s32 s1, $0x0;
	_ =	strace $0x90000047  }
0x2e: {  	s0 =	sadd.s32 @!p0 $0x100000, s0;
	[bflag:$0x2] =	sbarrier.arrive $0xFFFF  }
0x2f: {  	[sflag:s0] =	ssyncadd.tile.s32 @!p0 $0x1;
	_ =	shalt  }
.Lfunc_end2:
_tile_overlayer_lowered:
.L_overlay_start_2:
0x30: {  	(tag) =	ssettag $0x2  }
0x31: {  	s0 =	rddreg [dreg:$0x0];
	s2 =	stileid.u32  }
0x32: {  	s1 =	rddreg [dreg:$0x1];
	p0 =	sne.s32 s2, $0x0  }
0x33: {  	s3 =	rddreg [dreg:$0x2];
	[bflag:$0x3] =	sbarrier.arrive $0xFFFF;
	s2 =	simm.s32 @!p0 $0x1C01  }
0x34: {  	[timem:s3], [sflag:s2] =	dma.local @!p0 [hbm:s0], s1  }
0x35: {  	s0 =	simm.s32 @!p0 $0x1  }
0x36: {  	_ =	swait.ge @!p0 [sflag:s0], s1  }
0x37: {  	s1 =	ssub.s32 @!p0 $0x0, s1;
	[sflag:s0] =	ssyncset.done @!p0 $0x0  }
0x38: {  	[sflag:s0] =	ssyncadd.s32 @!p0 s1  }
0x39: {  	[bflag:$0x3] =	sbarrier.arrive $0xFFFF  }
0x3a: {  	_ =	shalt  }

</sc_bundles>
